<compile_context>
chip_gen: v7x
topology: tpu7x:2x2x1
jax: 0.10.2.dev20260603
libtpu: 0.0.44.dev20260713+nightly
codegen_flags: <defaults>
</compile_context>

<pallas_src>
import dataclasses
import functools

import jax
import jax.numpy as jnp
from jax import lax
from jax.experimental import pallas as pl
from jax.experimental.pallas import tpu as pltpu
from jax.experimental.pallas import tpu_sc as plsc

_F = 26
_V = 100000
_D = 16
_FD = _F * _D
_BT = 1024

_NC = 2
_NS = 16
_NW = _NC * _NS
_CH = 128


def _pad_body(w_ref, o_ref):
    w = w_ref[...]
    o_ref[...] = jnp.concatenate([w, w[:250, :]], axis=0)


def _pad_w(w_first):
    wbig = pl.pallas_call(
        _pad_body,
        in_specs=[pl.BlockSpec((6250, 416), lambda: (0, 0))],
        out_specs=pl.BlockSpec((6500, 416), lambda: (0, 0)),
        out_shape=jax.ShapeDtypeStruct((6500, 416), jnp.float32),
    )(w_first.reshape(6250, 416))
    return wbig.reshape(21125, 128)


def _sc_compiler_params():
    cp = pltpu.CompilerParams()
    if "needs_layout_passes" in pltpu.CompilerParams.__dataclass_fields__:
        cp = dataclasses.replace(cp, needs_layout_passes=False)
    return cp


def _sc_gather(eidx8, epm, widx, wsel, tblw, w128):
    n = eidx8.shape[0]
    per_w = n // _NW
    n_chunks = per_w // _CH
    mesh = plsc.VectorSubcoreMesh(core_axis_name="c", subcore_axis_name="s")

    @functools.partial(
        pl.kernel,
        mesh=mesh,
        out_type=(jax.ShapeDtypeStruct((n, _D), jnp.float32),
                  jax.ShapeDtypeStruct((n,), jnp.float32)),
        scratch_types=[
            pltpu.VMEM((_CH,), jnp.int32),
            pltpu.VMEM((_CH,), jnp.int32),
            pltpu.VMEM((_CH,), jnp.int32),
            pltpu.VMEM((_CH,), jnp.int32),
            pltpu.VMEM((_CH, 128), jnp.float32),
            pltpu.VMEM((_CH, 128), jnp.float32),
            pltpu.VMEM((_CH, _D), jnp.float32),
            pltpu.VMEM((_CH,), jnp.float32),
            pltpu.SemaphoreType.DMA,
            pltpu.SemaphoreType.DMA,
        ],
        compiler_params=_sc_compiler_params(),
    )
    def kern(tblw_hbm, w128_hbm, eidx_hbm, epm_hbm, widx_hbm, wsel_hbm,
             e_out, w_out,
             eidx_v, epm_v, widx_v, wsel_v, erows_v, wrows_v, eo_v, wo_v,
             sem_e, sem_w):
        wid = lax.axis_index("s") * _NC + lax.axis_index("c")

        @pl.loop(0, n_chunks)
        def _(c):
            base = wid * per_w + c * _CH
            pltpu.sync_copy(eidx_hbm.at[pl.ds(base, _CH)], eidx_v)
            pltpu.sync_copy(epm_hbm.at[pl.ds(base, _CH)], epm_v)
            pltpu.sync_copy(widx_hbm.at[pl.ds(base, _CH)], widx_v)
            pltpu.sync_copy(wsel_hbm.at[pl.ds(base, _CH)], wsel_v)
            cp_e = pltpu.async_copy(tblw_hbm.at[eidx_v], erows_v, sem_e)
            cp_w = pltpu.async_copy(w128_hbm.at[widx_v], wrows_v, sem_w)
            cp_e.wait()
            cp_w.wait()
            iota = lax.iota(jnp.int32, 16)
            for r0 in range(0, _CH, 16):
                rows = iota + r0
                epm16 = epm_v[pl.ds(r0, 16)]
                for d in range(_D):
                    vals = plsc.load_gather(erows_v, [rows, epm16 + d])
                    plsc.store_scatter(
                        eo_v, [rows, jnp.full((16,), d, jnp.int32)], vals)
                wsel16 = wsel_v[pl.ds(r0, 16)]
                wvals = plsc.load_gather(wrows_v, [rows, wsel16])
                wo_v[pl.ds(r0, 16)] = wvals
            pltpu.sync_copy(eo_v, e_out.at[pl.ds(base, _CH)])
            pltpu.sync_copy(wo_v, w_out.at[pl.ds(base, _CH)])

    return kern(tblw, w128, eidx8, epm, widx, wsel)


def _afm_body(e_ref, wv_ref, wrep_ref, hrep_ref, prep_ref, bt_ref, bias_ref,
              o_ref):
    Eb = e_ref[...].astype(jnp.bfloat16)
    Wrep = wrep_ref[...]
    Hrep = hrep_ref[...]
    Prep = prep_ref[...]
    bt = bt_ref[...]

    scores = []
    svals = []
    for i in range(_F):
        ei = Eb[:, i * _D:(i + 1) * _D]
        inter = jnp.concatenate([ei] * _F, axis=1) * Eb
        z = jnp.dot(inter, Wrep, preferred_element_type=jnp.float32)
        h = jnp.maximum(z + bt, 0.0).astype(jnp.bfloat16)
        scores.append(jnp.dot(h, Hrep, preferred_element_type=jnp.float32))
        svals.append(jnp.dot(inter, Prep, preferred_element_type=jnp.float32))

    s = jnp.concatenate(scores, axis=1)
    v = jnp.concatenate(svals, axis=1)
    lane = jax.lax.broadcasted_iota(jnp.int32, s.shape, 1)
    s = jnp.where(lane % (_F + 1) == 0, -jnp.inf, s)
    m = jnp.max(s, axis=1, keepdims=True)
    es = jnp.exp(s - m)
    att = (jnp.sum(es * v, axis=1, keepdims=True)
           / jnp.sum(es, axis=1, keepdims=True))
    first = jnp.sum(wv_ref[...], axis=1, keepdims=True)
    o_ref[...] = jax.nn.sigmoid(bias_ref[...] + first + att)


def _tc_attention(e2d, wv2d, wrep, hrep, prep, btile, bias2d):
    b = e2d.shape[0]
    return pl.pallas_call(
        _afm_body,
        grid=(b // _BT,),
        in_specs=[
            pl.BlockSpec((_BT, _FD), lambda i: (i, 0)),
            pl.BlockSpec((_BT, _F), lambda i: (i, 0)),
            pl.BlockSpec((_FD, _FD), lambda i: (0, 0)),
            pl.BlockSpec((_FD, _F), lambda i: (0, 0)),
            pl.BlockSpec((_FD, _F), lambda i: (0, 0)),
            pl.BlockSpec((1, _FD), lambda i: (0, 0)),
            pl.BlockSpec((1, 1), lambda i: (0, 0)),
        ],
        out_specs=pl.BlockSpec((_BT, 1), lambda i: (i, 0)),
        out_shape=jax.ShapeDtypeStruct((b, 1), jnp.float32),
    )(e2d, wv2d, wrep, hrep, prep, btile, bias2d)


def kernel(inputs, emb_tables, w_first, att_W, att_b, att_h, att_p, bias):
    b, f = inputs.shape
    offs = (jnp.arange(f, dtype=inputs.dtype) * _V)[None, :]
    flat = (inputs + offs).reshape(b * f)
    eidx8 = flat // 8
    epm = (flat % 8) * _D
    widx = flat // 128
    wsel = flat % 128
    tblw = emb_tables.reshape(f * _V // 8, 128)
    w128 = _pad_w(w_first)

    egath, wvals = _sc_gather(eidx8, epm, widx, wsel, tblw, w128)
    e2d = egath.reshape(b, f * _D)
    wv2d = wvals.reshape(b, f)

    eye = jnp.eye(f, dtype=jnp.float32)
    wrep = jnp.kron(eye, att_W).astype(jnp.bfloat16)
    hrep = jnp.kron(eye, att_h[:, None]).astype(jnp.bfloat16)
    prep = jnp.kron(eye, att_p[:, None]).astype(jnp.bfloat16)
    btile = jnp.tile(att_b, f)[None, :]
    bias2d = bias.reshape(1, 1)

    return _tc_attention(e2d, wv2d, wrep, hrep, prep, btile, bias2d)

# --- scband reference (transcript-rebuilt; emitter-appended) ---
"""Pipeline reference for scband-afm-223338300207 (READ-ONLY COPY).

The authoritative reference and input builder live on the scoring server;
editing this copy changes nothing except your own understanding.
"""

import jax, jax.numpy as jnp
import numpy as np

N_FIELDS = 26
VOCAB = 100000
EMBED_DIM = 16
ATT_K = 16
BATCH = 4096


def setup_inputs(seed: int = 0) -> dict:
    key = jax.random.key(seed)
    ks = jax.random.split(key, 8)
    inputs = jax.random.randint(ks[0], (BATCH, N_FIELDS), 0, VOCAB, dtype=jnp.int32)
    # stacked per-field embedding tables [F, vocab, d] (all fields share feat_num/embed_dim)
    emb_tables = jax.random.normal(ks[1], (N_FIELDS, VOCAB, EMBED_DIM), dtype=jnp.float32) * 0.05
    # FM first-order weights over the concatenated (offset) feature space
    w_first = jax.random.normal(ks[2], (N_FIELDS * VOCAB, 1), dtype=jnp.float32) * 0.05
    # Attention network params (hidden size k)
    att_W = jax.random.normal(ks[3], (EMBED_DIM, ATT_K), dtype=jnp.float32) * 0.05
    att_b = jnp.zeros((ATT_K,), dtype=jnp.float32)
    att_h = jax.random.normal(ks[4], (ATT_K,), dtype=jnp.float32) * 0.05
    att_p = jax.random.normal(ks[5], (EMBED_DIM,), dtype=jnp.float32) * 0.05
    bias = jnp.zeros((1,), dtype=jnp.float32)
    return {"inputs": inputs, "emb_tables": emb_tables, "w_first": w_first,
            "att_W": att_W, "att_b": att_b, "att_h": att_h, "att_p": att_p, "bias": bias}


def reference(inputs, emb_tables, w_first, att_W, att_b, att_h, att_p, bias):
    B, F = inputs.shape
    # per-field embedding lookup: embed_list[i] = Embedding_i(inputs[:, i])
    embeds = jax.vmap(lambda tbl, idx: jnp.take(tbl, idx, axis=0), in_axes=(0, 1), out_axes=1)(
        emb_tables, inputs)  # [B, F, d]
    # FM first order on offset indices (sparse_feat + index_mapping)
    offsets = jnp.arange(F, dtype=inputs.dtype) * VOCAB
    flat_idx = inputs + offsets[None, :]
    first_order = jnp.sum(jnp.take(w_first, flat_idx, axis=0)[..., 0], axis=1, keepdims=True)  # [B, 1]
    # FM second order: element-wise products of all embedding pairs (i < j)
    ii, jj = np.triu_indices(F, k=1)
    inter = embeds[:, ii, :] * embeds[:, jj, :]  # [B, n_pairs, d]
    # AFM attention: a = softmax(h^T relu(W p_ij + b)); out = p^T sum_ij a_ij * p_ij
    att_hidden = jax.nn.relu(inter @ att_W + att_b)      # [B, n_pairs, k]
    att_score = att_hidden @ att_h                        # [B, n_pairs]
    att_weight = jax.nn.softmax(att_score, axis=1)        # [B, n_pairs]
    att_out = jnp.sum(att_weight[..., None] * inter, axis=1)  # [B, d]
    attention_outputs = (att_out @ att_p)[:, None]        # [B, 1]
    y = jax.nn.sigmoid(bias + first_order + attention_outputs)
    return y

if __name__ == "__main__":
    import jax
    _d = setup_inputs()
    print(jax.jit(kernel)(*tuple(_d.values())))

</pallas_src>

<mosaic_0001>
#map = affine_map<(d0, d1) -> (0, 0)>
#map1 = affine_map<(d0, d1) -> (0)>
module attributes {stable_mosaic.version = 14 : i64} {
  func.func @kern(%arg0: i32, %arg1: i32, %arg2: memref<325000x128xf32, #tpu.memory_space<hbm>>, %arg3: memref<21125x128xf32, #tpu.memory_space<hbm>>, %arg4: memref<106496xi32, #tpu.memory_space<hbm>>, %arg5: memref<106496xi32, #tpu.memory_space<hbm>>, %arg6: memref<106496xi32, #tpu.memory_space<hbm>>, %arg7: memref<106496xi32, #tpu.memory_space<hbm>>, %arg8: memref<106496x16xf32, #tpu.memory_space<hbm>>, %arg9: memref<106496xf32, #tpu.memory_space<hbm>>, %arg10: memref<128xi32, #tpu.memory_space<vmem>>, %arg11: memref<128xi32, #tpu.memory_space<vmem>>, %arg12: memref<128xi32, #tpu.memory_space<vmem>>, %arg13: memref<128xi32, #tpu.memory_space<vmem>>, %arg14: memref<128x128xf32, #tpu.memory_space<vmem>>, %arg15: memref<128x128xf32, #tpu.memory_space<vmem>>, %arg16: memref<128x16xf32, #tpu.memory_space<vmem>>, %arg17: memref<128xf32, #tpu.memory_space<vmem>>, %arg18: memref<!tpu.dma_semaphore, #tpu.memory_space<semaphore_mem>>, %arg19: memref<!tpu.dma_semaphore, #tpu.memory_space<semaphore_mem>>) attributes {dimension_semantics = [#tpu.dimension_semantics<core_parallel>, #tpu.dimension_semantics<subcore_parallel>], iteration_bounds = array<i64: 2, 16>, scalar_prefetch = 0 : i64, scratch_operands = 10 : i64, tpu.core_type = #tpu.core_type<sc_vector_subcore>, window_params = [{transform_indices = #map}, {transform_indices = #map}, {transform_indices = #map1}, {transform_indices = #map1}, {transform_indices = #map1}, {transform_indices = #map1}, {transform_indices = #map}, {transform_indices = #map1}]} {
    %mul3A = arith.constant 2 : i32
    %mul3A_0 = arith.muli %arg1, %mul3A : i32
    %add3A = arith.addi %mul3A_0, %arg0 : i32
    %scan3A = arith.constant 0 : i32
    %scan3A_1 = arith.constant 26 : i32
    %scan3A_2 = arith.addi %scan3A, %scan3A_1 : i32
    %scan3A_3 = arith.constant 1 : i32
    scf.for %scan3A_5 = %scan3A to %scan3A_2 step %scan3A_3  : i32 {
      %mul3A_6 = arith.constant 1 : i32
      %mul3A_7 = arith.muli %scan3A_5, %mul3A_6 : i32
      %add3A_8 = arith.constant 0 : i32
      %add3A_9 = arith.addi %add3A_8, %mul3A_7 : i32
      %mul3A_10 = arith.constant 3328 : i32
      %mul3A_11 = arith.muli %add3A, %mul3A_10 : i32
      %mul3A_12 = arith.constant 128 : i32
      %mul3A_13 = arith.muli %add3A_9, %mul3A_12 : i32
      %add3A_14 = arith.addi %mul3A_11, %mul3A_13 : i32
      "tpu.region"() ({
        %run_scoped3A = tpu.sem_alloc : memref<!tpu.dma_semaphore, #tpu.memory_space<semaphore_mem>>
        %dma_start3A_869 = tpu.memref_slice %arg4[%add3A_14] : memref<106496xi32, #tpu.memory_space<hbm>> -> memref<128xi32, #tpu.memory_space<hbm>>
        %dma_start3A_870 = tpu.memref_slice %arg4[%add3A_14] : memref<106496xi32, #tpu.memory_space<hbm>> -> memref<128xi32, #tpu.memory_space<hbm>>
        tpu.enqueue_dma source(%dma_start3A_870 : memref<128xi32, #tpu.memory_space<hbm>>) target(%arg10 : memref<128xi32, #tpu.memory_space<vmem>>) target_semaphore(%run_scoped3A : memref<!tpu.dma_semaphore, #tpu.memory_space<semaphore_mem>>)
        %dma_wait3A_871 = tpu.memref_slice %arg4[%add3A_14] : memref<106496xi32, #tpu.memory_space<hbm>> -> memref<128xi32, #tpu.memory_space<hbm>>
        %dma_wait3A_872 = tpu.memref_slice %arg4[%add3A_14] : memref<106496xi32, #tpu.memory_space<hbm>> -> memref<128xi32, #tpu.memory_space<hbm>>
        tpu.wait_dma2 semaphore(%run_scoped3A : memref<!tpu.dma_semaphore, #tpu.memory_space<semaphore_mem>>) src(%dma_wait3A_872 : memref<128xi32, #tpu.memory_space<hbm>>) dst(%arg10 : memref<128xi32, #tpu.memory_space<vmem>>)
        tpu.yield
      }) : () -> ()
      "tpu.region"() ({
        %run_scoped3A = tpu.sem_alloc : memref<!tpu.dma_semaphore, #tpu.memory_space<semaphore_mem>>
        %dma_start3A_869 = tpu.memref_slice %arg5[%add3A_14] : memref<106496xi32, #tpu.memory_space<hbm>> -> memref<128xi32, #tpu.memory_space<hbm>>
        %dma_start3A_870 = tpu.memref_slice %arg5[%add3A_14] : memref<106496xi32, #tpu.memory_space<hbm>> -> memref<128xi32, #tpu.memory_space<hbm>>
        tpu.enqueue_dma source(%dma_start3A_870 : memref<128xi32, #tpu.memory_space<hbm>>) target(%arg11 : memref<128xi32, #tpu.memory_space<vmem>>) target_semaphore(%run_scoped3A : memref<!tpu.dma_semaphore, #tpu.memory_space<semaphore_mem>>)
        %dma_wait3A_871 = tpu.memref_slice %arg5[%add3A_14] : memref<106496xi32, #tpu.memory_space<hbm>> -> memref<128xi32, #tpu.memory_space<hbm>>
        %dma_wait3A_872 = tpu.memref_slice %arg5[%add3A_14] : memref<106496xi32, #tpu.memory_space<hbm>> -> memref<128xi32, #tpu.memory_space<hbm>>
        tpu.wait_dma2 semaphore(%run_scoped3A : memref<!tpu.dma_semaphore, #tpu.memory_space<semaphore_mem>>) src(%dma_wait3A_872 : memref<128xi32, #tpu.memory_space<hbm>>) dst(%arg11 : memref<128xi32, #tpu.memory_space<vmem>>)
        tpu.yield
      }) : () -> ()
      "tpu.region"() ({
        %run_scoped3A = tpu.sem_alloc : memref<!tpu.dma_semaphore, #tpu.memory_space<semaphore_mem>>
        %dma_start3A_869 = tpu.memref_slice %arg6[%add3A_14] : memref<106496xi32, #tpu.memory_space<hbm>> -> memref<128xi32, #tpu.memory_space<hbm>>
        %dma_start3A_870 = tpu.memref_slice %arg6[%add3A_14] : memref<106496xi32, #tpu.memory_space<hbm>> -> memref<128xi32, #tpu.memory_space<hbm>>
        tpu.enqueue_dma source(%dma_start3A_870 : memref<128xi32, #tpu.memory_space<hbm>>) target(%arg12 : memref<128xi32, #tpu.memory_space<vmem>>) target_semaphore(%run_scoped3A : memref<!tpu.dma_semaphore, #tpu.memory_space<semaphore_mem>>)
        %dma_wait3A_871 = tpu.memref_slice %arg6[%add3A_14] : memref<106496xi32, #tpu.memory_space<hbm>> -> memref<128xi32, #tpu.memory_space<hbm>>
        %dma_wait3A_872 = tpu.memref_slice %arg6[%add3A_14] : memref<106496xi32, #tpu.memory_space<hbm>> -> memref<128xi32, #tpu.memory_space<hbm>>
        tpu.wait_dma2 semaphore(%run_scoped3A : memref<!tpu.dma_semaphore, #tpu.memory_space<semaphore_mem>>) src(%dma_wait3A_872 : memref<128xi32, #tpu.memory_space<hbm>>) dst(%arg12 : memref<128xi32, #tpu.memory_space<vmem>>)
        tpu.yield
      }) : () -> ()
      "tpu.region"() ({
        %run_scoped3A = tpu.sem_alloc : memref<!tpu.dma_semaphore, #tpu.memory_space<semaphore_mem>>
        %dma_start3A_869 = tpu.memref_slice %arg7[%add3A_14] : memref<106496xi32, #tpu.memory_space<hbm>> -> memref<128xi32, #tpu.memory_space<hbm>>
        %dma_start3A_870 = tpu.memref_slice %arg7[%add3A_14] : memref<106496xi32, #tpu.memory_space<hbm>> -> memref<128xi32, #tpu.memory_space<hbm>>
        tpu.enqueue_dma source(%dma_start3A_870 : memref<128xi32, #tpu.memory_space<hbm>>) target(%arg13 : memref<128xi32, #tpu.memory_space<vmem>>) target_semaphore(%run_scoped3A : memref<!tpu.dma_semaphore, #tpu.memory_space<semaphore_mem>>)
        %dma_wait3A_871 = tpu.memref_slice %arg7[%add3A_14] : memref<106496xi32, #tpu.memory_space<hbm>> -> memref<128xi32, #tpu.memory_space<hbm>>
        %dma_wait3A_872 = tpu.memref_slice %arg7[%add3A_14] : memref<106496xi32, #tpu.memory_space<hbm>> -> memref<128xi32, #tpu.memory_space<hbm>>
        tpu.wait_dma2 semaphore(%run_scoped3A : memref<!tpu.dma_semaphore, #tpu.memory_space<semaphore_mem>>) src(%dma_wait3A_872 : memref<128xi32, #tpu.memory_space<hbm>>) dst(%arg13 : memref<128xi32, #tpu.memory_space<vmem>>)
        tpu.yield
      }) : () -> ()
      %dma_start3A = arith.constant 0 : i32
      %dma_start3A_15 = arith.constant 0 : i32
      %dma_start3A_16 = tpu.memref_slice %arg2[%dma_start3A, %dma_start3A_15] : memref<325000x128xf32, #tpu.memory_space<hbm>> -> memref<325000x128xf32, #tpu.memory_space<hbm>>
      tpu.enqueue_indirect_dma source(%dma_start3A_16 : memref<325000x128xf32, #tpu.memory_space<hbm>>) target(%arg14 : memref<128x128xf32, #tpu.memory_space<vmem>>) offsets(%arg10 : memref<128xi32, #tpu.memory_space<vmem>>) semaphore(%arg18 : memref<!tpu.dma_semaphore, #tpu.memory_space<semaphore_mem>>)
      %dma_start3A_17 = arith.constant 0 : i32
      %dma_start3A_18 = arith.constant 0 : i32
      %dma_start3A_19 = tpu.memref_slice %arg3[%dma_start3A_17, %dma_start3A_18] : memref<21125x128xf32, #tpu.memory_space<hbm>> -> memref<21125x128xf32, #tpu.memory_space<hbm>>
      tpu.enqueue_indirect_dma source(%dma_start3A_19 : memref<21125x128xf32, #tpu.memory_space<hbm>>) target(%arg15 : memref<128x128xf32, #tpu.memory_space<vmem>>) offsets(%arg12 : memref<128xi32, #tpu.memory_space<vmem>>) semaphore(%arg19 : memref<!tpu.dma_semaphore, #tpu.memory_space<semaphore_mem>>)
      %dma_wait3A = arith.constant 0 : i32
      %dma_wait3A_20 = arith.constant 0 : i32
      %dma_wait3A_21 = tpu.memref_slice %arg2[%dma_wait3A, %dma_wait3A_20] : memref<325000x128xf32, #tpu.memory_space<hbm>> -> memref<325000x128xf32, #tpu.memory_space<hbm>>
      tpu.wait_indirect_dma semaphore(%arg18 : memref<!tpu.dma_semaphore, #tpu.memory_space<semaphore_mem>>) src(%dma_wait3A_21 : memref<325000x128xf32, #tpu.memory_space<hbm>>) dst(%arg14 : memref<128x128xf32, #tpu.memory_space<vmem>>)
      %dma_wait3A_22 = arith.constant 0 : i32
      %dma_wait3A_23 = arith.constant 0 : i32
      %dma_wait3A_24 = tpu.memref_slice %arg3[%dma_wait3A_22, %dma_wait3A_23] : memref<21125x128xf32, #tpu.memory_space<hbm>> -> memref<21125x128xf32, #tpu.memory_space<hbm>>
      tpu.wait_indirect_dma semaphore(%arg19 : memref<!tpu.dma_semaphore, #tpu.memory_space<semaphore_mem>>) src(%dma_wait3A_24 : memref<21125x128xf32, #tpu.memory_space<hbm>>) dst(%arg15 : memref<128x128xf32, #tpu.memory_space<vmem>>)
      %iota3A = tpu.iota {dimensions = array<i32: 0>} : vector<16xi32>
      %add3A_25 = arith.constant 0 : i32
      %add3A_26 = vector.broadcast %add3A_25 : i32 to vector<16xi32>
      %add3A_27 = arith.addi %iota3A, %add3A_26 : vector<16xi32>
      %get3A = arith.constant 0 : index
      %get3A_28 = tpu.vector_load %arg11[%get3A] {strides = array<i32>} : memref<128xi32, #tpu.memory_space<vmem>>, vector<16xi32>,
      %add3A_29 = arith.constant 0 : i32
      %add3A_30 = vector.broadcast %add3A_29 : i32 to vector<16xi32>
      %add3A_31 = arith.addi %get3A_28, %add3A_30 : vector<16xi32>
      %gather3A = tpu.vector_load_idx %arg14[%add3A_27, %add3A_31] : memref<128x128xf32, #tpu.memory_space<vmem>>[vector<16xi32>, vector<16xi32>], vector<16xf32>,
      %broadcast_in_dim3A = arith.constant 0 : i32
      %broadcast_in_dim3A_32 = vector.broadcast %broadcast_in_dim3A : i32 to vector<16xi32>
      tpu.vector_store_idx %arg16[%add3A_27, %broadcast_in_dim3A_32], %gather3A : memref<128x16xf32, #tpu.memory_space<vmem>>[vector<16xi32>, vector<16xi32>], vector<16xf32>,
      %add3A_33 = arith.constant 1 : i32
      %add3A_34 = vector.broadcast %add3A_33 : i32 to vector<16xi32>
      %add3A_35 = arith.addi %get3A_28, %add3A_34 : vector<16xi32>
      %gather3A_36 = tpu.vector_load_idx %arg14[%add3A_27, %add3A_35] : memref<128x128xf32, #tpu.memory_space<vmem>>[vector<16xi32>, vector<16xi32>], vector<16xf32>,
      %broadcast_in_dim3A_37 = arith.constant 1 : i32
      %broadcast_in_dim3A_38 = vector.broadcast %broadcast_in_dim3A_37 : i32 to vector<16xi32>
      tpu.vector_store_idx %arg16[%add3A_27, %broadcast_in_dim3A_38], %gather3A_36 : memref<128x16xf32, #tpu.memory_space<vmem>>[vector<16xi32>, vector<16xi32>], vector<16xf32>,
      %add3A_39 = arith.constant 2 : i32
      %add3A_40 = vector.broadcast %add3A_39 : i32 to vector<16xi32>
      %add3A_41 = arith.addi %get3A_28, %add3A_40 : vector<16xi32>
      %gather3A_42 = tpu.vector_load_idx %arg14[%add3A_27, %add3A_41] : memref<128x128xf32, #tpu.memory_space<vmem>>[vector<16xi32>, vector<16xi32>], vector<16xf32>,
      %broadcast_in_dim3A_43 = arith.constant 2 : i32
      %broadcast_in_dim3A_44 = vector.broadcast %broadcast_in_dim3A_43 : i32 to vector<16xi32>
      tpu.vector_store_idx %arg16[%add3A_27, %broadcast_in_dim3A_44], %gather3A_42 : memref<128x16xf32, #tpu.memory_space<vmem>>[vector<16xi32>, vector<16xi32>], vector<16xf32>,
      %add3A_45 = arith.constant 3 : i32
      %add3A_46 = vector.broadcast %add3A_45 : i32 to vector<16xi32>
      %add3A_47 = arith.addi %get3A_28, %add3A_46 : vector<16xi32>
      %gather3A_48 = tpu.vector_load_idx %arg14[%add3A_27, %add3A_47] : memref<128x128xf32, #tpu.memory_space<vmem>>[vector<16xi32>, vector<16xi32>], vector<16xf32>,
      %broadcast_in_dim3A_49 = arith.constant 3 : i32
      %broadcast_in_dim3A_50 = vector.broadcast %broadcast_in_dim3A_49 : i32 to vector<16xi32>
      tpu.vector_store_idx %arg16[%add3A_27, %broadcast_in_dim3A_50], %gather3A_48 : memref<128x16xf32, #tpu.memory_space<vmem>>[vector<16xi32>, vector<16xi32>], vector<16xf32>,
      %add3A_51 = arith.constant 4 : i32
      %add3A_52 = vector.broadcast %add3A_51 : i32 to vector<16xi32>
      %add3A_53 = arith.addi %get3A_28, %add3A_52 : vector<16xi32>
      %gather3A_54 = tpu.vector_load_idx %arg14[%add3A_27, %add3A_53] : memref<128x128xf32, #tpu.memory_space<vmem>>[vector<16xi32>, vector<16xi32>], vector<16xf32>,
      %broadcast_in_dim3A_55 = arith.constant 4 : i32
      %broadcast_in_dim3A_56 = vector.broadcast %broadcast_in_dim3A_55 : i32 to vector<16xi32>
      tpu.vector_store_idx %arg16[%add3A_27, %broadcast_in_dim3A_56], %gather3A_54 : memref<128x16xf32, #tpu.memory_space<vmem>>[vector<16xi32>, vector<16xi32>], vector<16xf32>,
      %add3A_57 = arith.constant 5 : i32
      %add3A_58 = vector.broadcast %add3A_57 : i32 to vector<16xi32>
      %add3A_59 = arith.addi %get3A_28, %add3A_58 : vector<16xi32>
      %gather3A_60 = tpu.vector_load_idx %arg14[%add3A_27, %add3A_59] : memref<128x128xf32, #tpu.memory_space<vmem>>[vector<16xi32>, vector<16xi32>], vector<16xf32>,
      %broadcast_in_dim3A_61 = arith.constant 5 : i32
      %broadcast_in_dim3A_62 = vector.broadcast %broadcast_in_dim3A_61 : i32 to vector<16xi32>
      tpu.vector_store_idx %arg16[%add3A_27, %broadcast_in_dim3A_62], %gather3A_60 : memref<128x16xf32, #tpu.memory_space<vmem>>[vector<16xi32>, vector<16xi32>], vector<16xf32>,
      %add3A_63 = arith.constant 6 : i32
      %add3A_64 = vector.broadcast %add3A_63 : i32 to vector<16xi32>
      %add3A_65 = arith.addi %get3A_28, %add3A_64 : vector<16xi32>
      %gather3A_66 = tpu.vector_load_idx %arg14[%add3A_27, %add3A_65] : memref<128x128xf32, #tpu.memory_space<vmem>>[vector<16xi32>, vector<16xi32>], vector<16xf32>,
      %broadcast_in_dim3A_67 = arith.constant 6 : i32
      %broadcast_in_dim3A_68 = vector.broadcast %broadcast_in_dim3A_67 : i32 to vector<16xi32>
      tpu.vector_store_idx %arg16[%add3A_27, %broadcast_in_dim3A_68], %gather3A_66 : memref<128x16xf32, #tpu.memory_space<vmem>>[vector<16xi32>, vector<16xi32>], vector<16xf32>,
      %add3A_69 = arith.constant 7 : i32
      %add3A_70 = vector.broadcast %add3A_69 : i32 to vector<16xi32>
      %add3A_71 = arith.addi %get3A_28, %add3A_70 : vector<16xi32>
      %gather3A_72 = tpu.vector_load_idx %arg14[%add3A_27, %add3A_71] : memref<128x128xf32, #tpu.memory_space<vmem>>[vector<16xi32>, vector<16xi32>], vector<16xf32>,
      %broadcast_in_dim3A_73 = arith.constant 7 : i32
      %broadcast_in_dim3A_74 = vector.broadcast %broadcast_in_dim3A_73 : i32 to vector<16xi32>
      tpu.vector_store_idx %arg16[%add3A_27, %broadcast_in_dim3A_74], %gather3A_72 : memref<128x16xf32, #tpu.memory_space<vmem>>[vector<16xi32>, vector<16xi32>], vector<16xf32>,
      %add3A_75 = arith.constant 8 : i32
      %add3A_76 = vector.broadcast %add3A_75 : i32 to vector<16xi32>
      %add3A_77 = arith.addi %get3A_28, %add3A_76 : vector<16xi32>
      %gather3A_78 = tpu.vector_load_idx %arg14[%add3A_27, %add3A_77] : memref<128x128xf32, #tpu.memory_space<vmem>>[vector<16xi32>, vector<16xi32>], vector<16xf32>,
      %broadcast_in_dim3A_79 = arith.constant 8 : i32
      %broadcast_in_dim3A_80 = vector.broadcast %broadcast_in_dim3A_79 : i32 to vector<16xi32>
      tpu.vector_store_idx %arg16[%add3A_27, %broadcast_in_dim3A_80], %gather3A_78 : memref<128x16xf32, #tpu.memory_space<vmem>>[vector<16xi32>, vector<16xi32>], vector<16xf32>,
      %add3A_81 = arith.constant 9 : i32
      %add3A_82 = vector.broadcast %add3A_81 : i32 to vector<16xi32>
      %add3A_83 = arith.addi %get3A_28, %add3A_82 : vector<16xi32>
      %gather3A_84 = tpu.vector_load_idx %arg14[%add3A_27, %add3A_83] : memref<128x128xf32, #tpu.memory_space<vmem>>[vector<16xi32>, vector<16xi32>], vector<16xf32>,
      %broadcast_in_dim3A_85 = arith.constant 9 : i32
      %broadcast_in_dim3A_86 = vector.broadcast %broadcast_in_dim3A_85 : i32 to vector<16xi32>
      tpu.vector_store_idx %arg16[%add3A_27, %broadcast_in_dim3A_86], %gather3A_84 : memref<128x16xf32, #tpu.memory_space<vmem>>[vector<16xi32>, vector<16xi32>], vector<16xf32>,
      %add3A_87 = arith.constant 10 : i32
      %add3A_88 = vector.broadcast %add3A_87 : i32 to vector<16xi32>
      %add3A_89 = arith.addi %get3A_28, %add3A_88 : vector<16xi32>
      %gather3A_90 = tpu.vector_load_idx %arg14[%add3A_27, %add3A_89] : memref<128x128xf32, #tpu.memory_space<vmem>>[vector<16xi32>, vector<16xi32>], vector<16xf32>,
      %broadcast_in_dim3A_91 = arith.constant 10 : i32
      %broadcast_in_dim3A_92 = vector.broadcast %broadcast_in_dim3A_91 : i32 to vector<16xi32>
      tpu.vector_store_idx %arg16[%add3A_27, %broadcast_in_dim3A_92], %gather3A_90 : memref<128x16xf32, #tpu.memory_space<vmem>>[vector<16xi32>, vector<16xi32>], vector<16xf32>,
      %add3A_93 = arith.constant 11 : i32
      %add3A_94 = vector.broadcast %add3A_93 : i32 to vector<16xi32>
      %add3A_95 = arith.addi %get3A_28, %add3A_94 : vector<16xi32>
      %gather3A_96 = tpu.vector_load_idx %arg14[%add3A_27, %add3A_95] : memref<128x128xf32, #tpu.memory_space<vmem>>[vector<16xi32>, vector<16xi32>], vector<16xf32>,
      %broadcast_in_dim3A_97 = arith.constant 11 : i32
      %broadcast_in_dim3A_98 = vector.broadcast %broadcast_in_dim3A_97 : i32 to vector<16xi32>
      tpu.vector_store_idx %arg16[%add3A_27, %broadcast_in_dim3A_98], %gather3A_96 : memref<128x16xf32, #tpu.memory_space<vmem>>[vector<16xi32>, vector<16xi32>], vector<16xf32>,
      %add3A_99 = arith.constant 12 : i32
      %add3A_100 = vector.broadcast %add3A_99 : i32 to vector<16xi32>
      %add3A_101 = arith.addi %get3A_28, %add3A_100 : vector<16xi32>
      %gather3A_102 = tpu.vector_load_idx %arg14[%add3A_27, %add3A_101] : memref<128x128xf32, #tpu.memory_space<vmem>>[vector<16xi32>, vector<16xi32>], vector<16xf32>,
      %broadcast_in_dim3A_103 = arith.constant 12 : i32
      %broadcast_in_dim3A_104 = vector.broadcast %broadcast_in_dim3A_103 : i32 to vector<16xi32>
      tpu.vector_store_idx %arg16[%add3A_27, %broadcast_in_dim3A_104], %gather3A_102 : memref<128x16xf32, #tpu.memory_space<vmem>>[vector<16xi32>, vector<16xi32>], vector<16xf32>,
      %add3A_105 = arith.constant 13 : i32
      %add3A_106 = vector.broadcast %add3A_105 : i32 to vector<16xi32>
      %add3A_107 = arith.addi %get3A_28, %add3A_106 : vector<16xi32>
      %gather3A_108 = tpu.vector_load_idx %arg14[%add3A_27, %add3A_107] : memref<128x128xf32, #tpu.memory_space<vmem>>[vector<16xi32>, vector<16xi32>], vector<16xf32>,
      %broadcast_in_dim3A_109 = arith.constant 13 : i32
      %broadcast_in_dim3A_110 = vector.broadcast %broadcast_in_dim3A_109 : i32 to vector<16xi32>
      tpu.vector_store_idx %arg16[%add3A_27, %broadcast_in_dim3A_110], %gather3A_108 : memref<128x16xf32, #tpu.memory_space<vmem>>[vector<16xi32>, vector<16xi32>], vector<16xf32>,
      %add3A_111 = arith.constant 14 : i32
      %add3A_112 = vector.broadcast %add3A_111 : i32 to vector<16xi32>
      %add3A_113 = arith.addi %get3A_28, %add3A_112 : vector<16xi32>
      %gather3A_114 = tpu.vector_load_idx %arg14[%add3A_27, %add3A_113] : memref<128x128xf32, #tpu.memory_space<vmem>>[vector<16xi32>, vector<16xi32>], vector<16xf32>,
      %broadcast_in_dim3A_115 = arith.constant 14 : i32
      %broadcast_in_dim3A_116 = vector.broadcast %broadcast_in_dim3A_115 : i32 to vector<16xi32>
      tpu.vector_store_idx %arg16[%add3A_27, %broadcast_in_dim3A_116], %gather3A_114 : memref<128x16xf32, #tpu.memory_space<vmem>>[vector<16xi32>, vector<16xi32>], vector<16xf32>,
      %add3A_117 = arith.constant 15 : i32
      %add3A_118 = vector.broadcast %add3A_117 : i32 to vector<16xi32>
      %add3A_119 = arith.addi %get3A_28, %add3A_118 : vector<16xi32>
      %gather3A_120 = tpu.vector_load_idx %arg14[%add3A_27, %add3A_119] : memref<128x128xf32, #tpu.memory_space<vmem>>[vector<16xi32>, vector<16xi32>], vector<16xf32>,
      %broadcast_in_dim3A_121 = arith.constant 15 : i32
      %broadcast_in_dim3A_122 = vector.broadcast %broadcast_in_dim3A_121 : i32 to vector<16xi32>
      tpu.vector_store_idx %arg16[%add3A_27, %broadcast_in_dim3A_122], %gather3A_120 : memref<128x16xf32, #tpu.memory_space<vmem>>[vector<16xi32>, vector<16xi32>], vector<16xf32>,
      %get3A_123 = arith.constant 0 : index
      %get3A_124 = tpu.vector_load %arg13[%get3A_123] {strides = array<i32>} : memref<128xi32, #tpu.memory_space<vmem>>, vector<16xi32>,
      %gather3A_125 = tpu.vector_load_idx %arg15[%add3A_27, %get3A_124] : memref<128x128xf32, #tpu.memory_space<vmem>>[vector<16xi32>, vector<16xi32>], vector<16xf32>,
      %swap3A = arith.constant 0 : index
      %swap3A_126 = tpu.vector_load %arg17[%swap3A] {strides = array<i32>} : memref<128xf32, #tpu.memory_space<vmem>>, vector<16xf32>,
      tpu.vector_store %arg17[%swap3A], %gather3A_125 {strides = array<i32>} : memref<128xf32, #tpu.memory_space<vmem>>, vector<16xf32>,
      %add3A_127 = arith.constant 16 : i32
      %add3A_128 = vector.broadcast %add3A_127 : i32 to vector<16xi32>
      %add3A_129 = arith.addi %iota3A, %add3A_128 : vector<16xi32>
      %get3A_130 = arith.constant 16 : index
      %get3A_131 = tpu.vector_load %arg11[%get3A_130] {strides = array<i32>} : memref<128xi32, #tpu.memory_space<vmem>>, vector<16xi32>,
      %add3A_132 = arith.constant 0 : i32
      %add3A_133 = vector.broadcast %add3A_132 : i32 to vector<16xi32>
      %add3A_134 = arith.addi %get3A_131, %add3A_133 : vector<16xi32>
      %gather3A_135 = tpu.vector_load_idx %arg14[%add3A_129, %add3A_134] : memref<128x128xf32, #tpu.memory_space<vmem>>[vector<16xi32>, vector<16xi32>], vector<16xf32>,
      %broadcast_in_dim3A_136 = arith.constant 0 : i32
      %broadcast_in_dim3A_137 = vector.broadcast %broadcast_in_dim3A_136 : i32 to vector<16xi32>
      tpu.vector_store_idx %arg16[%add3A_129, %broadcast_in_dim3A_137], %gather3A_135 : memref<128x16xf32, #tpu.memory_space<vmem>>[vector<16xi32>, vector<16xi32>], vector<16xf32>,
      %add3A_138 = arith.constant 1 : i32
      %add3A_139 = vector.broadcast %add3A_138 : i32 to vector<16xi32>
      %add3A_140 = arith.addi %get3A_131, %add3A_139 : vector<16xi32>
      %gather3A_141 = tpu.vector_load_idx %arg14[%add3A_129, %add3A_140] : memref<128x128xf32, #tpu.memory_space<vmem>>[vector<16xi32>, vector<16xi32>], vector<16xf32>,
      %broadcast_in_dim3A_142 = arith.constant 1 : i32
      %broadcast_in_dim3A_143 = vector.broadcast %broadcast_in_dim3A_142 : i32 to vector<16xi32>
      tpu.vector_store_idx %arg16[%add3A_129, %broadcast_in_dim3A_143], %gather3A_141 : memref<128x16xf32, #tpu.memory_space<vmem>>[vector<16xi32>, vector<16xi32>], vector<16xf32>,
      %add3A_144 = arith.constant 2 : i32
      %add3A_145 = vector.broadcast %add3A_144 : i32 to vector<16xi32>
      %add3A_146 = arith.addi %get3A_131, %add3A_145 : vector<16xi32>
      %gather3A_147 = tpu.vector_load_idx %arg14[%add3A_129, %add3A_146] : memref<128x128xf32, #tpu.memory_space<vmem>>[vector<16xi32>, vector<16xi32>], vector<16xf32>,
      %broadcast_in_dim3A_148 = arith.constant 2 : i32
      %broadcast_in_dim3A_149 = vector.broadcast %broadcast_in_dim3A_148 : i32 to vector<16xi32>
      tpu.vector_store_idx %arg16[%add3A_129, %broadcast_in_dim3A_149], %gather3A_147 : memref<128x16xf32, #tpu.memory_space<vmem>>[vector<16xi32>, vector<16xi32>], vector<16xf32>,
      %add3A_150 = arith.constant 3 : i32
      %add3A_151 = vector.broadcast %add3A_150 : i32 to vector<16xi32>
      %add3A_152 = arith.addi %get3A_131, %add3A_151 : vector<16xi32>
      %gather3A_153 = tpu.vector_load_idx %arg14[%add3A_129, %add3A_152] : memref<128x128xf32, #tpu.memory_space<vmem>>[vector<16xi32>, vector<16xi32>], vector<16xf32>,
      %broadcast_in_dim3A_154 = arith.constant 3 : i32
      %broadcast_in_dim3A_155 = vector.broadcast %broadcast_in_dim3A_154 : i32 to vector<16xi32>
      tpu.vector_store_idx %arg16[%add3A_129, %broadcast_in_dim3A_155], %gather3A_153 : memref<128x16xf32, #tpu.memory_space<vmem>>[vector<16xi32>, vector<16xi32>], vector<16xf32>,
      %add3A_156 = arith.constant 4 : i32
      %add3A_157 = vector.broadcast %add3A_156 : i32 to vector<16xi32>
      %add3A_158 = arith.addi %get3A_131, %add3A_157 : vector<16xi32>
      %gather3A_159 = tpu.vector_load_idx %arg14[%add3A_129, %add3A_158] : memref<128x128xf32, #tpu.memory_space<vmem>>[vector<16xi32>, vector<16xi32>], vector<16xf32>,
      %broadcast_in_dim3A_160 = arith.constant 4 : i32
      %broadcast_in_dim3A_161 = vector.broadcast %broadcast_in_dim3A_160 : i32 to vector<16xi32>
      tpu.vector_store_idx %arg16[%add3A_129, %broadcast_in_dim3A_161], %gather3A_159 : memref<128x16xf32, #tpu.memory_space<vmem>>[vector<16xi32>, vector<16xi32>], vector<16xf32>,
      %add3A_162 = arith.constant 5 : i32
      %add3A_163 = vector.broadcast %add3A_162 : i32 to vector<16xi32>
      %add3A_164 = arith.addi %get3A_131, %add3A_163 : vector<16xi32>
      %gather3A_165 = tpu.vector_load_idx %arg14[%add3A_129, %add3A_164] : memref<128x128xf32, #tpu.memory_space<vmem>>[vector<16xi32>, vector<16xi32>], vector<16xf32>,
      %broadcast_in_dim3A_166 = arith.constant 5 : i32
      %broadcast_in_dim3A_167 = vector.broadcast %broadcast_in_dim3A_166 : i32 to vector<16xi32>
      tpu.vector_store_idx %arg16[%add3A_129, %broadcast_in_dim3A_167], %gather3A_165 : memref<128x16xf32, #tpu.memory_space<vmem>>[vector<16xi32>, vector<16xi32>], vector<16xf32>,
      %add3A_168 = arith.constant 6 : i32
      %add3A_169 = vector.broadcast %add3A_168 : i32 to vector<16xi32>
      %add3A_170 = arith.addi %get3A_131, %add3A_169 : vector<16xi32>
      %gather3A_171 = tpu.vector_load_idx %arg14[%add3A_129, %add3A_170] : memref<128x128xf32, #tpu.memory_space<vmem>>[vector<16xi32>, vector<16xi32>], vector<16xf32>,
      %broadcast_in_dim3A_172 = arith.constant 6 : i32
      %broadcast_in_dim3A_173 = vector.broadcast %broadcast_in_dim3A_172 : i32 to vector<16xi32>
      tpu.vector_store_idx %arg16[%add3A_129, %broadcast_in_dim3A_173], %gather3A_171 : memref<128x16xf32, #tpu.memory_space<vmem>>[vector<16xi32>, vector<16xi32>], vector<16xf32>,
      %add3A_174 = arith.constant 7 : i32
      %add3A_175 = vector.broadcast %add3A_174 : i32 to vector<16xi32>
      %add3A_176 = arith.addi %get3A_131, %add3A_175 : vector<16xi32>
      %gather3A_177 = tpu.vector_load_idx %arg14[%add3A_129, %add3A_176] : memref<128x128xf32, #tpu.memory_space<vmem>>[vector<16xi32>, vector<16xi32>], vector<16xf32>,
      %broadcast_in_dim3A_178 = arith.constant 7 : i32
      %broadcast_in_dim3A_179 = vector.broadcast %broadcast_in_dim3A_178 : i32 to vector<16xi32>
      tpu.vector_store_idx %arg16[%add3A_129, %broadcast_in_dim3A_179], %gather3A_177 : memref<128x16xf32, #tpu.memory_space<vmem>>[vector<16xi32>, vector<16xi32>], vector<16xf32>,
      %add3A_180 = arith.constant 8 : i32
      %add3A_181 = vector.broadcast %add3A_180 : i32 to vector<16xi32>
      %add3A_182 = arith.addi %get3A_131, %add3A_181 : vector<16xi32>
      %gather3A_183 = tpu.vector_load_idx %arg14[%add3A_129, %add3A_182] : memref<128x128xf32, #tpu.memory_space<vmem>>[vector<16xi32>, vector<16xi32>], vector<16xf32>,
      %broadcast_in_dim3A_184 = arith.constant 8 : i32
      %broadcast_in_dim3A_185 = vector.broadcast %broadcast_in_dim3A_184 : i32 to vector<16xi32>
      tpu.vector_store_idx %arg16[%add3A_129, %broadcast_in_dim3A_185], %gather3A_183 : memref<128x16xf32, #tpu.memory_space<vmem>>[vector<16xi32>, vector<16xi32>], vector<16xf32>,
      %add3A_186 = arith.constant 9 : i32
      %add3A_187 = vector.broadcast %add3A_186 : i32 to vector<16xi32>
      %add3A_188 = arith.addi %get3A_131, %add3A_187 : vector<16xi32>
      %gather3A_189 = tpu.vector_load_idx %arg14[%add3A_129, %add3A_188] : memref<128x128xf32, #tpu.memory_space<vmem>>[vector<16xi32>, vector<16xi32>], vector<16xf32>,
      %broadcast_in_dim3A_190 = arith.constant 9 : i32
      %broadcast_in_dim3A_191 = vector.broadcast %broadcast_in_dim3A_190 : i32 to vector<16xi32>
      tpu.vector_store_idx %arg16[%add3A_129, %broadcast_in_dim3A_191], %gather3A_189 : memref<128x16xf32, #tpu.memory_space<vmem>>[vector<16xi32>, vector<16xi32>], vector<16xf32>,
      %add3A_192 = arith.constant 10 : i32
      %add3A_193 = vector.broadcast %add3A_192 : i32 to vector<16xi32>
      %add3A_194 = arith.addi %get3A_131, %add3A_193 : vector<16xi32>
      %gather3A_195 = tpu.vector_load_idx %arg14[%add3A_129, %add3A_194] : memref<128x128xf32, #tpu.memory_space<vmem>>[vector<16xi32>, vector<16xi32>], vector<16xf32>,
      %broadcast_in_dim3A_196 = arith.constant 10 : i32
      %broadcast_in_dim3A_197 = vector.broadcast %broadcast_in_dim3A_196 : i32 to vector<16xi32>
      tpu.vector_store_idx %arg16[%add3A_129, %broadcast_in_dim3A_197], %gather3A_195 : memref<128x16xf32, #tpu.memory_space<vmem>>[vector<16xi32>, vector<16xi32>], vector<16xf32>,
      %add3A_198 = arith.constant 11 : i32
      %add3A_199 = vector.broadcast %add3A_198 : i32 to vector<16xi32>
      %add3A_200 = arith.addi %get3A_131, %add3A_199 : vector<16xi32>
      %gather3A_201 = tpu.vector_load_idx %arg14[%add3A_129, %add3A_200] : memref<128x128xf32, #tpu.memory_space<vmem>>[vector<16xi32>, vector<16xi32>], vector<16xf32>,
      %broadcast_in_dim3A_202 = arith.constant 11 : i32
      %broadcast_in_dim3A_203 = vector.broadcast %broadcast_in_dim3A_202 : i32 to vector<16xi32>
      tpu.vector_store_idx %arg16[%add3A_129, %broadcast_in_dim3A_203], %gather3A_201 : memref<128x16xf32, #tpu.memory_space<vmem>>[vector<16xi32>, vector<16xi32>], vector<16xf32>,
      %add3A_204 = arith.constant 12 : i32
      %add3A_205 = vector.broadcast %add3A_204 : i32 to vector<16xi32>
      %add3A_206 = arith.addi %get3A_131, %add3A_205 : vector<16xi32>
      %gather3A_207 = tpu.vector_load_idx %arg14[%add3A_129, %add3A_206] : memref<128x128xf32, #tpu.memory_space<vmem>>[vector<16xi32>, vector<16xi32>], vector<16xf32>,
      %broadcast_in_dim3A_208 = arith.constant 12 : i32
      %broadcast_in_dim3A_209 = vector.broadcast %broadcast_in_dim3A_208 : i32 to vector<16xi32>
      tpu.vector_store_idx %arg16[%add3A_129, %broadcast_in_dim3A_209], %gather3A_207 : memref<128x16xf32, #tpu.memory_space<vmem>>[vector<16xi32>, vector<16xi32>], vector<16xf32>,
      %add3A_210 = arith.constant 13 : i32
      %add3A_211 = vector.broadcast %add3A_210 : i32 to vector<16xi32>
      %add3A_212 = arith.addi %get3A_131, %add3A_211 : vector<16xi32>
      %gather3A_213 = tpu.vector_load_idx %arg14[%add3A_129, %add3A_212] : memref<128x128xf32, #tpu.memory_space<vmem>>[vector<16xi32>, vector<16xi32>], vector<16xf32>,
      %broadcast_in_dim3A_214 = arith.constant 13 : i32
      %broadcast_in_dim3A_215 = vector.broadcast %broadcast_in_dim3A_214 : i32 to vector<16xi32>
      tpu.vector_store_idx %arg16[%add3A_129, %broadcast_in_dim3A_215], %gather3A_213 : memref<128x16xf32, #tpu.memory_space<vmem>>[vector<16xi32>, vector<16xi32>], vector<16xf32>,
      %add3A_216 = arith.constant 14 : i32
      %add3A_217 = vector.broadcast %add3A_216 : i32 to vector<16xi32>
      %add3A_218 = arith.addi %get3A_131, %add3A_217 : vector<16xi32>
      %gather3A_219 = tpu.vector_load_idx %arg14[%add3A_129, %add3A_218] : memref<128x128xf32, #tpu.memory_space<vmem>>[vector<16xi32>, vector<16xi32>], vector<16xf32>,
      %broadcast_in_dim3A_220 = arith.constant 14 : i32
      %broadcast_in_dim3A_221 = vector.broadcast %broadcast_in_dim3A_220 : i32 to vector<16xi32>
      tpu.vector_store_idx %arg16[%add3A_129, %broadcast_in_dim3A_221], %gather3A_219 : memref<128x16xf32, #tpu.memory_space<vmem>>[vector<16xi32>, vector<16xi32>], vector<16xf32>,
      %add3A_222 = arith.constant 15 : i32
      %add3A_223 = vector.broadcast %add3A_222 : i32 to vector<16xi32>
      %add3A_224 = arith.addi %get3A_131, %add3A_223 : vector<16xi32>
      %gather3A_225 = tpu.vector_load_idx %arg14[%add3A_129, %add3A_224] : memref<128x128xf32, #tpu.memory_space<vmem>>[vector<16xi32>, vector<16xi32>], vector<16xf32>,
      %broadcast_in_dim3A_226 = arith.constant 15 : i32
      %broadcast_in_dim3A_227 = vector.broadcast %broadcast_in_dim3A_226 : i32 to vector<16xi32>
      tpu.vector_store_idx %arg16[%add3A_129, %broadcast_in_dim3A_227], %gather3A_225 : memref<128x16xf32, #tpu.memory_space<vmem>>[vector<16xi32>, vector<16xi32>], vector<16xf32>,
      %get3A_228 = arith.constant 16 : index
      %get3A_229 = tpu.vector_load %arg13[%get3A_228] {strides = array<i32>} : memref<128xi32, #tpu.memory_space<vmem>>, vector<16xi32>,
      %gather3A_230 = tpu.vector_load_idx %arg15[%add3A_129, %get3A_229] : memref<128x128xf32, #tpu.memory_space<vmem>>[vector<16xi32>, vector<16xi32>], vector<16xf32>,
      %swap3A_231 = arith.constant 16 : index
      %swap3A_232 = tpu.vector_load %arg17[%swap3A_231] {strides = array<i32>} : memref<128xf32, #tpu.memory_space<vmem>>, vector<16xf32>,
      tpu.vector_store %arg17[%swap3A_231], %gather3A_230 {strides = array<i32>} : memref<128xf32, #tpu.memory_space<vmem>>, vector<16xf32>,
      %add3A_233 = arith.constant 32 : i32
      %add3A_234 = vector.broadcast %add3A_233 : i32 to vector<16xi32>
      %add3A_235 = arith.addi %iota3A, %add3A_234 : vector<16xi32>
      %get3A_236 = arith.constant 32 : index
      %get3A_237 = tpu.vector_load %arg11[%get3A_236] {strides = array<i32>} : memref<128xi32, #tpu.memory_space<vmem>>, vector<16xi32>,
      %add3A_238 = arith.constant 0 : i32
      %add3A_239 = vector.broadcast %add3A_238 : i32 to vector<16xi32>
      %add3A_240 = arith.addi %get3A_237, %add3A_239 : vector<16xi32>
      %gather3A_241 = tpu.vector_load_idx %arg14[%add3A_235, %add3A_240] : memref<128x128xf32, #tpu.memory_space<vmem>>[vector<16xi32>, vector<16xi32>], vector<16xf32>,
      %broadcast_in_dim3A_242 = arith.constant 0 : i32
      %broadcast_in_dim3A_243 = vector.broadcast %broadcast_in_dim3A_242 : i32 to vector<16xi32>
      tpu.vector_store_idx %arg16[%add3A_235, %broadcast_in_dim3A_243], %gather3A_241 : memref<128x16xf32, #tpu.memory_space<vmem>>[vector<16xi32>, vector<16xi32>], vector<16xf32>,
      %add3A_244 = arith.constant 1 : i32
      %add3A_245 = vector.broadcast %add3A_244 : i32 to vector<16xi32>
      %add3A_246 = arith.addi %get3A_237, %add3A_245 : vector<16xi32>
      %gather3A_247 = tpu.vector_load_idx %arg14[%add3A_235, %add3A_246] : memref<128x128xf32, #tpu.memory_space<vmem>>[vector<16xi32>, vector<16xi32>], vector<16xf32>,
      %broadcast_in_dim3A_248 = arith.constant 1 : i32
      %broadcast_in_dim3A_249 = vector.broadcast %broadcast_in_dim3A_248 : i32 to vector<16xi32>
      tpu.vector_store_idx %arg16[%add3A_235, %broadcast_in_dim3A_249], %gather3A_247 : memref<128x16xf32, #tpu.memory_space<vmem>>[vector<16xi32>, vector<16xi32>], vector<16xf32>,
      %add3A_250 = arith.constant 2 : i32
      %add3A_251 = vector.broadcast %add3A_250 : i32 to vector<16xi32>
      %add3A_252 = arith.addi %get3A_237, %add3A_251 : vector<16xi32>
      %gather3A_253 = tpu.vector_load_idx %arg14[%add3A_235, %add3A_252] : memref<128x128xf32, #tpu.memory_space<vmem>>[vector<16xi32>, vector<16xi32>], vector<16xf32>,
      %broadcast_in_dim3A_254 = arith.constant 2 : i32
      %broadcast_in_dim3A_255 = vector.broadcast %broadcast_in_dim3A_254 : i32 to vector<16xi32>
      tpu.vector_store_idx %arg16[%add3A_235, %broadcast_in_dim3A_255], %gather3A_253 : memref<128x16xf32, #tpu.memory_space<vmem>>[vector<16xi32>, vector<16xi32>], vector<16xf32>,
      %add3A_256 = arith.constant 3 : i32
      %add3A_257 = vector.broadcast %add3A_256 : i32 to vector<16xi32>
      %add3A_258 = arith.addi %get3A_237, %add3A_257 : vector<16xi32>
      %gather3A_259 = tpu.vector_load_idx %arg14[%add3A_235, %add3A_258] : memref<128x128xf32, #tpu.memory_space<vmem>>[vector<16xi32>, vector<16xi32>], vector<16xf32>,
      %broadcast_in_dim3A_260 = arith.constant 3 : i32
      %broadcast_in_dim3A_261 = vector.broadcast %broadcast_in_dim3A_260 : i32 to vector<16xi32>
      tpu.vector_store_idx %arg16[%add3A_235, %broadcast_in_dim3A_261], %gather3A_259 : memref<128x16xf32, #tpu.memory_space<vmem>>[vector<16xi32>, vector<16xi32>], vector<16xf32>,
      %add3A_262 = arith.constant 4 : i32
      %add3A_263 = vector.broadcast %add3A_262 : i32 to vector<16xi32>
      %add3A_264 = arith.addi %get3A_237, %add3A_263 : vector<16xi32>
      %gather3A_265 = tpu.vector_load_idx %arg14[%add3A_235, %add3A_264] : memref<128x128xf32, #tpu.memory_space<vmem>>[vector<16xi32>, vector<16xi32>], vector<16xf32>,
      %broadcast_in_dim3A_266 = arith.constant 4 : i32
      %broadcast_in_dim3A_267 = vector.broadcast %broadcast_in_dim3A_266 : i32 to vector<16xi32>
      tpu.vector_store_idx %arg16[%add3A_235, %broadcast_in_dim3A_267], %gather3A_265 : memref<128x16xf32, #tpu.memory_space<vmem>>[vector<16xi32>, vector<16xi32>], vector<16xf32>,
      %add3A_268 = arith.constant 5 : i32
      %add3A_269 = vector.broadcast %add3A_268 : i32 to vector<16xi32>
      %add3A_270 = arith.addi %get3A_237, %add3A_269 : vector<16xi32>
      %gather3A_271 = tpu.vector_load_idx %arg14[%add3A_235, %add3A_270] : memref<128x128xf32, #tpu.memory_space<vmem>>[vector<16xi32>, vector<16xi32>], vector<16xf32>,
      %broadcast_in_dim3A_272 = arith.constant 5 : i32
      %broadcast_in_dim3A_273 = vector.broadcast %broadcast_in_dim3A_272 : i32 to vector<16xi32>
      tpu.vector_store_idx %arg16[%add3A_235, %broadcast_in_dim3A_273], %gather3A_271 : memref<128x16xf32, #tpu.memory_space<vmem>>[vector<16xi32>, vector<16xi32>], vector<16xf32>,
      %add3A_274 = arith.constant 6 : i32
      %add3A_275 = vector.broadcast %add3A_274 : i32 to vector<16xi32>
      %add3A_276 = arith.addi %get3A_237, %add3A_275 : vector<16xi32>
      %gather3A_277 = tpu.vector_load_idx %arg14[%add3A_235, %add3A_276] : memref<128x128xf32, #tpu.memory_space<vmem>>[vector<16xi32>, vector<16xi32>], vector<16xf32>,
      %broadcast_in_dim3A_278 = arith.constant 6 : i32
      %broadcast_in_dim3A_279 = vector.broadcast %broadcast_in_dim3A_278 : i32 to vector<16xi32>
      tpu.vector_store_idx %arg16[%add3A_235, %broadcast_in_dim3A_279], %gather3A_277 : memref<128x16xf32, #tpu.memory_space<vmem>>[vector<16xi32>, vector<16xi32>], vector<16xf32>,
      %add3A_280 = arith.constant 7 : i32
      %add3A_281 = vector.broadcast %add3A_280 : i32 to vector<16xi32>
      %add3A_282 = arith.addi %get3A_237, %add3A_281 : vector<16xi32>
      %gather3A_283 = tpu.vector_load_idx %arg14[%add3A_235, %add3A_282] : memref<128x128xf32, #tpu.memory_space<vmem>>[vector<16xi32>, vector<16xi32>], vector<16xf32>,
      %broadcast_in_dim3A_284 = arith.constant 7 : i32
      %broadcast_in_dim3A_285 = vector.broadcast %broadcast_in_dim3A_284 : i32 to vector<16xi32>
      tpu.vector_store_idx %arg16[%add3A_235, %broadcast_in_dim3A_285], %gather3A_283 : memref<128x16xf32, #tpu.memory_space<vmem>>[vector<16xi32>, vector<16xi32>], vector<16xf32>,
      %add3A_286 = arith.constant 8 : i32
      %add3A_287 = vector.broadcast %add3A_286 : i32 to vector<16xi32>
      %add3A_288 = arith.addi %get3A_237, %add3A_287 : vector<16xi32>
      %gather3A_289 = tpu.vector_load_idx %arg14[%add3A_235, %add3A_288] : memref<128x128xf32, #tpu.memory_space<vmem>>[vector<16xi32>, vector<16xi32>], vector<16xf32>,
      %broadcast_in_dim3A_290 = arith.constant 8 : i32
      %broadcast_in_dim3A_291 = vector.broadcast %broadcast_in_dim3A_290 : i32 to vector<16xi32>
      tpu.vector_store_idx %arg16[%add3A_235, %broadcast_in_dim3A_291], %gather3A_289 : memref<128x16xf32, #tpu.memory_space<vmem>>[vector<16xi32>, vector<16xi32>], vector<16xf32>,
      %add3A_292 = arith.constant 9 : i32
      %add3A_293 = vector.broadcast %add3A_292 : i32 to vector<16xi32>
      %add3A_294 = arith.addi %get3A_237, %add3A_293 : vector<16xi32>
      %gather3A_295 = tpu.vector_load_idx %arg14[%add3A_235, %add3A_294] : memref<128x128xf32, #tpu.memory_space<vmem>>[vector<16xi32>, vector<16xi32>], vector<16xf32>,
      %broadcast_in_dim3A_296 = arith.constant 9 : i32
      %broadcast_in_dim3A_297 = vector.broadcast %broadcast_in_dim3A_296 : i32 to vector<16xi32>
      tpu.vector_store_idx %arg16[%add3A_235, %broadcast_in_dim3A_297], %gather3A_295 : memref<128x16xf32, #tpu.memory_space<vmem>>[vector<16xi32>, vector<16xi32>], vector<16xf32>,
      %add3A_298 = arith.constant 10 : i32
      %add3A_299 = vector.broadcast %add3A_298 : i32 to vector<16xi32>
      %add3A_300 = arith.addi %get3A_237, %add3A_299 : vector<16xi32>
      %gather3A_301 = tpu.vector_load_idx %arg14[%add3A_235, %add3A_300] : memref<128x128xf32, #tpu.memory_space<vmem>>[vector<16xi32>, vector<16xi32>], vector<16xf32>,
      %broadcast_in_dim3A_302 = arith.constant 10 : i32
      %broadcast_in_dim3A_303 = vector.broadcast %broadcast_in_dim3A_302 : i32 to vector<16xi32>
      tpu.vector_store_idx %arg16[%add3A_235, %broadcast_in_dim3A_303], %gather3A_301 : memref<128x16xf32, #tpu.memory_space<vmem>>[vector<16xi32>, vector<16xi32>], vector<16xf32>,
      %add3A_304 = arith.constant 11 : i32
      %add3A_305 = vector.broadcast %add3A_304 : i32 to vector<16xi32>
      %add3A_306 = arith.addi %get3A_237, %add3A_305 : vector<16xi32>
      %gather3A_307 = tpu.vector_load_idx %arg14[%add3A_235, %add3A_306] : memref<128x128xf32, #tpu.memory_space<vmem>>[vector<16xi32>, vector<16xi32>], vector<16xf32>,
      %broadcast_in_dim3A_308 = arith.constant 11 : i32
      %broadcast_in_dim3A_309 = vector.broadcast %broadcast_in_dim3A_308 : i32 to vector<16xi32>
      tpu.vector_store_idx %arg16[%add3A_235, %broadcast_in_dim3A_309], %gather3A_307 : memref<128x16xf32, #tpu.memory_space<vmem>>[vector<16xi32>, vector<16xi32>], vector<16xf32>,
      %add3A_310 = arith.constant 12 : i32
      %add3A_311 = vector.broadcast %add3A_310 : i32 to vector<16xi32>
      %add3A_312 = arith.addi %get3A_237, %add3A_311 : vector<16xi32>
      %gather3A_313 = tpu.vector_load_idx %arg14[%add3A_235, %add3A_312] : memref<128x128xf32, #tpu.memory_space<vmem>>[vector<16xi32>, vector<16xi32>], vector<16xf32>,
      %broadcast_in_dim3A_314 = arith.constant 12 : i32
      %broadcast_in_dim3A_315 = vector.broadcast %broadcast_in_dim3A_314 : i32 to vector<16xi32>
      tpu.vector_store_idx %arg16[%add3A_235, %broadcast_in_dim3A_315], %gather3A_313 : memref<128x16xf32, #tpu.memory_space<vmem>>[vector<16xi32>, vector<16xi32>], vector<16xf32>,
      %add3A_316 = arith.constant 13 : i32
      %add3A_317 = vector.broadcast %add3A_316 : i32 to vector<16xi32>
      %add3A_318 = arith.addi %get3A_237, %add3A_317 : vector<16xi32>
      %gather3A_319 = tpu.vector_load_idx %arg14[%add3A_235, %add3A_318] : memref<128x128xf32, #tpu.memory_space<vmem>>[vector<16xi32>, vector<16xi32>], vector<16xf32>,
      %broadcast_in_dim3A_320 = arith.constant 13 : i32
      %broadcast_in_dim3A_321 = vector.broadcast %broadcast_in_dim3A_320 : i32 to vector<16xi32>
      tpu.vector_store_idx %arg16[%add3A_235, %broadcast_in_dim3A_321], %gather3A_319 : memref<128x16xf32, #tpu.memory_space<vmem>>[vector<16xi32>, vector<16xi32>], vector<16xf32>,
      %add3A_322 = arith.constant 14 : i32
      %add3A_323 = vector.broadcast %add3A_322 : i32 to vector<16xi32>
      %add3A_324 = arith.addi %get3A_237, %add3A_323 : vector<16xi32>
      %gather3A_325 = tpu.vector_load_idx %arg14[%add3A_235, %add3A_324] : memref<128x128xf32, #tpu.memory_space<vmem>>[vector<16xi32>, vector<16xi32>], vector<16xf32>,
      %broadcast_in_dim3A_326 = arith.constant 14 : i32
      %broadcast_in_dim3A_327 = vector.broadcast %broadcast_in_dim3A_326 : i32 to vector<16xi32>
      tpu.vector_store_idx %arg16[%add3A_235, %broadcast_in_dim3A_327], %gather3A_325 : memref<128x16xf32, #tpu.memory_space<vmem>>[vector<16xi32>, vector<16xi32>], vector<16xf32>,
      %add3A_328 = arith.constant 15 : i32
      %add3A_329 = vector.broadcast %add3A_328 : i32 to vector<16xi32>
      %add3A_330 = arith.addi %get3A_237, %add3A_329 : vector<16xi32>
      %gather3A_331 = tpu.vector_load_idx %arg14[%add3A_235, %add3A_330] : memref<128x128xf32, #tpu.memory_space<vmem>>[vector<16xi32>, vector<16xi32>], vector<16xf32>,
      %broadcast_in_dim3A_332 = arith.constant 15 : i32
      %broadcast_in_dim3A_333 = vector.broadcast %broadcast_in_dim3A_332 : i32 to vector<16xi32>
      tpu.vector_store_idx %arg16[%add3A_235, %broadcast_in_dim3A_333], %gather3A_331 : memref<128x16xf32, #tpu.memory_space<vmem>>[vector<16xi32>, vector<16xi32>], vector<16xf32>,
      %get3A_334 = arith.constant 32 : index
      %get3A_335 = tpu.vector_load %arg13[%get3A_334] {strides = array<i32>} : memref<128xi32, #tpu.memory_space<vmem>>, vector<16xi32>,
      %gather3A_336 = tpu.vector_load_idx %arg15[%add3A_235, %get3A_335] : memref<128x128xf32, #tpu.memory_space<vmem>>[vector<16xi32>, vector<16xi32>], vector<16xf32>,
      %swap3A_337 = arith.constant 32 : index
      %swap3A_338 = tpu.vector_load %arg17[%swap3A_337] {strides = array<i32>} : memref<128xf32, #tpu.memory_space<vmem>>, vector<16xf32>,
      tpu.vector_store %arg17[%swap3A_337], %gather3A_336 {strides = array<i32>} : memref<128xf32, #tpu.memory_space<vmem>>, vector<16xf32>,
      %add3A_339 = arith.constant 48 : i32
      %add3A_340 = vector.broadcast %add3A_339 : i32 to vector<16xi32>
      %add3A_341 = arith.addi %iota3A, %add3A_340 : vector<16xi32>
      %get3A_342 = arith.constant 48 : index
      %get3A_343 = tpu.vector_load %arg11[%get3A_342] {strides = array<i32>} : memref<128xi32, #tpu.memory_space<vmem>>, vector<16xi32>,
      %add3A_344 = arith.constant 0 : i32
      %add3A_345 = vector.broadcast %add3A_344 : i32 to vector<16xi32>
      %add3A_346 = arith.addi %get3A_343, %add3A_345 : vector<16xi32>
      %gather3A_347 = tpu.vector_load_idx %arg14[%add3A_341, %add3A_346] : memref<128x128xf32, #tpu.memory_space<vmem>>[vector<16xi32>, vector<16xi32>], vector<16xf32>,
      %broadcast_in_dim3A_348 = arith.constant 0 : i32
      %broadcast_in_dim3A_349 = vector.broadcast %broadcast_in_dim3A_348 : i32 to vector<16xi32>
      tpu.vector_store_idx %arg16[%add3A_341, %broadcast_in_dim3A_349], %gather3A_347 : memref<128x16xf32, #tpu.memory_space<vmem>>[vector<16xi32>, vector<16xi32>], vector<16xf32>,
      %add3A_350 = arith.constant 1 : i32
      %add3A_351 = vector.broadcast %add3A_350 : i32 to vector<16xi32>
      %add3A_352 = arith.addi %get3A_343, %add3A_351 : vector<16xi32>
      %gather3A_353 = tpu.vector_load_idx %arg14[%add3A_341, %add3A_352] : memref<128x128xf32, #tpu.memory_space<vmem>>[vector<16xi32>, vector<16xi32>], vector<16xf32>,
      %broadcast_in_dim3A_354 = arith.constant 1 : i32
      %broadcast_in_dim3A_355 = vector.broadcast %broadcast_in_dim3A_354 : i32 to vector<16xi32>
      tpu.vector_store_idx %arg16[%add3A_341, %broadcast_in_dim3A_355], %gather3A_353 : memref<128x16xf32, #tpu.memory_space<vmem>>[vector<16xi32>, vector<16xi32>], vector<16xf32>,
      %add3A_356 = arith.constant 2 : i32
      %add3A_357 = vector.broadcast %add3A_356 : i32 to vector<16xi32>
      %add3A_358 = arith.addi %get3A_343, %add3A_357 : vector<16xi32>
      %gather3A_359 = tpu.vector_load_idx %arg14[%add3A_341, %add3A_358] : memref<128x128xf32, #tpu.memory_space<vmem>>[vector<16xi32>, vector<16xi32>], vector<16xf32>,
      %broadcast_in_dim3A_360 = arith.constant 2 : i32
      %broadcast_in_dim3A_361 = vector.broadcast %broadcast_in_dim3A_360 : i32 to vector<16xi32>
      tpu.vector_store_idx %arg16[%add3A_341, %broadcast_in_dim3A_361], %gather3A_359 : memref<128x16xf32, #tpu.memory_space<vmem>>[vector<16xi32>, vector<16xi32>], vector<16xf32>,
      %add3A_362 = arith.constant 3 : i32
      %add3A_363 = vector.broadcast %add3A_362 : i32 to vector<16xi32>
      %add3A_364 = arith.addi %get3A_343, %add3A_363 : vector<16xi32>
      %gather3A_365 = tpu.vector_load_idx %arg14[%add3A_341, %add3A_364] : memref<128x128xf32, #tpu.memory_space<vmem>>[vector<16xi32>, vector<16xi32>], vector<16xf32>,
      %broadcast_in_dim3A_366 = arith.constant 3 : i32
      %broadcast_in_dim3A_367 = vector.broadcast %broadcast_in_dim3A_366 : i32 to vector<16xi32>
      tpu.vector_store_idx %arg16[%add3A_341, %broadcast_in_dim3A_367], %gather3A_365 : memref<128x16xf32, #tpu.memory_space<vmem>>[vector<16xi32>, vector<16xi32>], vector<16xf32>,
      %add3A_368 = arith.constant 4 : i32
      %add3A_369 = vector.broadcast %add3A_368 : i32 to vector<16xi32>
      %add3A_370 = arith.addi %get3A_343, %add3A_369 : vector<16xi32>
      %gather3A_371 = tpu.vector_load_idx %arg14[%add3A_341, %add3A_370] : memref<128x128xf32, #tpu.memory_space<vmem>>[vector<16xi32>, vector<16xi32>], vector<16xf32>,
      %broadcast_in_dim3A_372 = arith.constant 4 : i32
      %broadcast_in_dim3A_373 = vector.broadcast %broadcast_in_dim3A_372 : i32 to vector<16xi32>
      tpu.vector_store_idx %arg16[%add3A_341, %broadcast_in_dim3A_373], %gather3A_371 : memref<128x16xf32, #tpu.memory_space<vmem>>[vector<16xi32>, vector<16xi32>], vector<16xf32>,
      %add3A_374 = arith.constant 5 : i32
      %add3A_375 = vector.broadcast %add3A_374 : i32 to vector<16xi32>
      %add3A_376 = arith.addi %get3A_343, %add3A_375 : vector<16xi32>
      %gather3A_377 = tpu.vector_load_idx %arg14[%add3A_341, %add3A_376] : memref<128x128xf32, #tpu.memory_space<vmem>>[vector<16xi32>, vector<16xi32>], vector<16xf32>,
      %broadcast_in_dim3A_378 = arith.constant 5 : i32
      %broadcast_in_dim3A_379 = vector.broadcast %broadcast_in_dim3A_378 : i32 to vector<16xi32>
      tpu.vector_store_idx %arg16[%add3A_341, %broadcast_in_dim3A_379], %gather3A_377 : memref<128x16xf32, #tpu.memory_space<vmem>>[vector<16xi32>, vector<16xi32>], vector<16xf32>,
      %add3A_380 = arith.constant 6 : i32
      %add3A_381 = vector.broadcast %add3A_380 : i32 to vector<16xi32>
      %add3A_382 = arith.addi %get3A_343, %add3A_381 : vector<16xi32>
      %gather3A_383 = tpu.vector_load_idx %arg14[%add3A_341, %add3A_382] : memref<128x128xf32, #tpu.memory_space<vmem>>[vector<16xi32>, vector<16xi32>], vector<16xf32>,
      %broadcast_in_dim3A_384 = arith.constant 6 : i32
      %broadcast_in_dim3A_385 = vector.broadcast %broadcast_in_dim3A_384 : i32 to vector<16xi32>
      tpu.vector_store_idx %arg16[%add3A_341, %broadcast_in_dim3A_385], %gather3A_383 : memref<128x16xf32, #tpu.memory_space<vmem>>[vector<16xi32>, vector<16xi32>], vector<16xf32>,
      %add3A_386 = arith.constant 7 : i32
      %add3A_387 = vector.broadcast %add3A_386 : i32 to vector<16xi32>
      %add3A_388 = arith.addi %get3A_343, %add3A_387 : vector<16xi32>
      %gather3A_389 = tpu.vector_load_idx %arg14[%add3A_341, %add3A_388] : memref<128x128xf32, #tpu.memory_space<vmem>>[vector<16xi32>, vector<16xi32>], vector<16xf32>,
      %broadcast_in_dim3A_390 = arith.constant 7 : i32
      %broadcast_in_dim3A_391 = vector.broadcast %broadcast_in_dim3A_390 : i32 to vector<16xi32>
      tpu.vector_store_idx %arg16[%add3A_341, %broadcast_in_dim3A_391], %gather3A_389 : memref<128x16xf32, #tpu.memory_space<vmem>>[vector<16xi32>, vector<16xi32>], vector<16xf32>,
      %add3A_392 = arith.constant 8 : i32
      %add3A_393 = vector.broadcast %add3A_392 : i32 to vector<16xi32>
      %add3A_394 = arith.addi %get3A_343, %add3A_393 : vector<16xi32>
      %gather3A_395 = tpu.vector_load_idx %arg14[%add3A_341, %add3A_394] : memref<128x128xf32, #tpu.memory_space<vmem>>[vector<16xi32>, vector<16xi32>], vector<16xf32>,
      %broadcast_in_dim3A_396 = arith.constant 8 : i32
      %broadcast_in_dim3A_397 = vector.broadcast %broadcast_in_dim3A_396 : i32 to vector<16xi32>
      tpu.vector_store_idx %arg16[%add3A_341, %broadcast_in_dim3A_397], %gather3A_395 : memref<128x16xf32, #tpu.memory_space<vmem>>[vector<16xi32>, vector<16xi32>], vector<16xf32>,
      %add3A_398 = arith.constant 9 : i32
      %add3A_399 = vector.broadcast %add3A_398 : i32 to vector<16xi32>
      %add3A_400 = arith.addi %get3A_343, %add3A_399 : vector<16xi32>
      %gather3A_401 = tpu.vector_load_idx %arg14[%add3A_341, %add3A_400] : memref<128x128xf32, #tpu.memory_space<vmem>>[vector<16xi32>, vector<16xi32>], vector<16xf32>,
      %broadcast_in_dim3A_402 = arith.constant 9 : i32
      %broadcast_in_dim3A_403 = vector.broadcast %broadcast_in_dim3A_402 : i32 to vector<16xi32>
      tpu.vector_store_idx %arg16[%add3A_341, %broadcast_in_dim3A_403], %gather3A_401 : memref<128x16xf32, #tpu.memory_space<vmem>>[vector<16xi32>, vector<16xi32>], vector<16xf32>,
      %add3A_404 = arith.constant 10 : i32
      %add3A_405 = vector.broadcast %add3A_404 : i32 to vector<16xi32>
      %add3A_406 = arith.addi %get3A_343, %add3A_405 : vector<16xi32>
      %gather3A_407 = tpu.vector_load_idx %arg14[%add3A_341, %add3A_406] : memref<128x128xf32, #tpu.memory_space<vmem>>[vector<16xi32>, vector<16xi32>], vector<16xf32>,
      %broadcast_in_dim3A_408 = arith.constant 10 : i32
      %broadcast_in_dim3A_409 = vector.broadcast %broadcast_in_dim3A_408 : i32 to vector<16xi32>
      tpu.vector_store_idx %arg16[%add3A_341, %broadcast_in_dim3A_409], %gather3A_407 : memref<128x16xf32, #tpu.memory_space<vmem>>[vector<16xi32>, vector<16xi32>], vector<16xf32>,
      %add3A_410 = arith.constant 11 : i32
      %add3A_411 = vector.broadcast %add3A_410 : i32 to vector<16xi32>
      %add3A_412 = arith.addi %get3A_343, %add3A_411 : vector<16xi32>
      %gather3A_413 = tpu.vector_load_idx %arg14[%add3A_341, %add3A_412] : memref<128x128xf32, #tpu.memory_space<vmem>>[vector<16xi32>, vector<16xi32>], vector<16xf32>,
      %broadcast_in_dim3A_414 = arith.constant 11 : i32
      %broadcast_in_dim3A_415 = vector.broadcast %broadcast_in_dim3A_414 : i32 to vector<16xi32>
      tpu.vector_store_idx %arg16[%add3A_341, %broadcast_in_dim3A_415], %gather3A_413 : memref<128x16xf32, #tpu.memory_space<vmem>>[vector<16xi32>, vector<16xi32>], vector<16xf32>,
      %add3A_416 = arith.constant 12 : i32
      %add3A_417 = vector.broadcast %add3A_416 : i32 to vector<16xi32>
      %add3A_418 = arith.addi %get3A_343, %add3A_417 : vector<16xi32>
      %gather3A_419 = tpu.vector_load_idx %arg14[%add3A_341, %add3A_418] : memref<128x128xf32, #tpu.memory_space<vmem>>[vector<16xi32>, vector<16xi32>], vector<16xf32>,
      %broadcast_in_dim3A_420 = arith.constant 12 : i32
      %broadcast_in_dim3A_421 = vector.broadcast %broadcast_in_dim3A_420 : i32 to vector<16xi32>
      tpu.vector_store_idx %arg16[%add3A_341, %broadcast_in_dim3A_421], %gather3A_419 : memref<128x16xf32, #tpu.memory_space<vmem>>[vector<16xi32>, vector<16xi32>], vector<16xf32>,
      %add3A_422 = arith.constant 13 : i32
      %add3A_423 = vector.broadcast %add3A_422 : i32 to vector<16xi32>
      %add3A_424 = arith.addi %get3A_343, %add3A_423 : vector<16xi32>
      %gather3A_425 = tpu.vector_load_idx %arg14[%add3A_341, %add3A_424] : memref<128x128xf32, #tpu.memory_space<vmem>>[vector<16xi32>, vector<16xi32>], vector<16xf32>,
      %broadcast_in_dim3A_426 = arith.constant 13 : i32
      %broadcast_in_dim3A_427 = vector.broadcast %broadcast_in_dim3A_426 : i32 to vector<16xi32>
      tpu.vector_store_idx %arg16[%add3A_341, %broadcast_in_dim3A_427], %gather3A_425 : memref<128x16xf32, #tpu.memory_space<vmem>>[vector<16xi32>, vector<16xi32>], vector<16xf32>,
      %add3A_428 = arith.constant 14 : i32
      %add3A_429 = vector.broadcast %add3A_428 : i32 to vector<16xi32>
      %add3A_430 = arith.addi %get3A_343, %add3A_429 : vector<16xi32>
      %gather3A_431 = tpu.vector_load_idx %arg14[%add3A_341, %add3A_430] : memref<128x128xf32, #tpu.memory_space<vmem>>[vector<16xi32>, vector<16xi32>], vector<16xf32>,
      %broadcast_in_dim3A_432 = arith.constant 14 : i32
      %broadcast_in_dim3A_433 = vector.broadcast %broadcast_in_dim3A_432 : i32 to vector<16xi32>
      tpu.vector_store_idx %arg16[%add3A_341, %broadcast_in_dim3A_433], %gather3A_431 : memref<128x16xf32, #tpu.memory_space<vmem>>[vector<16xi32>, vector<16xi32>], vector<16xf32>,
      %add3A_434 = arith.constant 15 : i32
      %add3A_435 = vector.broadcast %add3A_434 : i32 to vector<16xi32>
      %add3A_436 = arith.addi %get3A_343, %add3A_435 : vector<16xi32>
      %gather3A_437 = tpu.vector_load_idx %arg14[%add3A_341, %add3A_436] : memref<128x128xf32, #tpu.memory_space<vmem>>[vector<16xi32>, vector<16xi32>], vector<16xf32>,
      %broadcast_in_dim3A_438 = arith.constant 15 : i32
      %broadcast_in_dim3A_439 = vector.broadcast %broadcast_in_dim3A_438 : i32 to vector<16xi32>
      tpu.vector_store_idx %arg16[%add3A_341, %broadcast_in_dim3A_439], %gather3A_437 : memref<128x16xf32, #tpu.memory_space<vmem>>[vector<16xi32>, vector<16xi32>], vector<16xf32>,
      %get3A_440 = arith.constant 48 : index
      %get3A_441 = tpu.vector_load %arg13[%get3A_440] {strides = array<i32>} : memref<128xi32, #tpu.memory_space<vmem>>, vector<16xi32>,
      %gather3A_442 = tpu.vector_load_idx %arg15[%add3A_341, %get3A_441] : memref<128x128xf32, #tpu.memory_space<vmem>>[vector<16xi32>, vector<16xi32>], vector<16xf32>,
      %swap3A_443 = arith.constant 48 : index
      %swap3A_444 = tpu.vector_load %arg17[%swap3A_443] {strides = array<i32>} : memref<128xf32, #tpu.memory_space<vmem>>, vector<16xf32>,
      tpu.vector_store %arg17[%swap3A_443], %gather3A_442 {strides = array<i32>} : memref<128xf32, #tpu.memory_space<vmem>>, vector<16xf32>,
      %add3A_445 = arith.constant 64 : i32
      %add3A_446 = vector.broadcast %add3A_445 : i32 to vector<16xi32>
      %add3A_447 = arith.addi %iota3A, %add3A_446 : vector<16xi32>
      %get3A_448 = arith.constant 64 : index
      %get3A_449 = tpu.vector_load %arg11[%get3A_448] {strides = array<i32>} : memref<128xi32, #tpu.memory_space<vmem>>, vector<16xi32>,
      %add3A_450 = arith.constant 0 : i32
      %add3A_451 = vector.broadcast %add3A_450 : i32 to vector<16xi32>
      %add3A_452 = arith.addi %get3A_449, %add3A_451 : vector<16xi32>
      %gather3A_453 = tpu.vector_load_idx %arg14[%add3A_447, %add3A_452] : memref<128x128xf32, #tpu.memory_space<vmem>>[vector<16xi32>, vector<16xi32>], vector<16xf32>,
      %broadcast_in_dim3A_454 = arith.constant 0 : i32
      %broadcast_in_dim3A_455 = vector.broadcast %broadcast_in_dim3A_454 : i32 to vector<16xi32>
      tpu.vector_store_idx %arg16[%add3A_447, %broadcast_in_dim3A_455], %gather3A_453 : memref<128x16xf32, #tpu.memory_space<vmem>>[vector<16xi32>, vector<16xi32>], vector<16xf32>,
      %add3A_456 = arith.constant 1 : i32
      %add3A_457 = vector.broadcast %add3A_456 : i32 to vector<16xi32>
      %add3A_458 = arith.addi %get3A_449, %add3A_457 : vector<16xi32>
      %gather3A_459 = tpu.vector_load_idx %arg14[%add3A_447, %add3A_458] : memref<128x128xf32, #tpu.memory_space<vmem>>[vector<16xi32>, vector<16xi32>], vector<16xf32>,
      %broadcast_in_dim3A_460 = arith.constant 1 : i32
      %broadcast_in_dim3A_461 = vector.broadcast %broadcast_in_dim3A_460 : i32 to vector<16xi32>
      tpu.vector_store_idx %arg16[%add3A_447, %broadcast_in_dim3A_461], %gather3A_459 : memref<128x16xf32, #tpu.memory_space<vmem>>[vector<16xi32>, vector<16xi32>], vector<16xf32>,
      %add3A_462 = arith.constant 2 : i32
      %add3A_463 = vector.broadcast %add3A_462 : i32 to vector<16xi32>
      %add3A_464 = arith.addi %get3A_449, %add3A_463 : vector<16xi32>
      %gather3A_465 = tpu.vector_load_idx %arg14[%add3A_447, %add3A_464] : memref<128x128xf32, #tpu.memory_space<vmem>>[vector<16xi32>, vector<16xi32>], vector<16xf32>,
      %broadcast_in_dim3A_466 = arith.constant 2 : i32
      %broadcast_in_dim3A_467 = vector.broadcast %broadcast_in_dim3A_466 : i32 to vector<16xi32>
      tpu.vector_store_idx %arg16[%add3A_447, %broadcast_in_dim3A_467], %gather3A_465 : memref<128x16xf32, #tpu.memory_space<vmem>>[vector<16xi32>, vector<16xi32>], vector<16xf32>,
      %add3A_468 = arith.constant 3 : i32
      %add3A_469 = vector.broadcast %add3A_468 : i32 to vector<16xi32>
      %add3A_470 = arith.addi %get3A_449, %add3A_469 : vector<16xi32>
      %gather3A_471 = tpu.vector_load_idx %arg14[%add3A_447, %add3A_470] : memref<128x128xf32, #tpu.memory_space<vmem>>[vector<16xi32>, vector<16xi32>], vector<16xf32>,
      %broadcast_in_dim3A_472 = arith.constant 3 : i32
      %broadcast_in_dim3A_473 = vector.broadcast %broadcast_in_dim3A_472 : i32 to vector<16xi32>
      tpu.vector_store_idx %arg16[%add3A_447, %broadcast_in_dim3A_473], %gather3A_471 : memref<128x16xf32, #tpu.memory_space<vmem>>[vector<16xi32>, vector<16xi32>], vector<16xf32>,
      %add3A_474 = arith.constant 4 : i32
      %add3A_475 = vector.broadcast %add3A_474 : i32 to vector<16xi32>
      %add3A_476 = arith.addi %get3A_449, %add3A_475 : vector<16xi32>
      %gather3A_477 = tpu.vector_load_idx %arg14[%add3A_447, %add3A_476] : memref<128x128xf32, #tpu.memory_space<vmem>>[vector<16xi32>, vector<16xi32>], vector<16xf32>,
      %broadcast_in_dim3A_478 = arith.constant 4 : i32
      %broadcast_in_dim3A_479 = vector.broadcast %broadcast_in_dim3A_478 : i32 to vector<16xi32>
      tpu.vector_store_idx %arg16[%add3A_447, %broadcast_in_dim3A_479], %gather3A_477 : memref<128x16xf32, #tpu.memory_space<vmem>>[vector<16xi32>, vector<16xi32>], vector<16xf32>,
      %add3A_480 = arith.constant 5 : i32
      %add3A_481 = vector.broadcast %add3A_480 : i32 to vector<16xi32>
      %add3A_482 = arith.addi %get3A_449, %add3A_481 : vector<16xi32>
      %gather3A_483 = tpu.vector_load_idx %arg14[%add3A_447, %add3A_482] : memref<128x128xf32, #tpu.memory_space<vmem>>[vector<16xi32>, vector<16xi32>], vector<16xf32>,
      %broadcast_in_dim3A_484 = arith.constant 5 : i32
      %broadcast_in_dim3A_485 = vector.broadcast %broadcast_in_dim3A_484 : i32 to vector<16xi32>
      tpu.vector_store_idx %arg16[%add3A_447, %broadcast_in_dim3A_485], %gather3A_483 : memref<128x16xf32, #tpu.memory_space<vmem>>[vector<16xi32>, vector<16xi32>], vector<16xf32>,
      %add3A_486 = arith.constant 6 : i32
      %add3A_487 = vector.broadcast %add3A_486 : i32 to vector<16xi32>
      %add3A_488 = arith.addi %get3A_449, %add3A_487 : vector<16xi32>
      %gather3A_489 = tpu.vector_load_idx %arg14[%add3A_447, %add3A_488] : memref<128x128xf32, #tpu.memory_space<vmem>>[vector<16xi32>, vector<16xi32>], vector<16xf32>,
      %broadcast_in_dim3A_490 = arith.constant 6 : i32
      %broadcast_in_dim3A_491 = vector.broadcast %broadcast_in_dim3A_490 : i32 to vector<16xi32>
      tpu.vector_store_idx %arg16[%add3A_447, %broadcast_in_dim3A_491], %gather3A_489 : memref<128x16xf32, #tpu.memory_space<vmem>>[vector<16xi32>, vector<16xi32>], vector<16xf32>,
      %add3A_492 = arith.constant 7 : i32
      %add3A_493 = vector.broadcast %add3A_492 : i32 to vector<16xi32>
      %add3A_494 = arith.addi %get3A_449, %add3A_493 : vector<16xi32>
      %gather3A_495 = tpu.vector_load_idx %arg14[%add3A_447, %add3A_494] : memref<128x128xf32, #tpu.memory_space<vmem>>[vector<16xi32>, vector<16xi32>], vector<16xf32>,
      %broadcast_in_dim3A_496 = arith.constant 7 : i32
      %broadcast_in_dim3A_497 = vector.broadcast %broadcast_in_dim3A_496 : i32 to vector<16xi32>
      tpu.vector_store_idx %arg16[%add3A_447, %broadcast_in_dim3A_497], %gather3A_495 : memref<128x16xf32, #tpu.memory_space<vmem>>[vector<16xi32>, vector<16xi32>], vector<16xf32>,
      %add3A_498 = arith.constant 8 : i32
      %add3A_499 = vector.broadcast %add3A_498 : i32 to vector<16xi32>
      %add3A_500 = arith.addi %get3A_449, %add3A_499 : vector<16xi32>
      %gather3A_501 = tpu.vector_load_idx %arg14[%add3A_447, %add3A_500] : memref<128x128xf32, #tpu.memory_space<vmem>>[vector<16xi32>, vector<16xi32>], vector<16xf32>,
      %broadcast_in_dim3A_502 = arith.constant 8 : i32
      %broadcast_in_dim3A_503 = vector.broadcast %broadcast_in_dim3A_502 : i32 to vector<16xi32>
      tpu.vector_store_idx %arg16[%add3A_447, %broadcast_in_dim3A_503], %gather3A_501 : memref<128x16xf32, #tpu.memory_space<vmem>>[vector<16xi32>, vector<16xi32>], vector<16xf32>,
      %add3A_504 = arith.constant 9 : i32
      %add3A_505 = vector.broadcast %add3A_504 : i32 to vector<16xi32>
      %add3A_506 = arith.addi %get3A_449, %add3A_505 : vector<16xi32>
      %gather3A_507 = tpu.vector_load_idx %arg14[%add3A_447, %add3A_506] : memref<128x128xf32, #tpu.memory_space<vmem>>[vector<16xi32>, vector<16xi32>], vector<16xf32>,
      %broadcast_in_dim3A_508 = arith.constant 9 : i32
      %broadcast_in_dim3A_509 = vector.broadcast %broadcast_in_dim3A_508 : i32 to vector<16xi32>
      tpu.vector_store_idx %arg16[%add3A_447, %broadcast_in_dim3A_509], %gather3A_507 : memref<128x16xf32, #tpu.memory_space<vmem>>[vector<16xi32>, vector<16xi32>], vector<16xf32>,
      %add3A_510 = arith.constant 10 : i32
      %add3A_511 = vector.broadcast %add3A_510 : i32 to vector<16xi32>
      %add3A_512 = arith.addi %get3A_449, %add3A_511 : vector<16xi32>
      %gather3A_513 = tpu.vector_load_idx %arg14[%add3A_447, %add3A_512] : memref<128x128xf32, #tpu.memory_space<vmem>>[vector<16xi32>, vector<16xi32>], vector<16xf32>,
      %broadcast_in_dim3A_514 = arith.constant 10 : i32
      %broadcast_in_dim3A_515 = vector.broadcast %broadcast_in_dim3A_514 : i32 to vector<16xi32>
      tpu.vector_store_idx %arg16[%add3A_447, %broadcast_in_dim3A_515], %gather3A_513 : memref<128x16xf32, #tpu.memory_space<vmem>>[vector<16xi32>, vector<16xi32>], vector<16xf32>,
      %add3A_516 = arith.constant 11 : i32
      %add3A_517 = vector.broadcast %add3A_516 : i32 to vector<16xi32>
      %add3A_518 = arith.addi %get3A_449, %add3A_517 : vector<16xi32>
      %gather3A_519 = tpu.vector_load_idx %arg14[%add3A_447, %add3A_518] : memref<128x128xf32, #tpu.memory_space<vmem>>[vector<16xi32>, vector<16xi32>], vector<16xf32>,
      %broadcast_in_dim3A_520 = arith.constant 11 : i32
      %broadcast_in_dim3A_521 = vector.broadcast %broadcast_in_dim3A_520 : i32 to vector<16xi32>
      tpu.vector_store_idx %arg16[%add3A_447, %broadcast_in_dim3A_521], %gather3A_519 : memref<128x16xf32, #tpu.memory_space<vmem>>[vector<16xi32>, vector<16xi32>], vector<16xf32>,
      %add3A_522 = arith.constant 12 : i32
      %add3A_523 = vector.broadcast %add3A_522 : i32 to vector<16xi32>
      %add3A_524 = arith.addi %get3A_449, %add3A_523 : vector<16xi32>
      %gather3A_525 = tpu.vector_load_idx %arg14[%add3A_447, %add3A_524] : memref<128x128xf32, #tpu.memory_space<vmem>>[vector<16xi32>, vector<16xi32>], vector<16xf32>,
      %broadcast_in_dim3A_526 = arith.constant 12 : i32
      %broadcast_in_dim3A_527 = vector.broadcast %broadcast_in_dim3A_526 : i32 to vector<16xi32>
      tpu.vector_store_idx %arg16[%add3A_447, %broadcast_in_dim3A_527], %gather3A_525 : memref<128x16xf32, #tpu.memory_space<vmem>>[vector<16xi32>, vector<16xi32>], vector<16xf32>,
      %add3A_528 = arith.constant 13 : i32
      %add3A_529 = vector.broadcast %add3A_528 : i32 to vector<16xi32>
      %add3A_530 = arith.addi %get3A_449, %add3A_529 : vector<16xi32>
      %gather3A_531 = tpu.vector_load_idx %arg14[%add3A_447, %add3A_530] : memref<128x128xf32, #tpu.memory_space<vmem>>[vector<16xi32>, vector<16xi32>], vector<16xf32>,
      %broadcast_in_dim3A_532 = arith.constant 13 : i32
      %broadcast_in_dim3A_533 = vector.broadcast %broadcast_in_dim3A_532 : i32 to vector<16xi32>
      tpu.vector_store_idx %arg16[%add3A_447, %broadcast_in_dim3A_533], %gather3A_531 : memref<128x16xf32, #tpu.memory_space<vmem>>[vector<16xi32>, vector<16xi32>], vector<16xf32>,
      %add3A_534 = arith.constant 14 : i32
      %add3A_535 = vector.broadcast %add3A_534 : i32 to vector<16xi32>
      %add3A_536 = arith.addi %get3A_449, %add3A_535 : vector<16xi32>
      %gather3A_537 = tpu.vector_load_idx %arg14[%add3A_447, %add3A_536] : memref<128x128xf32, #tpu.memory_space<vmem>>[vector<16xi32>, vector<16xi32>], vector<16xf32>,
      %broadcast_in_dim3A_538 = arith.constant 14 : i32
      %broadcast_in_dim3A_539 = vector.broadcast %broadcast_in_dim3A_538 : i32 to vector<16xi32>
      tpu.vector_store_idx %arg16[%add3A_447, %broadcast_in_dim3A_539], %gather3A_537 : memref<128x16xf32, #tpu.memory_space<vmem>>[vector<16xi32>, vector<16xi32>], vector<16xf32>,
      %add3A_540 = arith.constant 15 : i32
      %add3A_541 = vector.broadcast %add3A_540 : i32 to vector<16xi32>
      %add3A_542 = arith.addi %get3A_449, %add3A_541 : vector<16xi32>
      %gather3A_543 = tpu.vector_load_idx %arg14[%add3A_447, %add3A_542] : memref<128x128xf32, #tpu.memory_space<vmem>>[vector<16xi32>, vector<16xi32>], vector<16xf32>,
      %broadcast_in_dim3A_544 = arith.constant 15 : i32
      %broadcast_in_dim3A_545 = vector.broadcast %broadcast_in_dim3A_544 : i32 to vector<16xi32>
      tpu.vector_store_idx %arg16[%add3A_447, %broadcast_in_dim3A_545], %gather3A_543 : memref<128x16xf32, #tpu.memory_space<vmem>>[vector<16xi32>, vector<16xi32>], vector<16xf32>,
      %get3A_546 = arith.constant 64 : index
      %get3A_547 = tpu.vector_load %arg13[%get3A_546] {strides = array<i32>} : memref<128xi32, #tpu.memory_space<vmem>>, vector<16xi32>,
      %gather3A_548 = tpu.vector_load_idx %arg15[%add3A_447, %get3A_547] : memref<128x128xf32, #tpu.memory_space<vmem>>[vector<16xi32>, vector<16xi32>], vector<16xf32>,
      %swap3A_549 = arith.constant 64 : index
      %swap3A_550 = tpu.vector_load %arg17[%swap3A_549] {strides = array<i32>} : memref<128xf32, #tpu.memory_space<vmem>>, vector<16xf32>,
      tpu.vector_store %arg17[%swap3A_549], %gather3A_548 {strides = array<i32>} : memref<128xf32, #tpu.memory_space<vmem>>, vector<16xf32>,
      %add3A_551 = arith.constant 80 : i32
      %add3A_552 = vector.broadcast %add3A_551 : i32 to vector<16xi32>
      %add3A_553 = arith.addi %iota3A, %add3A_552 : vector<16xi32>
      %get3A_554 = arith.constant 80 : index
      %get3A_555 = tpu.vector_load %arg11[%get3A_554] {strides = array<i32>} : memref<128xi32, #tpu.memory_space<vmem>>, vector<16xi32>,
      %add3A_556 = arith.constant 0 : i32
      %add3A_557 = vector.broadcast %add3A_556 : i32 to vector<16xi32>
      %add3A_558 = arith.addi %get3A_555, %add3A_557 : vector<16xi32>
      %gather3A_559 = tpu.vector_load_idx %arg14[%add3A_553, %add3A_558] : memref<128x128xf32, #tpu.memory_space<vmem>>[vector<16xi32>, vector<16xi32>], vector<16xf32>,
      %broadcast_in_dim3A_560 = arith.constant 0 : i32
      %broadcast_in_dim3A_561 = vector.broadcast %broadcast_in_dim3A_560 : i32 to vector<16xi32>
      tpu.vector_store_idx %arg16[%add3A_553, %broadcast_in_dim3A_561], %gather3A_559 : memref<128x16xf32, #tpu.memory_space<vmem>>[vector<16xi32>, vector<16xi32>], vector<16xf32>,
      %add3A_562 = arith.constant 1 : i32
      %add3A_563 = vector.broadcast %add3A_562 : i32 to vector<16xi32>
      %add3A_564 = arith.addi %get3A_555, %add3A_563 : vector<16xi32>
      %gather3A_565 = tpu.vector_load_idx %arg14[%add3A_553, %add3A_564] : memref<128x128xf32, #tpu.memory_space<vmem>>[vector<16xi32>, vector<16xi32>], vector<16xf32>,
      %broadcast_in_dim3A_566 = arith.constant 1 : i32
      %broadcast_in_dim3A_567 = vector.broadcast %broadcast_in_dim3A_566 : i32 to vector<16xi32>
      tpu.vector_store_idx %arg16[%add3A_553, %broadcast_in_dim3A_567], %gather3A_565 : memref<128x16xf32, #tpu.memory_space<vmem>>[vector<16xi32>, vector<16xi32>], vector<16xf32>,
      %add3A_568 = arith.constant 2 : i32
      %add3A_569 = vector.broadcast %add3A_568 : i32 to vector<16xi32>
      %add3A_570 = arith.addi %get3A_555, %add3A_569 : vector<16xi32>
      %gather3A_571 = tpu.vector_load_idx %arg14[%add3A_553, %add3A_570] : memref<128x128xf32, #tpu.memory_space<vmem>>[vector<16xi32>, vector<16xi32>], vector<16xf32>,
      %broadcast_in_dim3A_572 = arith.constant 2 : i32
      %broadcast_in_dim3A_573 = vector.broadcast %broadcast_in_dim3A_572 : i32 to vector<16xi32>
      tpu.vector_store_idx %arg16[%add3A_553, %broadcast_in_dim3A_573], %gather3A_571 : memref<128x16xf32, #tpu.memory_space<vmem>>[vector<16xi32>, vector<16xi32>], vector<16xf32>,
      %add3A_574 = arith.constant 3 : i32
      %add3A_575 = vector.broadcast %add3A_574 : i32 to vector<16xi32>
      %add3A_576 = arith.addi %get3A_555, %add3A_575 : vector<16xi32>
      %gather3A_577 = tpu.vector_load_idx %arg14[%add3A_553, %add3A_576] : memref<128x128xf32, #tpu.memory_space<vmem>>[vector<16xi32>, vector<16xi32>], vector<16xf32>,
      %broadcast_in_dim3A_578 = arith.constant 3 : i32
      %broadcast_in_dim3A_579 = vector.broadcast %broadcast_in_dim3A_578 : i32 to vector<16xi32>
      tpu.vector_store_idx %arg16[%add3A_553, %broadcast_in_dim3A_579], %gather3A_577 : memref<128x16xf32, #tpu.memory_space<vmem>>[vector<16xi32>, vector<16xi32>], vector<16xf32>,
      %add3A_580 = arith.constant 4 : i32
      %add3A_581 = vector.broadcast %add3A_580 : i32 to vector<16xi32>
      %add3A_582 = arith.addi %get3A_555, %add3A_581 : vector<16xi32>
      %gather3A_583 = tpu.vector_load_idx %arg14[%add3A_553, %add3A_582] : memref<128x128xf32, #tpu.memory_space<vmem>>[vector<16xi32>, vector<16xi32>], vector<16xf32>,
      %broadcast_in_dim3A_584 = arith.constant 4 : i32
      %broadcast_in_dim3A_585 = vector.broadcast %broadcast_in_dim3A_584 : i32 to vector<16xi32>
      tpu.vector_store_idx %arg16[%add3A_553, %broadcast_in_dim3A_585], %gather3A_583 : memref<128x16xf32, #tpu.memory_space<vmem>>[vector<16xi32>, vector<16xi32>], vector<16xf32>,
      %add3A_586 = arith.constant 5 : i32
      %add3A_587 = vector.broadcast %add3A_586 : i32 to vector<16xi32>
      %add3A_588 = arith.addi %get3A_555, %add3A_587 : vector<16xi32>
      %gather3A_589 = tpu.vector_load_idx %arg14[%add3A_553, %add3A_588] : memref<128x128xf32, #tpu.memory_space<vmem>>[vector<16xi32>, vector<16xi32>], vector<16xf32>,
      %broadcast_in_dim3A_590 = arith.constant 5 : i32
      %broadcast_in_dim3A_591 = vector.broadcast %broadcast_in_dim3A_590 : i32 to vector<16xi32>
      tpu.vector_store_idx %arg16[%add3A_553, %broadcast_in_dim3A_591], %gather3A_589 : memref<128x16xf32, #tpu.memory_space<vmem>>[vector<16xi32>, vector<16xi32>], vector<16xf32>,
      %add3A_592 = arith.constant 6 : i32
      %add3A_593 = vector.broadcast %add3A_592 : i32 to vector<16xi32>
      %add3A_594 = arith.addi %get3A_555, %add3A_593 : vector<16xi32>
      %gather3A_595 = tpu.vector_load_idx %arg14[%add3A_553, %add3A_594] : memref<128x128xf32, #tpu.memory_space<vmem>>[vector<16xi32>, vector<16xi32>], vector<16xf32>,
      %broadcast_in_dim3A_596 = arith.constant 6 : i32
      %broadcast_in_dim3A_597 = vector.broadcast %broadcast_in_dim3A_596 : i32 to vector<16xi32>
      tpu.vector_store_idx %arg16[%add3A_553, %broadcast_in_dim3A_597], %gather3A_595 : memref<128x16xf32, #tpu.memory_space<vmem>>[vector<16xi32>, vector<16xi32>], vector<16xf32>,
      %add3A_598 = arith.constant 7 : i32
      %add3A_599 = vector.broadcast %add3A_598 : i32 to vector<16xi32>
      %add3A_600 = arith.addi %get3A_555, %add3A_599 : vector<16xi32>
      %gather3A_601 = tpu.vector_load_idx %arg14[%add3A_553, %add3A_600] : memref<128x128xf32, #tpu.memory_space<vmem>>[vector<16xi32>, vector<16xi32>], vector<16xf32>,
      %broadcast_in_dim3A_602 = arith.constant 7 : i32
      %broadcast_in_dim3A_603 = vector.broadcast %broadcast_in_dim3A_602 : i32 to vector<16xi32>
      tpu.vector_store_idx %arg16[%add3A_553, %broadcast_in_dim3A_603], %gather3A_601 : memref<128x16xf32, #tpu.memory_space<vmem>>[vector<16xi32>, vector<16xi32>], vector<16xf32>,
      %add3A_604 = arith.constant 8 : i32
      %add3A_605 = vector.broadcast %add3A_604 : i32 to vector<16xi32>
      %add3A_606 = arith.addi %get3A_555, %add3A_605 : vector<16xi32>
      %gather3A_607 = tpu.vector_load_idx %arg14[%add3A_553, %add3A_606] : memref<128x128xf32, #tpu.memory_space<vmem>>[vector<16xi32>, vector<16xi32>], vector<16xf32>,
      %broadcast_in_dim3A_608 = arith.constant 8 : i32
      %broadcast_in_dim3A_609 = vector.broadcast %broadcast_in_dim3A_608 : i32 to vector<16xi32>
      tpu.vector_store_idx %arg16[%add3A_553, %broadcast_in_dim3A_609], %gather3A_607 : memref<128x16xf32, #tpu.memory_space<vmem>>[vector<16xi32>, vector<16xi32>], vector<16xf32>,
      %add3A_610 = arith.constant 9 : i32
      %add3A_611 = vector.broadcast %add3A_610 : i32 to vector<16xi32>
      %add3A_612 = arith.addi %get3A_555, %add3A_611 : vector<16xi32>
      %gather3A_613 = tpu.vector_load_idx %arg14[%add3A_553, %add3A_612] : memref<128x128xf32, #tpu.memory_space<vmem>>[vector<16xi32>, vector<16xi32>], vector<16xf32>,
      %broadcast_in_dim3A_614 = arith.constant 9 : i32
      %broadcast_in_dim3A_615 = vector.broadcast %broadcast_in_dim3A_614 : i32 to vector<16xi32>
      tpu.vector_store_idx %arg16[%add3A_553, %broadcast_in_dim3A_615], %gather3A_613 : memref<128x16xf32, #tpu.memory_space<vmem>>[vector<16xi32>, vector<16xi32>], vector<16xf32>,
      %add3A_616 = arith.constant 10 : i32
      %add3A_617 = vector.broadcast %add3A_616 : i32 to vector<16xi32>
      %add3A_618 = arith.addi %get3A_555, %add3A_617 : vector<16xi32>
      %gather3A_619 = tpu.vector_load_idx %arg14[%add3A_553, %add3A_618] : memref<128x128xf32, #tpu.memory_space<vmem>>[vector<16xi32>, vector<16xi32>], vector<16xf32>,
      %broadcast_in_dim3A_620 = arith.constant 10 : i32
      %broadcast_in_dim3A_621 = vector.broadcast %broadcast_in_dim3A_620 : i32 to vector<16xi32>
      tpu.vector_store_idx %arg16[%add3A_553, %broadcast_in_dim3A_621], %gather3A_619 : memref<128x16xf32, #tpu.memory_space<vmem>>[vector<16xi32>, vector<16xi32>], vector<16xf32>,
      %add3A_622 = arith.constant 11 : i32
      %add3A_623 = vector.broadcast %add3A_622 : i32 to vector<16xi32>
      %add3A_624 = arith.addi %get3A_555, %add3A_623 : vector<16xi32>
      %gather3A_625 = tpu.vector_load_idx %arg14[%add3A_553, %add3A_624] : memref<128x128xf32, #tpu.memory_space<vmem>>[vector<16xi32>, vector<16xi32>], vector<16xf32>,
      %broadcast_in_dim3A_626 = arith.constant 11 : i32
      %broadcast_in_dim3A_627 = vector.broadcast %broadcast_in_dim3A_626 : i32 to vector<16xi32>
      tpu.vector_store_idx %arg16[%add3A_553, %broadcast_in_dim3A_627], %gather3A_625 : memref<128x16xf32, #tpu.memory_space<vmem>>[vector<16xi32>, vector<16xi32>], vector<16xf32>,
      %add3A_628 = arith.constant 12 : i32
      %add3A_629 = vector.broadcast %add3A_628 : i32 to vector<16xi32>
      %add3A_630 = arith.addi %get3A_555, %add3A_629 : vector<16xi32>
      %gather3A_631 = tpu.vector_load_idx %arg14[%add3A_553, %add3A_630] : memref<128x128xf32, #tpu.memory_space<vmem>>[vector<16xi32>, vector<16xi32>], vector<16xf32>,
      %broadcast_in_dim3A_632 = arith.constant 12 : i32
      %broadcast_in_dim3A_633 = vector.broadcast %broadcast_in_dim3A_632 : i32 to vector<16xi32>
      tpu.vector_store_idx %arg16[%add3A_553, %broadcast_in_dim3A_633], %gather3A_631 : memref<128x16xf32, #tpu.memory_space<vmem>>[vector<16xi32>, vector<16xi32>], vector<16xf32>,
      %add3A_634 = arith.constant 13 : i32
      %add3A_635 = vector.broadcast %add3A_634 : i32 to vector<16xi32>
      %add3A_636 = arith.addi %get3A_555, %add3A_635 : vector<16xi32>
      %gather3A_637 = tpu.vector_load_idx %arg14[%add3A_553, %add3A_636] : memref<128x128xf32, #tpu.memory_space<vmem>>[vector<16xi32>, vector<16xi32>], vector<16xf32>,
      %broadcast_in_dim3A_638 = arith.constant 13 : i32
      %broadcast_in_dim3A_639 = vector.broadcast %broadcast_in_dim3A_638 : i32 to vector<16xi32>
      tpu.vector_store_idx %arg16[%add3A_553, %broadcast_in_dim3A_639], %gather3A_637 : memref<128x16xf32, #tpu.memory_space<vmem>>[vector<16xi32>, vector<16xi32>], vector<16xf32>,
      %add3A_640 = arith.constant 14 : i32
      %add3A_641 = vector.broadcast %add3A_640 : i32 to vector<16xi32>
      %add3A_642 = arith.addi %get3A_555, %add3A_641 : vector<16xi32>
      %gather3A_643 = tpu.vector_load_idx %arg14[%add3A_553, %add3A_642] : memref<128x128xf32, #tpu.memory_space<vmem>>[vector<16xi32>, vector<16xi32>], vector<16xf32>,
      %broadcast_in_dim3A_644 = arith.constant 14 : i32
      %broadcast_in_dim3A_645 = vector.broadcast %broadcast_in_dim3A_644 : i32 to vector<16xi32>
      tpu.vector_store_idx %arg16[%add3A_553, %broadcast_in_dim3A_645], %gather3A_643 : memref<128x16xf32, #tpu.memory_space<vmem>>[vector<16xi32>, vector<16xi32>], vector<16xf32>,
      %add3A_646 = arith.constant 15 : i32
      %add3A_647 = vector.broadcast %add3A_646 : i32 to vector<16xi32>
      %add3A_648 = arith.addi %get3A_555, %add3A_647 : vector<16xi32>
      %gather3A_649 = tpu.vector_load_idx %arg14[%add3A_553, %add3A_648] : memref<128x128xf32, #tpu.memory_space<vmem>>[vector<16xi32>, vector<16xi32>], vector<16xf32>,
      %broadcast_in_dim3A_650 = arith.constant 15 : i32
      %broadcast_in_dim3A_651 = vector.broadcast %broadcast_in_dim3A_650 : i32 to vector<16xi32>
      tpu.vector_store_idx %arg16[%add3A_553, %broadcast_in_dim3A_651], %gather3A_649 : memref<128x16xf32, #tpu.memory_space<vmem>>[vector<16xi32>, vector<16xi32>], vector<16xf32>,
      %get3A_652 = arith.constant 80 : index
      %get3A_653 = tpu.vector_load %arg13[%get3A_652] {strides = array<i32>} : memref<128xi32, #tpu.memory_space<vmem>>, vector<16xi32>,
      %gather3A_654 = tpu.vector_load_idx %arg15[%add3A_553, %get3A_653] : memref<128x128xf32, #tpu.memory_space<vmem>>[vector<16xi32>, vector<16xi32>], vector<16xf32>,
      %swap3A_655 = arith.constant 80 : index
      %swap3A_656 = tpu.vector_load %arg17[%swap3A_655] {strides = array<i32>} : memref<128xf32, #tpu.memory_space<vmem>>, vector<16xf32>,
      tpu.vector_store %arg17[%swap3A_655], %gather3A_654 {strides = array<i32>} : memref<128xf32, #tpu.memory_space<vmem>>, vector<16xf32>,
      %add3A_657 = arith.constant 96 : i32
      %add3A_658 = vector.broadcast %add3A_657 : i32 to vector<16xi32>
      %add3A_659 = arith.addi %iota3A, %add3A_658 : vector<16xi32>
      %get3A_660 = arith.constant 96 : index
      %get3A_661 = tpu.vector_load %arg11[%get3A_660] {strides = array<i32>} : memref<128xi32, #tpu.memory_space<vmem>>, vector<16xi32>,
      %add3A_662 = arith.constant 0 : i32
      %add3A_663 = vector.broadcast %add3A_662 : i32 to vector<16xi32>
      %add3A_664 = arith.addi %get3A_661, %add3A_663 : vector<16xi32>
      %gather3A_665 = tpu.vector_load_idx %arg14[%add3A_659, %add3A_664] : memref<128x128xf32, #tpu.memory_space<vmem>>[vector<16xi32>, vector<16xi32>], vector<16xf32>,
      %broadcast_in_dim3A_666 = arith.constant 0 : i32
      %broadcast_in_dim3A_667 = vector.broadcast %broadcast_in_dim3A_666 : i32 to vector<16xi32>
      tpu.vector_store_idx %arg16[%add3A_659, %broadcast_in_dim3A_667], %gather3A_665 : memref<128x16xf32, #tpu.memory_space<vmem>>[vector<16xi32>, vector<16xi32>], vector<16xf32>,
      %add3A_668 = arith.constant 1 : i32
      %add3A_669 = vector.broadcast %add3A_668 : i32 to vector<16xi32>
      %add3A_670 = arith.addi %get3A_661, %add3A_669 : vector<16xi32>
      %gather3A_671 = tpu.vector_load_idx %arg14[%add3A_659, %add3A_670] : memref<128x128xf32, #tpu.memory_space<vmem>>[vector<16xi32>, vector<16xi32>], vector<16xf32>,
      %broadcast_in_dim3A_672 = arith.constant 1 : i32
      %broadcast_in_dim3A_673 = vector.broadcast %broadcast_in_dim3A_672 : i32 to vector<16xi32>
      tpu.vector_store_idx %arg16[%add3A_659, %broadcast_in_dim3A_673], %gather3A_671 : memref<128x16xf32, #tpu.memory_space<vmem>>[vector<16xi32>, vector<16xi32>], vector<16xf32>,
      %add3A_674 = arith.constant 2 : i32
      %add3A_675 = vector.broadcast %add3A_674 : i32 to vector<16xi32>
      %add3A_676 = arith.addi %get3A_661, %add3A_675 : vector<16xi32>
      %gather3A_677 = tpu.vector_load_idx %arg14[%add3A_659, %add3A_676] : memref<128x128xf32, #tpu.memory_space<vmem>>[vector<16xi32>, vector<16xi32>], vector<16xf32>,
      %broadcast_in_dim3A_678 = arith.constant 2 : i32
      %broadcast_in_dim3A_679 = vector.broadcast %broadcast_in_dim3A_678 : i32 to vector<16xi32>
      tpu.vector_store_idx %arg16[%add3A_659, %broadcast_in_dim3A_679], %gather3A_677 : memref<128x16xf32, #tpu.memory_space<vmem>>[vector<16xi32>, vector<16xi32>], vector<16xf32>,
      %add3A_680 = arith.constant 3 : i32
      %add3A_681 = vector.broadcast %add3A_680 : i32 to vector<16xi32>
      %add3A_682 = arith.addi %get3A_661, %add3A_681 : vector<16xi32>
      %gather3A_683 = tpu.vector_load_idx %arg14[%add3A_659, %add3A_682] : memref<128x128xf32, #tpu.memory_space<vmem>>[vector<16xi32>, vector<16xi32>], vector<16xf32>,
      %broadcast_in_dim3A_684 = arith.constant 3 : i32
      %broadcast_in_dim3A_685 = vector.broadcast %broadcast_in_dim3A_684 : i32 to vector<16xi32>
      tpu.vector_store_idx %arg16[%add3A_659, %broadcast_in_dim3A_685], %gather3A_683 : memref<128x16xf32, #tpu.memory_space<vmem>>[vector<16xi32>, vector<16xi32>], vector<16xf32>,
      %add3A_686 = arith.constant 4 : i32
      %add3A_687 = vector.broadcast %add3A_686 : i32 to vector<16xi32>
      %add3A_688 = arith.addi %get3A_661, %add3A_687 : vector<16xi32>
      %gather3A_689 = tpu.vector_load_idx %arg14[%add3A_659, %add3A_688] : memref<128x128xf32, #tpu.memory_space<vmem>>[vector<16xi32>, vector<16xi32>], vector<16xf32>,
      %broadcast_in_dim3A_690 = arith.constant 4 : i32
      %broadcast_in_dim3A_691 = vector.broadcast %broadcast_in_dim3A_690 : i32 to vector<16xi32>
      tpu.vector_store_idx %arg16[%add3A_659, %broadcast_in_dim3A_691], %gather3A_689 : memref<128x16xf32, #tpu.memory_space<vmem>>[vector<16xi32>, vector<16xi32>], vector<16xf32>,
      %add3A_692 = arith.constant 5 : i32
      %add3A_693 = vector.broadcast %add3A_692 : i32 to vector<16xi32>
      %add3A_694 = arith.addi %get3A_661, %add3A_693 : vector<16xi32>
      %gather3A_695 = tpu.vector_load_idx %arg14[%add3A_659, %add3A_694] : memref<128x128xf32, #tpu.memory_space<vmem>>[vector<16xi32>, vector<16xi32>], vector<16xf32>,
      %broadcast_in_dim3A_696 = arith.constant 5 : i32
      %broadcast_in_dim3A_697 = vector.broadcast %broadcast_in_dim3A_696 : i32 to vector<16xi32>
      tpu.vector_store_idx %arg16[%add3A_659, %broadcast_in_dim3A_697], %gather3A_695 : memref<128x16xf32, #tpu.memory_space<vmem>>[vector<16xi32>, vector<16xi32>], vector<16xf32>,
      %add3A_698 = arith.constant 6 : i32
      %add3A_699 = vector.broadcast %add3A_698 : i32 to vector<16xi32>
      %add3A_700 = arith.addi %get3A_661, %add3A_699 : vector<16xi32>
      %gather3A_701 = tpu.vector_load_idx %arg14[%add3A_659, %add3A_700] : memref<128x128xf32, #tpu.memory_space<vmem>>[vector<16xi32>, vector<16xi32>], vector<16xf32>,
      %broadcast_in_dim3A_702 = arith.constant 6 : i32
      %broadcast_in_dim3A_703 = vector.broadcast %broadcast_in_dim3A_702 : i32 to vector<16xi32>
      tpu.vector_store_idx %arg16[%add3A_659, %broadcast_in_dim3A_703], %gather3A_701 : memref<128x16xf32, #tpu.memory_space<vmem>>[vector<16xi32>, vector<16xi32>], vector<16xf32>,
      %add3A_704 = arith.constant 7 : i32
      %add3A_705 = vector.broadcast %add3A_704 : i32 to vector<16xi32>
      %add3A_706 = arith.addi %get3A_661, %add3A_705 : vector<16xi32>
      %gather3A_707 = tpu.vector_load_idx %arg14[%add3A_659, %add3A_706] : memref<128x128xf32, #tpu.memory_space<vmem>>[vector<16xi32>, vector<16xi32>], vector<16xf32>,
      %broadcast_in_dim3A_708 = arith.constant 7 : i32
      %broadcast_in_dim3A_709 = vector.broadcast %broadcast_in_dim3A_708 : i32 to vector<16xi32>
      tpu.vector_store_idx %arg16[%add3A_659, %broadcast_in_dim3A_709], %gather3A_707 : memref<128x16xf32, #tpu.memory_space<vmem>>[vector<16xi32>, vector<16xi32>], vector<16xf32>,
      %add3A_710 = arith.constant 8 : i32
      %add3A_711 = vector.broadcast %add3A_710 : i32 to vector<16xi32>
      %add3A_712 = arith.addi %get3A_661, %add3A_711 : vector<16xi32>
      %gather3A_713 = tpu.vector_load_idx %arg14[%add3A_659, %add3A_712] : memref<128x128xf32, #tpu.memory_space<vmem>>[vector<16xi32>, vector<16xi32>], vector<16xf32>,
      %broadcast_in_dim3A_714 = arith.constant 8 : i32
      %broadcast_in_dim3A_715 = vector.broadcast %broadcast_in_dim3A_714 : i32 to vector<16xi32>
      tpu.vector_store_idx %arg16[%add3A_659, %broadcast_in_dim3A_715], %gather3A_713 : memref<128x16xf32, #tpu.memory_space<vmem>>[vector<16xi32>, vector<16xi32>], vector<16xf32>,
      %add3A_716 = arith.constant 9 : i32
      %add3A_717 = vector.broadcast %add3A_716 : i32 to vector<16xi32>
      %add3A_718 = arith.addi %get3A_661, %add3A_717 : vector<16xi32>
      %gather3A_719 = tpu.vector_load_idx %arg14[%add3A_659, %add3A_718] : memref<128x128xf32, #tpu.memory_space<vmem>>[vector<16xi32>, vector<16xi32>], vector<16xf32>,
      %broadcast_in_dim3A_720 = arith.constant 9 : i32
      %broadcast_in_dim3A_721 = vector.broadcast %broadcast_in_dim3A_720 : i32 to vector<16xi32>
      tpu.vector_store_idx %arg16[%add3A_659, %broadcast_in_dim3A_721], %gather3A_719 : memref<128x16xf32, #tpu.memory_space<vmem>>[vector<16xi32>, vector<16xi32>], vector<16xf32>,
      %add3A_722 = arith.constant 10 : i32
      %add3A_723 = vector.broadcast %add3A_722 : i32 to vector<16xi32>
      %add3A_724 = arith.addi %get3A_661, %add3A_723 : vector<16xi32>
      %gather3A_725 = tpu.vector_load_idx %arg14[%add3A_659, %add3A_724] : memref<128x128xf32, #tpu.memory_space<vmem>>[vector<16xi32>, vector<16xi32>], vector<16xf32>,
      %broadcast_in_dim3A_726 = arith.constant 10 : i32
      %broadcast_in_dim3A_727 = vector.broadcast %broadcast_in_dim3A_726 : i32 to vector<16xi32>
      tpu.vector_store_idx %arg16[%add3A_659, %broadcast_in_dim3A_727], %gather3A_725 : memref<128x16xf32, #tpu.memory_space<vmem>>[vector<16xi32>, vector<16xi32>], vector<16xf32>,
      %add3A_728 = arith.constant 11 : i32
      %add3A_729 = vector.broadcast %add3A_728 : i32 to vector<16xi32>
      %add3A_730 = arith.addi %get3A_661, %add3A_729 : vector<16xi32>
      %gather3A_731 = tpu.vector_load_idx %arg14[%add3A_659, %add3A_730] : memref<128x128xf32, #tpu.memory_space<vmem>>[vector<16xi32>, vector<16xi32>], vector<16xf32>,
      %broadcast_in_dim3A_732 = arith.constant 11 : i32
      %broadcast_in_dim3A_733 = vector.broadcast %broadcast_in_dim3A_732 : i32 to vector<16xi32>
      tpu.vector_store_idx %arg16[%add3A_659, %broadcast_in_dim3A_733], %gather3A_731 : memref<128x16xf32, #tpu.memory_space<vmem>>[vector<16xi32>, vector<16xi32>], vector<16xf32>,
      %add3A_734 = arith.constant 12 : i32
      %add3A_735 = vector.broadcast %add3A_734 : i32 to vector<16xi32>
      %add3A_736 = arith.addi %get3A_661, %add3A_735 : vector<16xi32>
      %gather3A_737 = tpu.vector_load_idx %arg14[%add3A_659, %add3A_736] : memref<128x128xf32, #tpu.memory_space<vmem>>[vector<16xi32>, vector<16xi32>], vector<16xf32>,
      %broadcast_in_dim3A_738 = arith.constant 12 : i32
      %broadcast_in_dim3A_739 = vector.broadcast %broadcast_in_dim3A_738 : i32 to vector<16xi32>
      tpu.vector_store_idx %arg16[%add3A_659, %broadcast_in_dim3A_739], %gather3A_737 : memref<128x16xf32, #tpu.memory_space<vmem>>[vector<16xi32>, vector<16xi32>], vector<16xf32>,
      %add3A_740 = arith.constant 13 : i32
      %add3A_741 = vector.broadcast %add3A_740 : i32 to vector<16xi32>
      %add3A_742 = arith.addi %get3A_661, %add3A_741 : vector<16xi32>
      %gather3A_743 = tpu.vector_load_idx %arg14[%add3A_659, %add3A_742] : memref<128x128xf32, #tpu.memory_space<vmem>>[vector<16xi32>, vector<16xi32>], vector<16xf32>,
      %broadcast_in_dim3A_744 = arith.constant 13 : i32
      %broadcast_in_dim3A_745 = vector.broadcast %broadcast_in_dim3A_744 : i32 to vector<16xi32>
      tpu.vector_store_idx %arg16[%add3A_659, %broadcast_in_dim3A_745], %gather3A_743 : memref<128x16xf32, #tpu.memory_space<vmem>>[vector<16xi32>, vector<16xi32>], vector<16xf32>,
      %add3A_746 = arith.constant 14 : i32
      %add3A_747 = vector.broadcast %add3A_746 : i32 to vector<16xi32>
      %add3A_748 = arith.addi %get3A_661, %add3A_747 : vector<16xi32>
      %gather3A_749 = tpu.vector_load_idx %arg14[%add3A_659, %add3A_748] : memref<128x128xf32, #tpu.memory_space<vmem>>[vector<16xi32>, vector<16xi32>], vector<16xf32>,
      %broadcast_in_dim3A_750 = arith.constant 14 : i32
      %broadcast_in_dim3A_751 = vector.broadcast %broadcast_in_dim3A_750 : i32 to vector<16xi32>
      tpu.vector_store_idx %arg16[%add3A_659, %broadcast_in_dim3A_751], %gather3A_749 : memref<128x16xf32, #tpu.memory_space<vmem>>[vector<16xi32>, vector<16xi32>], vector<16xf32>,
      %add3A_752 = arith.constant 15 : i32
      %add3A_753 = vector.broadcast %add3A_752 : i32 to vector<16xi32>
      %add3A_754 = arith.addi %get3A_661, %add3A_753 : vector<16xi32>
      %gather3A_755 = tpu.vector_load_idx %arg14[%add3A_659, %add3A_754] : memref<128x128xf32, #tpu.memory_space<vmem>>[vector<16xi32>, vector<16xi32>], vector<16xf32>,
      %broadcast_in_dim3A_756 = arith.constant 15 : i32
      %broadcast_in_dim3A_757 = vector.broadcast %broadcast_in_dim3A_756 : i32 to vector<16xi32>
      tpu.vector_store_idx %arg16[%add3A_659, %broadcast_in_dim3A_757], %gather3A_755 : memref<128x16xf32, #tpu.memory_space<vmem>>[vector<16xi32>, vector<16xi32>], vector<16xf32>,
      %get3A_758 = arith.constant 96 : index
      %get3A_759 = tpu.vector_load %arg13[%get3A_758] {strides = array<i32>} : memref<128xi32, #tpu.memory_space<vmem>>, vector<16xi32>,
      %gather3A_760 = tpu.vector_load_idx %arg15[%add3A_659, %get3A_759] : memref<128x128xf32, #tpu.memory_space<vmem>>[vector<16xi32>, vector<16xi32>], vector<16xf32>,
      %swap3A_761 = arith.constant 96 : index
      %swap3A_762 = tpu.vector_load %arg17[%swap3A_761] {strides = array<i32>} : memref<128xf32, #tpu.memory_space<vmem>>, vector<16xf32>,
      tpu.vector_store %arg17[%swap3A_761], %gather3A_760 {strides = array<i32>} : memref<128xf32, #tpu.memory_space<vmem>>, vector<16xf32>,
      %add3A_763 = arith.constant 112 : i32
      %add3A_764 = vector.broadcast %add3A_763 : i32 to vector<16xi32>
      %add3A_765 = arith.addi %iota3A, %add3A_764 : vector<16xi32>
      %get3A_766 = arith.constant 112 : index
      %get3A_767 = tpu.vector_load %arg11[%get3A_766] {strides = array<i32>} : memref<128xi32, #tpu.memory_space<vmem>>, vector<16xi32>,
      %add3A_768 = arith.constant 0 : i32
      %add3A_769 = vector.broadcast %add3A_768 : i32 to vector<16xi32>
      %add3A_770 = arith.addi %get3A_767, %add3A_769 : vector<16xi32>
      %gather3A_771 = tpu.vector_load_idx %arg14[%add3A_765, %add3A_770] : memref<128x128xf32, #tpu.memory_space<vmem>>[vector<16xi32>, vector<16xi32>], vector<16xf32>,
      %broadcast_in_dim3A_772 = arith.constant 0 : i32
      %broadcast_in_dim3A_773 = vector.broadcast %broadcast_in_dim3A_772 : i32 to vector<16xi32>
      tpu.vector_store_idx %arg16[%add3A_765, %broadcast_in_dim3A_773], %gather3A_771 : memref<128x16xf32, #tpu.memory_space<vmem>>[vector<16xi32>, vector<16xi32>], vector<16xf32>,
      %add3A_774 = arith.constant 1 : i32
      %add3A_775 = vector.broadcast %add3A_774 : i32 to vector<16xi32>
      %add3A_776 = arith.addi %get3A_767, %add3A_775 : vector<16xi32>
      %gather3A_777 = tpu.vector_load_idx %arg14[%add3A_765, %add3A_776] : memref<128x128xf32, #tpu.memory_space<vmem>>[vector<16xi32>, vector<16xi32>], vector<16xf32>,
      %broadcast_in_dim3A_778 = arith.constant 1 : i32
      %broadcast_in_dim3A_779 = vector.broadcast %broadcast_in_dim3A_778 : i32 to vector<16xi32>
      tpu.vector_store_idx %arg16[%add3A_765, %broadcast_in_dim3A_779], %gather3A_777 : memref<128x16xf32, #tpu.memory_space<vmem>>[vector<16xi32>, vector<16xi32>], vector<16xf32>,
      %add3A_780 = arith.constant 2 : i32
      %add3A_781 = vector.broadcast %add3A_780 : i32 to vector<16xi32>
      %add3A_782 = arith.addi %get3A_767, %add3A_781 : vector<16xi32>
      %gather3A_783 = tpu.vector_load_idx %arg14[%add3A_765, %add3A_782] : memref<128x128xf32, #tpu.memory_space<vmem>>[vector<16xi32>, vector<16xi32>], vector<16xf32>,
      %broadcast_in_dim3A_784 = arith.constant 2 : i32
      %broadcast_in_dim3A_785 = vector.broadcast %broadcast_in_dim3A_784 : i32 to vector<16xi32>
      tpu.vector_store_idx %arg16[%add3A_765, %broadcast_in_dim3A_785], %gather3A_783 : memref<128x16xf32, #tpu.memory_space<vmem>>[vector<16xi32>, vector<16xi32>], vector<16xf32>,
      %add3A_786 = arith.constant 3 : i32
      %add3A_787 = vector.broadcast %add3A_786 : i32 to vector<16xi32>
      %add3A_788 = arith.addi %get3A_767, %add3A_787 : vector<16xi32>
      %gather3A_789 = tpu.vector_load_idx %arg14[%add3A_765, %add3A_788] : memref<128x128xf32, #tpu.memory_space<vmem>>[vector<16xi32>, vector<16xi32>], vector<16xf32>,
      %broadcast_in_dim3A_790 = arith.constant 3 : i32
      %broadcast_in_dim3A_791 = vector.broadcast %broadcast_in_dim3A_790 : i32 to vector<16xi32>
      tpu.vector_store_idx %arg16[%add3A_765, %broadcast_in_dim3A_791], %gather3A_789 : memref<128x16xf32, #tpu.memory_space<vmem>>[vector<16xi32>, vector<16xi32>], vector<16xf32>,
      %add3A_792 = arith.constant 4 : i32
      %add3A_793 = vector.broadcast %add3A_792 : i32 to vector<16xi32>
      %add3A_794 = arith.addi %get3A_767, %add3A_793 : vector<16xi32>
      %gather3A_795 = tpu.vector_load_idx %arg14[%add3A_765, %add3A_794] : memref<128x128xf32, #tpu.memory_space<vmem>>[vector<16xi32>, vector<16xi32>], vector<16xf32>,
      %broadcast_in_dim3A_796 = arith.constant 4 : i32
      %broadcast_in_dim3A_797 = vector.broadcast %broadcast_in_dim3A_796 : i32 to vector<16xi32>
      tpu.vector_store_idx %arg16[%add3A_765, %broadcast_in_dim3A_797], %gather3A_795 : memref<128x16xf32, #tpu.memory_space<vmem>>[vector<16xi32>, vector<16xi32>], vector<16xf32>,
      %add3A_798 = arith.constant 5 : i32
      %add3A_799 = vector.broadcast %add3A_798 : i32 to vector<16xi32>
      %add3A_800 = arith.addi %get3A_767, %add3A_799 : vector<16xi32>
      %gather3A_801 = tpu.vector_load_idx %arg14[%add3A_765, %add3A_800] : memref<128x128xf32, #tpu.memory_space<vmem>>[vector<16xi32>, vector<16xi32>], vector<16xf32>,
      %broadcast_in_dim3A_802 = arith.constant 5 : i32
      %broadcast_in_dim3A_803 = vector.broadcast %broadcast_in_dim3A_802 : i32 to vector<16xi32>
      tpu.vector_store_idx %arg16[%add3A_765, %broadcast_in_dim3A_803], %gather3A_801 : memref<128x16xf32, #tpu.memory_space<vmem>>[vector<16xi32>, vector<16xi32>], vector<16xf32>,
      %add3A_804 = arith.constant 6 : i32
      %add3A_805 = vector.broadcast %add3A_804 : i32 to vector<16xi32>
      %add3A_806 = arith.addi %get3A_767, %add3A_805 : vector<16xi32>
      %gather3A_807 = tpu.vector_load_idx %arg14[%add3A_765, %add3A_806] : memref<128x128xf32, #tpu.memory_space<vmem>>[vector<16xi32>, vector<16xi32>], vector<16xf32>,
      %broadcast_in_dim3A_808 = arith.constant 6 : i32
      %broadcast_in_dim3A_809 = vector.broadcast %broadcast_in_dim3A_808 : i32 to vector<16xi32>
      tpu.vector_store_idx %arg16[%add3A_765, %broadcast_in_dim3A_809], %gather3A_807 : memref<128x16xf32, #tpu.memory_space<vmem>>[vector<16xi32>, vector<16xi32>], vector<16xf32>,
      %add3A_810 = arith.constant 7 : i32
      %add3A_811 = vector.broadcast %add3A_810 : i32 to vector<16xi32>
      %add3A_812 = arith.addi %get3A_767, %add3A_811 : vector<16xi32>
      %gather3A_813 = tpu.vector_load_idx %arg14[%add3A_765, %add3A_812] : memref<128x128xf32, #tpu.memory_space<vmem>>[vector<16xi32>, vector<16xi32>], vector<16xf32>,
      %broadcast_in_dim3A_814 = arith.constant 7 : i32
      %broadcast_in_dim3A_815 = vector.broadcast %broadcast_in_dim3A_814 : i32 to vector<16xi32>
      tpu.vector_store_idx %arg16[%add3A_765, %broadcast_in_dim3A_815], %gather3A_813 : memref<128x16xf32, #tpu.memory_space<vmem>>[vector<16xi32>, vector<16xi32>], vector<16xf32>,
      %add3A_816 = arith.constant 8 : i32
      %add3A_817 = vector.broadcast %add3A_816 : i32 to vector<16xi32>
      %add3A_818 = arith.addi %get3A_767, %add3A_817 : vector<16xi32>
      %gather3A_819 = tpu.vector_load_idx %arg14[%add3A_765, %add3A_818] : memref<128x128xf32, #tpu.memory_space<vmem>>[vector<16xi32>, vector<16xi32>], vector<16xf32>,
      %broadcast_in_dim3A_820 = arith.constant 8 : i32
      %broadcast_in_dim3A_821 = vector.broadcast %broadcast_in_dim3A_820 : i32 to vector<16xi32>
      tpu.vector_store_idx %arg16[%add3A_765, %broadcast_in_dim3A_821], %gather3A_819 : memref<128x16xf32, #tpu.memory_space<vmem>>[vector<16xi32>, vector<16xi32>], vector<16xf32>,
      %add3A_822 = arith.constant 9 : i32
      %add3A_823 = vector.broadcast %add3A_822 : i32 to vector<16xi32>
      %add3A_824 = arith.addi %get3A_767, %add3A_823 : vector<16xi32>
      %gather3A_825 = tpu.vector_load_idx %arg14[%add3A_765, %add3A_824] : memref<128x128xf32, #tpu.memory_space<vmem>>[vector<16xi32>, vector<16xi32>], vector<16xf32>,
      %broadcast_in_dim3A_826 = arith.constant 9 : i32
      %broadcast_in_dim3A_827 = vector.broadcast %broadcast_in_dim3A_826 : i32 to vector<16xi32>
      tpu.vector_store_idx %arg16[%add3A_765, %broadcast_in_dim3A_827], %gather3A_825 : memref<128x16xf32, #tpu.memory_space<vmem>>[vector<16xi32>, vector<16xi32>], vector<16xf32>,
      %add3A_828 = arith.constant 10 : i32
      %add3A_829 = vector.broadcast %add3A_828 : i32 to vector<16xi32>
      %add3A_830 = arith.addi %get3A_767, %add3A_829 : vector<16xi32>
      %gather3A_831 = tpu.vector_load_idx %arg14[%add3A_765, %add3A_830] : memref<128x128xf32, #tpu.memory_space<vmem>>[vector<16xi32>, vector<16xi32>], vector<16xf32>,
      %broadcast_in_dim3A_832 = arith.constant 10 : i32
      %broadcast_in_dim3A_833 = vector.broadcast %broadcast_in_dim3A_832 : i32 to vector<16xi32>
      tpu.vector_store_idx %arg16[%add3A_765, %broadcast_in_dim3A_833], %gather3A_831 : memref<128x16xf32, #tpu.memory_space<vmem>>[vector<16xi32>, vector<16xi32>], vector<16xf32>,
      %add3A_834 = arith.constant 11 : i32
      %add3A_835 = vector.broadcast %add3A_834 : i32 to vector<16xi32>
      %add3A_836 = arith.addi %get3A_767, %add3A_835 : vector<16xi32>
      %gather3A_837 = tpu.vector_load_idx %arg14[%add3A_765, %add3A_836] : memref<128x128xf32, #tpu.memory_space<vmem>>[vector<16xi32>, vector<16xi32>], vector<16xf32>,
      %broadcast_in_dim3A_838 = arith.constant 11 : i32
      %broadcast_in_dim3A_839 = vector.broadcast %broadcast_in_dim3A_838 : i32 to vector<16xi32>
      tpu.vector_store_idx %arg16[%add3A_765, %broadcast_in_dim3A_839], %gather3A_837 : memref<128x16xf32, #tpu.memory_space<vmem>>[vector<16xi32>, vector<16xi32>], vector<16xf32>,
      %add3A_840 = arith.constant 12 : i32
      %add3A_841 = vector.broadcast %add3A_840 : i32 to vector<16xi32>
      %add3A_842 = arith.addi %get3A_767, %add3A_841 : vector<16xi32>
      %gather3A_843 = tpu.vector_load_idx %arg14[%add3A_765, %add3A_842] : memref<128x128xf32, #tpu.memory_space<vmem>>[vector<16xi32>, vector<16xi32>], vector<16xf32>,
      %broadcast_in_dim3A_844 = arith.constant 12 : i32
      %broadcast_in_dim3A_845 = vector.broadcast %broadcast_in_dim3A_844 : i32 to vector<16xi32>
      tpu.vector_store_idx %arg16[%add3A_765, %broadcast_in_dim3A_845], %gather3A_843 : memref<128x16xf32, #tpu.memory_space<vmem>>[vector<16xi32>, vector<16xi32>], vector<16xf32>,
      %add3A_846 = arith.constant 13 : i32
      %add3A_847 = vector.broadcast %add3A_846 : i32 to vector<16xi32>
      %add3A_848 = arith.addi %get3A_767, %add3A_847 : vector<16xi32>
      %gather3A_849 = tpu.vector_load_idx %arg14[%add3A_765, %add3A_848] : memref<128x128xf32, #tpu.memory_space<vmem>>[vector<16xi32>, vector<16xi32>], vector<16xf32>,
      %broadcast_in_dim3A_850 = arith.constant 13 : i32
      %broadcast_in_dim3A_851 = vector.broadcast %broadcast_in_dim3A_850 : i32 to vector<16xi32>
      tpu.vector_store_idx %arg16[%add3A_765, %broadcast_in_dim3A_851], %gather3A_849 : memref<128x16xf32, #tpu.memory_space<vmem>>[vector<16xi32>, vector<16xi32>], vector<16xf32>,
      %add3A_852 = arith.constant 14 : i32
      %add3A_853 = vector.broadcast %add3A_852 : i32 to vector<16xi32>
      %add3A_854 = arith.addi %get3A_767, %add3A_853 : vector<16xi32>
      %gather3A_855 = tpu.vector_load_idx %arg14[%add3A_765, %add3A_854] : memref<128x128xf32, #tpu.memory_space<vmem>>[vector<16xi32>, vector<16xi32>], vector<16xf32>,
      %broadcast_in_dim3A_856 = arith.constant 14 : i32
      %broadcast_in_dim3A_857 = vector.broadcast %broadcast_in_dim3A_856 : i32 to vector<16xi32>
      tpu.vector_store_idx %arg16[%add3A_765, %broadcast_in_dim3A_857], %gather3A_855 : memref<128x16xf32, #tpu.memory_space<vmem>>[vector<16xi32>, vector<16xi32>], vector<16xf32>,
      %add3A_858 = arith.constant 15 : i32
      %add3A_859 = vector.broadcast %add3A_858 : i32 to vector<16xi32>
      %add3A_860 = arith.addi %get3A_767, %add3A_859 : vector<16xi32>
      %gather3A_861 = tpu.vector_load_idx %arg14[%add3A_765, %add3A_860] : memref<128x128xf32, #tpu.memory_space<vmem>>[vector<16xi32>, vector<16xi32>], vector<16xf32>,
      %broadcast_in_dim3A_862 = arith.constant 15 : i32
      %broadcast_in_dim3A_863 = vector.broadcast %broadcast_in_dim3A_862 : i32 to vector<16xi32>
      tpu.vector_store_idx %arg16[%add3A_765, %broadcast_in_dim3A_863], %gather3A_861 : memref<128x16xf32, #tpu.memory_space<vmem>>[vector<16xi32>, vector<16xi32>], vector<16xf32>,
      %get3A_864 = arith.constant 112 : index
      %get3A_865 = tpu.vector_load %arg13[%get3A_864] {strides = array<i32>} : memref<128xi32, #tpu.memory_space<vmem>>, vector<16xi32>,
      %gather3A_866 = tpu.vector_load_idx %arg15[%add3A_765, %get3A_865] : memref<128x128xf32, #tpu.memory_space<vmem>>[vector<16xi32>, vector<16xi32>], vector<16xf32>,
      %swap3A_867 = arith.constant 112 : index
      %swap3A_868 = tpu.vector_load %arg17[%swap3A_867] {strides = array<i32>} : memref<128xf32, #tpu.memory_space<vmem>>, vector<16xf32>,
      tpu.vector_store %arg17[%swap3A_867], %gather3A_866 {strides = array<i32>} : memref<128xf32, #tpu.memory_space<vmem>>, vector<16xf32>,
      "tpu.region"() ({
        %run_scoped3A = tpu.sem_alloc : memref<!tpu.dma_semaphore, #tpu.memory_space<semaphore_mem>>
        %dma_start3A_869 = arith.constant 0 : i32
        %dma_start3A_870 = tpu.memref_slice %arg8[%add3A_14, %dma_start3A_869] : memref<106496x16xf32, #tpu.memory_space<hbm>> -> memref<128x16xf32, #tpu.memory_space<hbm>>
        %dma_start3A_871 = arith.constant 0 : i32
        %dma_start3A_872 = tpu.memref_slice %arg8[%add3A_14, %dma_start3A_871] : memref<106496x16xf32, #tpu.memory_space<hbm>> -> memref<128x16xf32, #tpu.memory_space<hbm>>
        tpu.enqueue_dma source(%arg16 : memref<128x16xf32, #tpu.memory_space<vmem>>) target(%dma_start3A_872 : memref<128x16xf32, #tpu.memory_space<hbm>>) target_semaphore(%run_scoped3A : memref<!tpu.dma_semaphore, #tpu.memory_space<semaphore_mem>>)
        %dma_wait3A_873 = arith.constant 0 : i32
        %dma_wait3A_874 = tpu.memref_slice %arg8[%add3A_14, %dma_wait3A_873] : memref<106496x16xf32, #tpu.memory_space<hbm>> -> memref<128x16xf32, #tpu.memory_space<hbm>>
        %dma_wait3A_875 = arith.constant 0 : i32
        %dma_wait3A_876 = tpu.memref_slice %arg8[%add3A_14, %dma_wait3A_875] : memref<106496x16xf32, #tpu.memory_space<hbm>> -> memref<128x16xf32, #tpu.memory_space<hbm>>
        tpu.wait_dma2 semaphore(%run_scoped3A : memref<!tpu.dma_semaphore, #tpu.memory_space<semaphore_mem>>) src(%arg16 : memref<128x16xf32, #tpu.memory_space<vmem>>) dst(%dma_wait3A_876 : memref<128x16xf32, #tpu.memory_space<hbm>>)
        tpu.yield
      }) : () -> ()
      "tpu.region"() ({
        %run_scoped3A = tpu.sem_alloc : memref<!tpu.dma_semaphore, #tpu.memory_space<semaphore_mem>>
        %dma_start3A_869 = tpu.memref_slice %arg9[%add3A_14] : memref<106496xf32, #tpu.memory_space<hbm>> -> memref<128xf32, #tpu.memory_space<hbm>>
        %dma_start3A_870 = tpu.memref_slice %arg9[%add3A_14] : memref<106496xf32, #tpu.memory_space<hbm>> -> memref<128xf32, #tpu.memory_space<hbm>>
        tpu.enqueue_dma source(%arg17 : memref<128xf32, #tpu.memory_space<vmem>>) target(%dma_start3A_870 : memref<128xf32, #tpu.memory_space<hbm>>) target_semaphore(%run_scoped3A : memref<!tpu.dma_semaphore, #tpu.memory_space<semaphore_mem>>)
        %dma_wait3A_871 = tpu.memref_slice %arg9[%add3A_14] : memref<106496xf32, #tpu.memory_space<hbm>> -> memref<128xf32, #tpu.memory_space<hbm>>
        %dma_wait3A_872 = tpu.memref_slice %arg9[%add3A_14] : memref<106496xf32, #tpu.memory_space<hbm>> -> memref<128xf32, #tpu.memory_space<hbm>>
        tpu.wait_dma2 semaphore(%run_scoped3A : memref<!tpu.dma_semaphore, #tpu.memory_space<semaphore_mem>>) src(%arg17 : memref<128xf32, #tpu.memory_space<vmem>>) dst(%dma_wait3A_872 : memref<128xf32, #tpu.memory_space<hbm>>)
        tpu.yield
      }) : () -> ()
    }
    %scan3A_4 = arith.constant 26 : i32
    return
  }
}

module attributes {stable_mosaic.version = 14 : i64} {
  func.func @_pad_body(%arg0: memref<6250x416xf32, #tpu.memory_space<vmem>>, %arg1: memref<6500x416xf32, #tpu.memory_space<vmem>>) attributes {dimension_semantics = [], scalar_prefetch = 0 : i64, scratch_operands = 0 : i64, tpu.core_type = #tpu.core_type<tc>} {
    %get3A = arith.constant 0 : index
    %get3A_0 = arith.constant 0 : index
    %get3A_1 = vector.load %arg0[%get3A, %get3A_0] : memref<6250x416xf32, #tpu.memory_space<vmem>>, vector<6250x416xf32>
    %slice3A = vector.extract_strided_slice %get3A_1 {offsets = [0, 0], sizes = [250, 416], strides = [1, 1]} : vector<6250x416xf32> to vector<250x416xf32>
    %concatenate3A = tpu.concatenate %get3A_1, %slice3A in 0 : vector<6250x416xf32>, vector<250x416xf32> -> vector<6500x416xf32>
    %swap3A = arith.constant 0 : index
    %swap3A_2 = arith.constant 0 : index
    %swap3A_3 = vector.load %arg1[%swap3A, %swap3A_2] : memref<6500x416xf32, #tpu.memory_space<vmem>>, vector<6500x416xf32>
    tpu.vector_store %arg1[%swap3A, %swap3A_2], %concatenate3A {strides = array<i32>} : memref<6500x416xf32, #tpu.memory_space<vmem>>, vector<6500x416xf32>,
    return
  }
}

module attributes {stable_mosaic.version = 14 : i64} {
  func.func @_afm_body(%arg0: i32, %arg1: memref<1024x416xf32, #tpu.memory_space<vmem>>, %arg2: memref<1024x26xf32, #tpu.memory_space<vmem>>, %arg3: memref<416x416xbf16, #tpu.memory_space<vmem>>, %arg4: memref<416x26xbf16, #tpu.memory_space<vmem>>, %arg5: memref<416x26xbf16, #tpu.memory_space<vmem>>, %arg6: memref<1x416xf32, #tpu.memory_space<vmem>>, %arg7: memref<1x1xf32, #tpu.memory_space<vmem>>, %arg8: memref<1024x1xf32, #tpu.memory_space<vmem>>) attributes {dimension_semantics = [#tpu.dimension_semantics<arbitrary>], iteration_bounds = array<i64: 4>, scalar_prefetch = 0 : i64, scratch_operands = 0 : i64, tpu.core_type = #tpu.core_type<tc>, window_params = [{transform_indices = @transform_0, window_bounds = array<i64: 1024, 416>}, {transform_indices = @transform_1, window_bounds = array<i64: 1024, 26>}, {pipeline_mode = #tpu.pipeline_mode<synchronous>, transform_indices = @transform_2, window_bounds = array<i64: 416, 416>}, {pipeline_mode = #tpu.pipeline_mode<synchronous>, transform_indices = @transform_3, window_bounds = array<i64: 416, 26>}, {pipeline_mode = #tpu.pipeline_mode<synchronous>, transform_indices = @transform_4, window_bounds = array<i64: 416, 26>}, {pipeline_mode = #tpu.pipeline_mode<synchronous>, transform_indices = @transform_5, window_bounds = array<i64: 1, 416>}, {pipeline_mode = #tpu.pipeline_mode<synchronous>, transform_indices = @transform_6, window_bounds = array<i64: 1, 1>}, {transform_indices = @transform_7, window_bounds = array<i64: 1024, 1>}]} {
    %get3A = arith.constant 0 : index
    %get3A_0 = arith.constant 0 : index
    %get3A_1 = vector.load %arg1[%get3A, %get3A_0] : memref<1024x416xf32, #tpu.memory_space<vmem>>, vector<1024x416xf32>
    %convert_element_type3A = arith.truncf %get3A_1 : vector<1024x416xf32> to vector<1024x416xbf16>
    %get3A_2 = arith.constant 0 : index
    %get3A_3 = arith.constant 0 : index
    %get3A_4 = vector.load %arg3[%get3A_2, %get3A_3] : memref<416x416xbf16, #tpu.memory_space<vmem>>, vector<416x416xbf16>
    %get3A_5 = arith.constant 0 : index
    %get3A_6 = arith.constant 0 : index
    %get3A_7 = vector.load %arg4[%get3A_5, %get3A_6] : memref<416x26xbf16, #tpu.memory_space<vmem>>, vector<416x26xbf16>
    %get3A_8 = arith.constant 0 : index
    %get3A_9 = arith.constant 0 : index
    %get3A_10 = vector.load %arg5[%get3A_8, %get3A_9] : memref<416x26xbf16, #tpu.memory_space<vmem>>, vector<416x26xbf16>
    %get3A_11 = arith.constant 0 : index
    %get3A_12 = arith.constant 0 : index
    %get3A_13 = vector.load %arg6[%get3A_11, %get3A_12] : memref<1x416xf32, #tpu.memory_space<vmem>>, vector<1x416xf32>
    %slice3A = vector.extract_strided_slice %convert_element_type3A {offsets = [0, 0], sizes = [1024, 16], strides = [1, 1]} : vector<1024x416xbf16> to vector<1024x16xbf16>
    %concatenate3A = tpu.concatenate %slice3A, %slice3A, %slice3A, %slice3A, %slice3A, %slice3A, %slice3A, %slice3A, %slice3A, %slice3A, %slice3A, %slice3A, %slice3A, %slice3A, %slice3A, %slice3A, %slice3A, %slice3A, %slice3A, %slice3A, %slice3A, %slice3A, %slice3A, %slice3A, %slice3A, %slice3A in 1 : vector<1024x16xbf16>, vector<1024x16xbf16>, vector<1024x16xbf16>, vector<1024x16xbf16>, vector<1024x16xbf16>, vector<1024x16xbf16>, vector<1024x16xbf16>, vector<1024x16xbf16>, vector<1024x16xbf16>, vector<1024x16xbf16>, vector<1024x16xbf16>, vector<1024x16xbf16>, vector<1024x16xbf16>, vector<1024x16xbf16>, vector<1024x16xbf16>, vector<1024x16xbf16>, vector<1024x16xbf16>, vector<1024x16xbf16>, vector<1024x16xbf16>, vector<1024x16xbf16>, vector<1024x16xbf16>, vector<1024x16xbf16>, vector<1024x16xbf16>, vector<1024x16xbf16>, vector<1024x16xbf16>, vector<1024x16xbf16> -> vector<1024x416xbf16>
    %mul3A = arith.mulf %concatenate3A, %convert_element_type3A : vector<1024x416xbf16>
    %dot_general3A = arith.constant dense<0.000000e+00> : vector<1024x416xf32>
    %dot_general3A_14 = tpu.matmul %mul3A, %get3A_4, %dot_general3A {dimension_numbers = #tpu.dot_dimension_numbers<[1], [0], [0], [1], [0, 0, 1, 1], [], []>, transpose_lhs_hint = false} : vector<1024x416xbf16>, vector<416x416xbf16>, vector<1024x416xf32> -> vector<1024x416xf32>
    %add3A = vector.broadcast %get3A_13 : vector<1x416xf32> to vector<1024x416xf32>
    %add3A_15 = arith.addf %dot_general3A_14, %add3A : vector<1024x416xf32>
    %max3A = arith.constant 0.000000e+00 : f32
    %max3A_16 = vector.broadcast %max3A : f32 to vector<1024x416xf32>
    %max3A_17 = arith.maximumf %add3A_15, %max3A_16 : vector<1024x416xf32>
    %convert_element_type3A_18 = arith.truncf %max3A_17 : vector<1024x416xf32> to vector<1024x416xbf16>
    %dot_general3A_19 = arith.constant dense<0.000000e+00> : vector<1024x26xf32>
    %dot_general3A_20 = tpu.matmul %convert_element_type3A_18, %get3A_7, %dot_general3A_19 {dimension_numbers = #tpu.dot_dimension_numbers<[1], [0], [0], [1], [0, 0, 1, 1], [], []>, transpose_lhs_hint = false} : vector<1024x416xbf16>, vector<416x26xbf16>, vector<1024x26xf32> -> vector<1024x26xf32>
    %dot_general3A_21 = arith.constant dense<0.000000e+00> : vector<1024x26xf32>
    %dot_general3A_22 = tpu.matmul %mul3A, %get3A_10, %dot_general3A_21 {dimension_numbers = #tpu.dot_dimension_numbers<[1], [0], [0], [1], [0, 0, 1, 1], [], []>, transpose_lhs_hint = false} : vector<1024x416xbf16>, vector<416x26xbf16>, vector<1024x26xf32> -> vector<1024x26xf32>
    %slice3A_23 = vector.extract_strided_slice %convert_element_type3A {offsets = [0, 16], sizes = [1024, 16], strides = [1, 1]} : vector<1024x416xbf16> to vector<1024x16xbf16>
    %concatenate3A_24 = tpu.concatenate %slice3A_23, %slice3A_23, %slice3A_23, %slice3A_23, %slice3A_23, %slice3A_23, %slice3A_23, %slice3A_23, %slice3A_23, %slice3A_23, %slice3A_23, %slice3A_23, %slice3A_23, %slice3A_23, %slice3A_23, %slice3A_23, %slice3A_23, %slice3A_23, %slice3A_23, %slice3A_23, %slice3A_23, %slice3A_23, %slice3A_23, %slice3A_23, %slice3A_23, %slice3A_23 in 1 : vector<1024x16xbf16>, vector<1024x16xbf16>, vector<1024x16xbf16>, vector<1024x16xbf16>, vector<1024x16xbf16>, vector<1024x16xbf16>, vector<1024x16xbf16>, vector<1024x16xbf16>, vector<1024x16xbf16>, vector<1024x16xbf16>, vector<1024x16xbf16>, vector<1024x16xbf16>, vector<1024x16xbf16>, vector<1024x16xbf16>, vector<1024x16xbf16>, vector<1024x16xbf16>, vector<1024x16xbf16>, vector<1024x16xbf16>, vector<1024x16xbf16>, vector<1024x16xbf16>, vector<1024x16xbf16>, vector<1024x16xbf16>, vector<1024x16xbf16>, vector<1024x16xbf16>, vector<1024x16xbf16>, vector<1024x16xbf16> -> vector<1024x416xbf16>
    %mul3A_25 = arith.mulf %concatenate3A_24, %convert_element_type3A : vector<1024x416xbf16>
    %dot_general3A_26 = arith.constant dense<0.000000e+00> : vector<1024x416xf32>
    %dot_general3A_27 = tpu.matmul %mul3A_25, %get3A_4, %dot_general3A_26 {dimension_numbers = #tpu.dot_dimension_numbers<[1], [0], [0], [1], [0, 0, 1, 1], [], []>, transpose_lhs_hint = false} : vector<1024x416xbf16>, vector<416x416xbf16>, vector<1024x416xf32> -> vector<1024x416xf32>
    %add3A_28 = vector.broadcast %get3A_13 : vector<1x416xf32> to vector<1024x416xf32>
    %add3A_29 = arith.addf %dot_general3A_27, %add3A_28 : vector<1024x416xf32>
    %max3A_30 = arith.constant 0.000000e+00 : f32
    %max3A_31 = vector.broadcast %max3A_30 : f32 to vector<1024x416xf32>
    %max3A_32 = arith.maximumf %add3A_29, %max3A_31 : vector<1024x416xf32>
    %convert_element_type3A_33 = arith.truncf %max3A_32 : vector<1024x416xf32> to vector<1024x416xbf16>
    %dot_general3A_34 = arith.constant dense<0.000000e+00> : vector<1024x26xf32>
    %dot_general3A_35 = tpu.matmul %convert_element_type3A_33, %get3A_7, %dot_general3A_34 {dimension_numbers = #tpu.dot_dimension_numbers<[1], [0], [0], [1], [0, 0, 1, 1], [], []>, transpose_lhs_hint = false} : vector<1024x416xbf16>, vector<416x26xbf16>, vector<1024x26xf32> -> vector<1024x26xf32>
    %dot_general3A_36 = arith.constant dense<0.000000e+00> : vector<1024x26xf32>
    %dot_general3A_37 = tpu.matmul %mul3A_25, %get3A_10, %dot_general3A_36 {dimension_numbers = #tpu.dot_dimension_numbers<[1], [0], [0], [1], [0, 0, 1, 1], [], []>, transpose_lhs_hint = false} : vector<1024x416xbf16>, vector<416x26xbf16>, vector<1024x26xf32> -> vector<1024x26xf32>
    %slice3A_38 = vector.extract_strided_slice %convert_element_type3A {offsets = [0, 32], sizes = [1024, 16], strides = [1, 1]} : vector<1024x416xbf16> to vector<1024x16xbf16>
    %concatenate3A_39 = tpu.concatenate %slice3A_38, %slice3A_38, %slice3A_38, %slice3A_38, %slice3A_38, %slice3A_38, %slice3A_38, %slice3A_38, %slice3A_38, %slice3A_38, %slice3A_38, %slice3A_38, %slice3A_38, %slice3A_38, %slice3A_38, %slice3A_38, %slice3A_38, %slice3A_38, %slice3A_38, %slice3A_38, %slice3A_38, %slice3A_38, %slice3A_38, %slice3A_38, %slice3A_38, %slice3A_38 in 1 : vector<1024x16xbf16>, vector<1024x16xbf16>, vector<1024x16xbf16>, vector<1024x16xbf16>, vector<1024x16xbf16>, vector<1024x16xbf16>, vector<1024x16xbf16>, vector<1024x16xbf16>, vector<1024x16xbf16>, vector<1024x16xbf16>, vector<1024x16xbf16>, vector<1024x16xbf16>, vector<1024x16xbf16>, vector<1024x16xbf16>, vector<1024x16xbf16>, vector<1024x16xbf16>, vector<1024x16xbf16>, vector<1024x16xbf16>, vector<1024x16xbf16>, vector<1024x16xbf16>, vector<1024x16xbf16>, vector<1024x16xbf16>, vector<1024x16xbf16>, vector<1024x16xbf16>, vector<1024x16xbf16>, vector<1024x16xbf16> -> vector<1024x416xbf16>
    %mul3A_40 = arith.mulf %concatenate3A_39, %convert_element_type3A : vector<1024x416xbf16>
    %dot_general3A_41 = arith.constant dense<0.000000e+00> : vector<1024x416xf32>
    %dot_general3A_42 = tpu.matmul %mul3A_40, %get3A_4, %dot_general3A_41 {dimension_numbers = #tpu.dot_dimension_numbers<[1], [0], [0], [1], [0, 0, 1, 1], [], []>, transpose_lhs_hint = false} : vector<1024x416xbf16>, vector<416x416xbf16>, vector<1024x416xf32> -> vector<1024x416xf32>
    %add3A_43 = vector.broadcast %get3A_13 : vector<1x416xf32> to vector<1024x416xf32>
    %add3A_44 = arith.addf %dot_general3A_42, %add3A_43 : vector<1024x416xf32>
    %max3A_45 = arith.constant 0.000000e+00 : f32
    %max3A_46 = vector.broadcast %max3A_45 : f32 to vector<1024x416xf32>
    %max3A_47 = arith.maximumf %add3A_44, %max3A_46 : vector<1024x416xf32>
    %convert_element_type3A_48 = arith.truncf %max3A_47 : vector<1024x416xf32> to vector<1024x416xbf16>
    %dot_general3A_49 = arith.constant dense<0.000000e+00> : vector<1024x26xf32>
    %dot_general3A_50 = tpu.matmul %convert_element_type3A_48, %get3A_7, %dot_general3A_49 {dimension_numbers = #tpu.dot_dimension_numbers<[1], [0], [0], [1], [0, 0, 1, 1], [], []>, transpose_lhs_hint = false} : vector<1024x416xbf16>, vector<416x26xbf16>, vector<1024x26xf32> -> vector<1024x26xf32>
    %dot_general3A_51 = arith.constant dense<0.000000e+00> : vector<1024x26xf32>
    %dot_general3A_52 = tpu.matmul %mul3A_40, %get3A_10, %dot_general3A_51 {dimension_numbers = #tpu.dot_dimension_numbers<[1], [0], [0], [1], [0, 0, 1, 1], [], []>, transpose_lhs_hint = false} : vector<1024x416xbf16>, vector<416x26xbf16>, vector<1024x26xf32> -> vector<1024x26xf32>
    %slice3A_53 = vector.extract_strided_slice %convert_element_type3A {offsets = [0, 48], sizes = [1024, 16], strides = [1, 1]} : vector<1024x416xbf16> to vector<1024x16xbf16>
    %concatenate3A_54 = tpu.concatenate %slice3A_53, %slice3A_53, %slice3A_53, %slice3A_53, %slice3A_53, %slice3A_53, %slice3A_53, %slice3A_53, %slice3A_53, %slice3A_53, %slice3A_53, %slice3A_53, %slice3A_53, %slice3A_53, %slice3A_53, %slice3A_53, %slice3A_53, %slice3A_53, %slice3A_53, %slice3A_53, %slice3A_53, %slice3A_53, %slice3A_53, %slice3A_53, %slice3A_53, %slice3A_53 in 1 : vector<1024x16xbf16>, vector<1024x16xbf16>, vector<1024x16xbf16>, vector<1024x16xbf16>, vector<1024x16xbf16>, vector<1024x16xbf16>, vector<1024x16xbf16>, vector<1024x16xbf16>, vector<1024x16xbf16>, vector<1024x16xbf16>, vector<1024x16xbf16>, vector<1024x16xbf16>, vector<1024x16xbf16>, vector<1024x16xbf16>, vector<1024x16xbf16>, vector<1024x16xbf16>, vector<1024x16xbf16>, vector<1024x16xbf16>, vector<1024x16xbf16>, vector<1024x16xbf16>, vector<1024x16xbf16>, vector<1024x16xbf16>, vector<1024x16xbf16>, vector<1024x16xbf16>, vector<1024x16xbf16>, vector<1024x16xbf16> -> vector<1024x416xbf16>
    %mul3A_55 = arith.mulf %concatenate3A_54, %convert_element_type3A : vector<1024x416xbf16>
    %dot_general3A_56 = arith.constant dense<0.000000e+00> : vector<1024x416xf32>
    %dot_general3A_57 = tpu.matmul %mul3A_55, %get3A_4, %dot_general3A_56 {dimension_numbers = #tpu.dot_dimension_numbers<[1], [0], [0], [1], [0, 0, 1, 1], [], []>, transpose_lhs_hint = false} : vector<1024x416xbf16>, vector<416x416xbf16>, vector<1024x416xf32> -> vector<1024x416xf32>
    %add3A_58 = vector.broadcast %get3A_13 : vector<1x416xf32> to vector<1024x416xf32>
    %add3A_59 = arith.addf %dot_general3A_57, %add3A_58 : vector<1024x416xf32>
    %max3A_60 = arith.constant 0.000000e+00 : f32
    %max3A_61 = vector.broadcast %max3A_60 : f32 to vector<1024x416xf32>
    %max3A_62 = arith.maximumf %add3A_59, %max3A_61 : vector<1024x416xf32>
    %convert_element_type3A_63 = arith.truncf %max3A_62 : vector<1024x416xf32> to vector<1024x416xbf16>
    %dot_general3A_64 = arith.constant dense<0.000000e+00> : vector<1024x26xf32>
    %dot_general3A_65 = tpu.matmul %convert_element_type3A_63, %get3A_7, %dot_general3A_64 {dimension_numbers = #tpu.dot_dimension_numbers<[1], [0], [0], [1], [0, 0, 1, 1], [], []>, transpose_lhs_hint = false} : vector<1024x416xbf16>, vector<416x26xbf16>, vector<1024x26xf32> -> vector<1024x26xf32>
    %dot_general3A_66 = arith.constant dense<0.000000e+00> : vector<1024x26xf32>
    %dot_general3A_67 = tpu.matmul %mul3A_55, %get3A_10, %dot_general3A_66 {dimension_numbers = #tpu.dot_dimension_numbers<[1], [0], [0], [1], [0, 0, 1, 1], [], []>, transpose_lhs_hint = false} : vector<1024x416xbf16>, vector<416x26xbf16>, vector<1024x26xf32> -> vector<1024x26xf32>
    %slice3A_68 = vector.extract_strided_slice %convert_element_type3A {offsets = [0, 64], sizes = [1024, 16], strides = [1, 1]} : vector<1024x416xbf16> to vector<1024x16xbf16>
    %concatenate3A_69 = tpu.concatenate %slice3A_68, %slice3A_68, %slice3A_68, %slice3A_68, %slice3A_68, %slice3A_68, %slice3A_68, %slice3A_68, %slice3A_68, %slice3A_68, %slice3A_68, %slice3A_68, %slice3A_68, %slice3A_68, %slice3A_68, %slice3A_68, %slice3A_68, %slice3A_68, %slice3A_68, %slice3A_68, %slice3A_68, %slice3A_68, %slice3A_68, %slice3A_68, %slice3A_68, %slice3A_68 in 1 : vector<1024x16xbf16>, vector<1024x16xbf16>, vector<1024x16xbf16>, vector<1024x16xbf16>, vector<1024x16xbf16>, vector<1024x16xbf16>, vector<1024x16xbf16>, vector<1024x16xbf16>, vector<1024x16xbf16>, vector<1024x16xbf16>, vector<1024x16xbf16>, vector<1024x16xbf16>, vector<1024x16xbf16>, vector<1024x16xbf16>, vector<1024x16xbf16>, vector<1024x16xbf16>, vector<1024x16xbf16>, vector<1024x16xbf16>, vector<1024x16xbf16>, vector<1024x16xbf16>, vector<1024x16xbf16>, vector<1024x16xbf16>, vector<1024x16xbf16>, vector<1024x16xbf16>, vector<1024x16xbf16>, vector<1024x16xbf16> -> vector<1024x416xbf16>
    %mul3A_70 = arith.mulf %concatenate3A_69, %convert_element_type3A : vector<1024x416xbf16>
    %dot_general3A_71 = arith.constant dense<0.000000e+00> : vector<1024x416xf32>
    %dot_general3A_72 = tpu.matmul %mul3A_70, %get3A_4, %dot_general3A_71 {dimension_numbers = #tpu.dot_dimension_numbers<[1], [0], [0], [1], [0, 0, 1, 1], [], []>, transpose_lhs_hint = false} : vector<1024x416xbf16>, vector<416x416xbf16>, vector<1024x416xf32> -> vector<1024x416xf32>
    %add3A_73 = vector.broadcast %get3A_13 : vector<1x416xf32> to vector<1024x416xf32>
    %add3A_74 = arith.addf %dot_general3A_72, %add3A_73 : vector<1024x416xf32>
    %max3A_75 = arith.constant 0.000000e+00 : f32
    %max3A_76 = vector.broadcast %max3A_75 : f32 to vector<1024x416xf32>
    %max3A_77 = arith.maximumf %add3A_74, %max3A_76 : vector<1024x416xf32>
    %convert_element_type3A_78 = arith.truncf %max3A_77 : vector<1024x416xf32> to vector<1024x416xbf16>
    %dot_general3A_79 = arith.constant dense<0.000000e+00> : vector<1024x26xf32>
    %dot_general3A_80 = tpu.matmul %convert_element_type3A_78, %get3A_7, %dot_general3A_79 {dimension_numbers = #tpu.dot_dimension_numbers<[1], [0], [0], [1], [0, 0, 1, 1], [], []>, transpose_lhs_hint = false} : vector<1024x416xbf16>, vector<416x26xbf16>, vector<1024x26xf32> -> vector<1024x26xf32>
    %dot_general3A_81 = arith.constant dense<0.000000e+00> : vector<1024x26xf32>
    %dot_general3A_82 = tpu.matmul %mul3A_70, %get3A_10, %dot_general3A_81 {dimension_numbers = #tpu.dot_dimension_numbers<[1], [0], [0], [1], [0, 0, 1, 1], [], []>, transpose_lhs_hint = false} : vector<1024x416xbf16>, vector<416x26xbf16>, vector<1024x26xf32> -> vector<1024x26xf32>
    %slice3A_83 = vector.extract_strided_slice %convert_element_type3A {offsets = [0, 80], sizes = [1024, 16], strides = [1, 1]} : vector<1024x416xbf16> to vector<1024x16xbf16>
    %concatenate3A_84 = tpu.concatenate %slice3A_83, %slice3A_83, %slice3A_83, %slice3A_83, %slice3A_83, %slice3A_83, %slice3A_83, %slice3A_83, %slice3A_83, %slice3A_83, %slice3A_83, %slice3A_83, %slice3A_83, %slice3A_83, %slice3A_83, %slice3A_83, %slice3A_83, %slice3A_83, %slice3A_83, %slice3A_83, %slice3A_83, %slice3A_83, %slice3A_83, %slice3A_83, %slice3A_83, %slice3A_83 in 1 : vector<1024x16xbf16>, vector<1024x16xbf16>, vector<1024x16xbf16>, vector<1024x16xbf16>, vector<1024x16xbf16>, vector<1024x16xbf16>, vector<1024x16xbf16>, vector<1024x16xbf16>, vector<1024x16xbf16>, vector<1024x16xbf16>, vector<1024x16xbf16>, vector<1024x16xbf16>, vector<1024x16xbf16>, vector<1024x16xbf16>, vector<1024x16xbf16>, vector<1024x16xbf16>, vector<1024x16xbf16>, vector<1024x16xbf16>, vector<1024x16xbf16>, vector<1024x16xbf16>, vector<1024x16xbf16>, vector<1024x16xbf16>, vector<1024x16xbf16>, vector<1024x16xbf16>, vector<1024x16xbf16>, vector<1024x16xbf16> -> vector<1024x416xbf16>
    %mul3A_85 = arith.mulf %concatenate3A_84, %convert_element_type3A : vector<1024x416xbf16>
    %dot_general3A_86 = arith.constant dense<0.000000e+00> : vector<1024x416xf32>
    %dot_general3A_87 = tpu.matmul %mul3A_85, %get3A_4, %dot_general3A_86 {dimension_numbers = #tpu.dot_dimension_numbers<[1], [0], [0], [1], [0, 0, 1, 1], [], []>, transpose_lhs_hint = false} : vector<1024x416xbf16>, vector<416x416xbf16>, vector<1024x416xf32> -> vector<1024x416xf32>
    %add3A_88 = vector.broadcast %get3A_13 : vector<1x416xf32> to vector<1024x416xf32>
    %add3A_89 = arith.addf %dot_general3A_87, %add3A_88 : vector<1024x416xf32>
    %max3A_90 = arith.constant 0.000000e+00 : f32
    %max3A_91 = vector.broadcast %max3A_90 : f32 to vector<1024x416xf32>
    %max3A_92 = arith.maximumf %add3A_89, %max3A_91 : vector<1024x416xf32>
    %convert_element_type3A_93 = arith.truncf %max3A_92 : vector<1024x416xf32> to vector<1024x416xbf16>
    %dot_general3A_94 = arith.constant dense<0.000000e+00> : vector<1024x26xf32>
    %dot_general3A_95 = tpu.matmul %convert_element_type3A_93, %get3A_7, %dot_general3A_94 {dimension_numbers = #tpu.dot_dimension_numbers<[1], [0], [0], [1], [0, 0, 1, 1], [], []>, transpose_lhs_hint = false} : vector<1024x416xbf16>, vector<416x26xbf16>, vector<1024x26xf32> -> vector<1024x26xf32>
    %dot_general3A_96 = arith.constant dense<0.000000e+00> : vector<1024x26xf32>
    %dot_general3A_97 = tpu.matmul %mul3A_85, %get3A_10, %dot_general3A_96 {dimension_numbers = #tpu.dot_dimension_numbers<[1], [0], [0], [1], [0, 0, 1, 1], [], []>, transpose_lhs_hint = false} : vector<1024x416xbf16>, vector<416x26xbf16>, vector<1024x26xf32> -> vector<1024x26xf32>
    %slice3A_98 = vector.extract_strided_slice %convert_element_type3A {offsets = [0, 96], sizes = [1024, 16], strides = [1, 1]} : vector<1024x416xbf16> to vector<1024x16xbf16>
    %concatenate3A_99 = tpu.concatenate %slice3A_98, %slice3A_98, %slice3A_98, %slice3A_98, %slice3A_98, %slice3A_98, %slice3A_98, %slice3A_98, %slice3A_98, %slice3A_98, %slice3A_98, %slice3A_98, %slice3A_98, %slice3A_98, %slice3A_98, %slice3A_98, %slice3A_98, %slice3A_98, %slice3A_98, %slice3A_98, %slice3A_98, %slice3A_98, %slice3A_98, %slice3A_98, %slice3A_98, %slice3A_98 in 1 : vector<1024x16xbf16>, vector<1024x16xbf16>, vector<1024x16xbf16>, vector<1024x16xbf16>, vector<1024x16xbf16>, vector<1024x16xbf16>, vector<1024x16xbf16>, vector<1024x16xbf16>, vector<1024x16xbf16>, vector<1024x16xbf16>, vector<1024x16xbf16>, vector<1024x16xbf16>, vector<1024x16xbf16>, vector<1024x16xbf16>, vector<1024x16xbf16>, vector<1024x16xbf16>, vector<1024x16xbf16>, vector<1024x16xbf16>, vector<1024x16xbf16>, vector<1024x16xbf16>, vector<1024x16xbf16>, vector<1024x16xbf16>, vector<1024x16xbf16>, vector<1024x16xbf16>, vector<1024x16xbf16>, vector<1024x16xbf16> -> vector<1024x416xbf16>
    %mul3A_100 = arith.mulf %concatenate3A_99, %convert_element_type3A : vector<1024x416xbf16>
    %dot_general3A_101 = arith.constant dense<0.000000e+00> : vector<1024x416xf32>
    %dot_general3A_102 = tpu.matmul %mul3A_100, %get3A_4, %dot_general3A_101 {dimension_numbers = #tpu.dot_dimension_numbers<[1], [0], [0], [1], [0, 0, 1, 1], [], []>, transpose_lhs_hint = false} : vector<1024x416xbf16>, vector<416x416xbf16>, vector<1024x416xf32> -> vector<1024x416xf32>
    %add3A_103 = vector.broadcast %get3A_13 : vector<1x416xf32> to vector<1024x416xf32>
    %add3A_104 = arith.addf %dot_general3A_102, %add3A_103 : vector<1024x416xf32>
    %max3A_105 = arith.constant 0.000000e+00 : f32
    %max3A_106 = vector.broadcast %max3A_105 : f32 to vector<1024x416xf32>
    %max3A_107 = arith.maximumf %add3A_104, %max3A_106 : vector<1024x416xf32>
    %convert_element_type3A_108 = arith.truncf %max3A_107 : vector<1024x416xf32> to vector<1024x416xbf16>
    %dot_general3A_109 = arith.constant dense<0.000000e+00> : vector<1024x26xf32>
    %dot_general3A_110 = tpu.matmul %convert_element_type3A_108, %get3A_7, %dot_general3A_109 {dimension_numbers = #tpu.dot_dimension_numbers<[1], [0], [0], [1], [0, 0, 1, 1], [], []>, transpose_lhs_hint = false} : vector<1024x416xbf16>, vector<416x26xbf16>, vector<1024x26xf32> -> vector<1024x26xf32>
    %dot_general3A_111 = arith.constant dense<0.000000e+00> : vector<1024x26xf32>
    %dot_general3A_112 = tpu.matmul %mul3A_100, %get3A_10, %dot_general3A_111 {dimension_numbers = #tpu.dot_dimension_numbers<[1], [0], [0], [1], [0, 0, 1, 1], [], []>, transpose_lhs_hint = false} : vector<1024x416xbf16>, vector<416x26xbf16>, vector<1024x26xf32> -> vector<1024x26xf32>
    %slice3A_113 = vector.extract_strided_slice %convert_element_type3A {offsets = [0, 112], sizes = [1024, 16], strides = [1, 1]} : vector<1024x416xbf16> to vector<1024x16xbf16>
    %concatenate3A_114 = tpu.concatenate %slice3A_113, %slice3A_113, %slice3A_113, %slice3A_113, %slice3A_113, %slice3A_113, %slice3A_113, %slice3A_113, %slice3A_113, %slice3A_113, %slice3A_113, %slice3A_113, %slice3A_113, %slice3A_113, %slice3A_113, %slice3A_113, %slice3A_113, %slice3A_113, %slice3A_113, %slice3A_113, %slice3A_113, %slice3A_113, %slice3A_113, %slice3A_113, %slice3A_113, %slice3A_113 in 1 : vector<1024x16xbf16>, vector<1024x16xbf16>, vector<1024x16xbf16>, vector<1024x16xbf16>, vector<1024x16xbf16>, vector<1024x16xbf16>, vector<1024x16xbf16>, vector<1024x16xbf16>, vector<1024x16xbf16>, vector<1024x16xbf16>, vector<1024x16xbf16>, vector<1024x16xbf16>, vector<1024x16xbf16>, vector<1024x16xbf16>, vector<1024x16xbf16>, vector<1024x16xbf16>, vector<1024x16xbf16>, vector<1024x16xbf16>, vector<1024x16xbf16>, vector<1024x16xbf16>, vector<1024x16xbf16>, vector<1024x16xbf16>, vector<1024x16xbf16>, vector<1024x16xbf16>, vector<1024x16xbf16>, vector<1024x16xbf16> -> vector<1024x416xbf16>
    %mul3A_115 = arith.mulf %concatenate3A_114, %convert_element_type3A : vector<1024x416xbf16>
    %dot_general3A_116 = arith.constant dense<0.000000e+00> : vector<1024x416xf32>
    %dot_general3A_117 = tpu.matmul %mul3A_115, %get3A_4, %dot_general3A_116 {dimension_numbers = #tpu.dot_dimension_numbers<[1], [0], [0], [1], [0, 0, 1, 1], [], []>, transpose_lhs_hint = false} : vector<1024x416xbf16>, vector<416x416xbf16>, vector<1024x416xf32> -> vector<1024x416xf32>
    %add3A_118 = vector.broadcast %get3A_13 : vector<1x416xf32> to vector<1024x416xf32>
    %add3A_119 = arith.addf %dot_general3A_117, %add3A_118 : vector<1024x416xf32>
    %max3A_120 = arith.constant 0.000000e+00 : f32
    %max3A_121 = vector.broadcast %max3A_120 : f32 to vector<1024x416xf32>
    %max3A_122 = arith.maximumf %add3A_119, %max3A_121 : vector<1024x416xf32>
    %convert_element_type3A_123 = arith.truncf %max3A_122 : vector<1024x416xf32> to vector<1024x416xbf16>
    %dot_general3A_124 = arith.constant dense<0.000000e+00> : vector<1024x26xf32>
    %dot_general3A_125 = tpu.matmul %convert_element_type3A_123, %get3A_7, %dot_general3A_124 {dimension_numbers = #tpu.dot_dimension_numbers<[1], [0], [0], [1], [0, 0, 1, 1], [], []>, transpose_lhs_hint = false} : vector<1024x416xbf16>, vector<416x26xbf16>, vector<1024x26xf32> -> vector<1024x26xf32>
    %dot_general3A_126 = arith.constant dense<0.000000e+00> : vector<1024x26xf32>
    %dot_general3A_127 = tpu.matmul %mul3A_115, %get3A_10, %dot_general3A_126 {dimension_numbers = #tpu.dot_dimension_numbers<[1], [0], [0], [1], [0, 0, 1, 1], [], []>, transpose_lhs_hint = false} : vector<1024x416xbf16>, vector<416x26xbf16>, vector<1024x26xf32> -> vector<1024x26xf32>
    %slice3A_128 = vector.extract_strided_slice %convert_element_type3A {offsets = [0, 128], sizes = [1024, 16], strides = [1, 1]} : vector<1024x416xbf16> to vector<1024x16xbf16>
    %concatenate3A_129 = tpu.concatenate %slice3A_128, %slice3A_128, %slice3A_128, %slice3A_128, %slice3A_128, %slice3A_128, %slice3A_128, %slice3A_128, %slice3A_128, %slice3A_128, %slice3A_128, %slice3A_128, %slice3A_128, %slice3A_128, %slice3A_128, %slice3A_128, %slice3A_128, %slice3A_128, %slice3A_128, %slice3A_128, %slice3A_128, %slice3A_128, %slice3A_128, %slice3A_128, %slice3A_128, %slice3A_128 in 1 : vector<1024x16xbf16>, vector<1024x16xbf16>, vector<1024x16xbf16>, vector<1024x16xbf16>, vector<1024x16xbf16>, vector<1024x16xbf16>, vector<1024x16xbf16>, vector<1024x16xbf16>, vector<1024x16xbf16>, vector<1024x16xbf16>, vector<1024x16xbf16>, vector<1024x16xbf16>, vector<1024x16xbf16>, vector<1024x16xbf16>, vector<1024x16xbf16>, vector<1024x16xbf16>, vector<1024x16xbf16>, vector<1024x16xbf16>, vector<1024x16xbf16>, vector<1024x16xbf16>, vector<1024x16xbf16>, vector<1024x16xbf16>, vector<1024x16xbf16>, vector<1024x16xbf16>, vector<1024x16xbf16>, vector<1024x16xbf16> -> vector<1024x416xbf16>
    %mul3A_130 = arith.mulf %concatenate3A_129, %convert_element_type3A : vector<1024x416xbf16>
    %dot_general3A_131 = arith.constant dense<0.000000e+00> : vector<1024x416xf32>
    %dot_general3A_132 = tpu.matmul %mul3A_130, %get3A_4, %dot_general3A_131 {dimension_numbers = #tpu.dot_dimension_numbers<[1], [0], [0], [1], [0, 0, 1, 1], [], []>, transpose_lhs_hint = false} : vector<1024x416xbf16>, vector<416x416xbf16>, vector<1024x416xf32> -> vector<1024x416xf32>
    %add3A_133 = vector.broadcast %get3A_13 : vector<1x416xf32> to vector<1024x416xf32>
    %add3A_134 = arith.addf %dot_general3A_132, %add3A_133 : vector<1024x416xf32>
    %max3A_135 = arith.constant 0.000000e+00 : f32
    %max3A_136 = vector.broadcast %max3A_135 : f32 to vector<1024x416xf32>
    %max3A_137 = arith.maximumf %add3A_134, %max3A_136 : vector<1024x416xf32>
    %convert_element_type3A_138 = arith.truncf %max3A_137 : vector<1024x416xf32> to vector<1024x416xbf16>
    %dot_general3A_139 = arith.constant dense<0.000000e+00> : vector<1024x26xf32>
    %dot_general3A_140 = tpu.matmul %convert_element_type3A_138, %get3A_7, %dot_general3A_139 {dimension_numbers = #tpu.dot_dimension_numbers<[1], [0], [0], [1], [0, 0, 1, 1], [], []>, transpose_lhs_hint = false} : vector<1024x416xbf16>, vector<416x26xbf16>, vector<1024x26xf32> -> vector<1024x26xf32>
    %dot_general3A_141 = arith.constant dense<0.000000e+00> : vector<1024x26xf32>
    %dot_general3A_142 = tpu.matmul %mul3A_130, %get3A_10, %dot_general3A_141 {dimension_numbers = #tpu.dot_dimension_numbers<[1], [0], [0], [1], [0, 0, 1, 1], [], []>, transpose_lhs_hint = false} : vector<1024x416xbf16>, vector<416x26xbf16>, vector<1024x26xf32> -> vector<1024x26xf32>
    %slice3A_143 = vector.extract_strided_slice %convert_element_type3A {offsets = [0, 144], sizes = [1024, 16], strides = [1, 1]} : vector<1024x416xbf16> to vector<1024x16xbf16>
    %concatenate3A_144 = tpu.concatenate %slice3A_143, %slice3A_143, %slice3A_143, %slice3A_143, %slice3A_143, %slice3A_143, %slice3A_143, %slice3A_143, %slice3A_143, %slice3A_143, %slice3A_143, %slice3A_143, %slice3A_143, %slice3A_143, %slice3A_143, %slice3A_143, %slice3A_143, %slice3A_143, %slice3A_143, %slice3A_143, %slice3A_143, %slice3A_143, %slice3A_143, %slice3A_143, %slice3A_143, %slice3A_143 in 1 : vector<1024x16xbf16>, vector<1024x16xbf16>, vector<1024x16xbf16>, vector<1024x16xbf16>, vector<1024x16xbf16>, vector<1024x16xbf16>, vector<1024x16xbf16>, vector<1024x16xbf16>, vector<1024x16xbf16>, vector<1024x16xbf16>, vector<1024x16xbf16>, vector<1024x16xbf16>, vector<1024x16xbf16>, vector<1024x16xbf16>, vector<1024x16xbf16>, vector<1024x16xbf16>, vector<1024x16xbf16>, vector<1024x16xbf16>, vector<1024x16xbf16>, vector<1024x16xbf16>, vector<1024x16xbf16>, vector<1024x16xbf16>, vector<1024x16xbf16>, vector<1024x16xbf16>, vector<1024x16xbf16>, vector<1024x16xbf16> -> vector<1024x416xbf16>
    %mul3A_145 = arith.mulf %concatenate3A_144, %convert_element_type3A : vector<1024x416xbf16>
    %dot_general3A_146 = arith.constant dense<0.000000e+00> : vector<1024x416xf32>
    %dot_general3A_147 = tpu.matmul %mul3A_145, %get3A_4, %dot_general3A_146 {dimension_numbers = #tpu.dot_dimension_numbers<[1], [0], [0], [1], [0, 0, 1, 1], [], []>, transpose_lhs_hint = false} : vector<1024x416xbf16>, vector<416x416xbf16>, vector<1024x416xf32> -> vector<1024x416xf32>
    %add3A_148 = vector.broadcast %get3A_13 : vector<1x416xf32> to vector<1024x416xf32>
    %add3A_149 = arith.addf %dot_general3A_147, %add3A_148 : vector<1024x416xf32>
    %max3A_150 = arith.constant 0.000000e+00 : f32
    %max3A_151 = vector.broadcast %max3A_150 : f32 to vector<1024x416xf32>
    %max3A_152 = arith.maximumf %add3A_149, %max3A_151 : vector<1024x416xf32>
    %convert_element_type3A_153 = arith.truncf %max3A_152 : vector<1024x416xf32> to vector<1024x416xbf16>
    %dot_general3A_154 = arith.constant dense<0.000000e+00> : vector<1024x26xf32>
    %dot_general3A_155 = tpu.matmul %convert_element_type3A_153, %get3A_7, %dot_general3A_154 {dimension_numbers = #tpu.dot_dimension_numbers<[1], [0], [0], [1], [0, 0, 1, 1], [], []>, transpose_lhs_hint = false} : vector<1024x416xbf16>, vector<416x26xbf16>, vector<1024x26xf32> -> vector<1024x26xf32>
    %dot_general3A_156 = arith.constant dense<0.000000e+00> : vector<1024x26xf32>
    %dot_general3A_157 = tpu.matmul %mul3A_145, %get3A_10, %dot_general3A_156 {dimension_numbers = #tpu.dot_dimension_numbers<[1], [0], [0], [1], [0, 0, 1, 1], [], []>, transpose_lhs_hint = false} : vector<1024x416xbf16>, vector<416x26xbf16>, vector<1024x26xf32> -> vector<1024x26xf32>
    %slice3A_158 = vector.extract_strided_slice %convert_element_type3A {offsets = [0, 160], sizes = [1024, 16], strides = [1, 1]} : vector<1024x416xbf16> to vector<1024x16xbf16>
    %concatenate3A_159 = tpu.concatenate %slice3A_158, %slice3A_158, %slice3A_158, %slice3A_158, %slice3A_158, %slice3A_158, %slice3A_158, %slice3A_158, %slice3A_158, %slice3A_158, %slice3A_158, %slice3A_158, %slice3A_158, %slice3A_158, %slice3A_158, %slice3A_158, %slice3A_158, %slice3A_158, %slice3A_158, %slice3A_158, %slice3A_158, %slice3A_158, %slice3A_158, %slice3A_158, %slice3A_158, %slice3A_158 in 1 : vector<1024x16xbf16>, vector<1024x16xbf16>, vector<1024x16xbf16>, vector<1024x16xbf16>, vector<1024x16xbf16>, vector<1024x16xbf16>, vector<1024x16xbf16>, vector<1024x16xbf16>, vector<1024x16xbf16>, vector<1024x16xbf16>, vector<1024x16xbf16>, vector<1024x16xbf16>, vector<1024x16xbf16>, vector<1024x16xbf16>, vector<1024x16xbf16>, vector<1024x16xbf16>, vector<1024x16xbf16>, vector<1024x16xbf16>, vector<1024x16xbf16>, vector<1024x16xbf16>, vector<1024x16xbf16>, vector<1024x16xbf16>, vector<1024x16xbf16>, vector<1024x16xbf16>, vector<1024x16xbf16>, vector<1024x16xbf16> -> vector<1024x416xbf16>
    %mul3A_160 = arith.mulf %concatenate3A_159, %convert_element_type3A : vector<1024x416xbf16>
    %dot_general3A_161 = arith.constant dense<0.000000e+00> : vector<1024x416xf32>
    %dot_general3A_162 = tpu.matmul %mul3A_160, %get3A_4, %dot_general3A_161 {dimension_numbers = #tpu.dot_dimension_numbers<[1], [0], [0], [1], [0, 0, 1, 1], [], []>, transpose_lhs_hint = false} : vector<1024x416xbf16>, vector<416x416xbf16>, vector<1024x416xf32> -> vector<1024x416xf32>
    %add3A_163 = vector.broadcast %get3A_13 : vector<1x416xf32> to vector<1024x416xf32>
    %add3A_164 = arith.addf %dot_general3A_162, %add3A_163 : vector<1024x416xf32>
    %max3A_165 = arith.constant 0.000000e+00 : f32
    %max3A_166 = vector.broadcast %max3A_165 : f32 to vector<1024x416xf32>
    %max3A_167 = arith.maximumf %add3A_164, %max3A_166 : vector<1024x416xf32>
    %convert_element_type3A_168 = arith.truncf %max3A_167 : vector<1024x416xf32> to vector<1024x416xbf16>
    %dot_general3A_169 = arith.constant dense<0.000000e+00> : vector<1024x26xf32>
    %dot_general3A_170 = tpu.matmul %convert_element_type3A_168, %get3A_7, %dot_general3A_169 {dimension_numbers = #tpu.dot_dimension_numbers<[1], [0], [0], [1], [0, 0, 1, 1], [], []>, transpose_lhs_hint = false} : vector<1024x416xbf16>, vector<416x26xbf16>, vector<1024x26xf32> -> vector<1024x26xf32>
    %dot_general3A_171 = arith.constant dense<0.000000e+00> : vector<1024x26xf32>
    %dot_general3A_172 = tpu.matmul %mul3A_160, %get3A_10, %dot_general3A_171 {dimension_numbers = #tpu.dot_dimension_numbers<[1], [0], [0], [1], [0, 0, 1, 1], [], []>, transpose_lhs_hint = false} : vector<1024x416xbf16>, vector<416x26xbf16>, vector<1024x26xf32> -> vector<1024x26xf32>
    %slice3A_173 = vector.extract_strided_slice %convert_element_type3A {offsets = [0, 176], sizes = [1024, 16], strides = [1, 1]} : vector<1024x416xbf16> to vector<1024x16xbf16>
    %concatenate3A_174 = tpu.concatenate %slice3A_173, %slice3A_173, %slice3A_173, %slice3A_173, %slice3A_173, %slice3A_173, %slice3A_173, %slice3A_173, %slice3A_173, %slice3A_173, %slice3A_173, %slice3A_173, %slice3A_173, %slice3A_173, %slice3A_173, %slice3A_173, %slice3A_173, %slice3A_173, %slice3A_173, %slice3A_173, %slice3A_173, %slice3A_173, %slice3A_173, %slice3A_173, %slice3A_173, %slice3A_173 in 1 : vector<1024x16xbf16>, vector<1024x16xbf16>, vector<1024x16xbf16>, vector<1024x16xbf16>, vector<1024x16xbf16>, vector<1024x16xbf16>, vector<1024x16xbf16>, vector<1024x16xbf16>, vector<1024x16xbf16>, vector<1024x16xbf16>, vector<1024x16xbf16>, vector<1024x16xbf16>, vector<1024x16xbf16>, vector<1024x16xbf16>, vector<1024x16xbf16>, vector<1024x16xbf16>, vector<1024x16xbf16>, vector<1024x16xbf16>, vector<1024x16xbf16>, vector<1024x16xbf16>, vector<1024x16xbf16>, vector<1024x16xbf16>, vector<1024x16xbf16>, vector<1024x16xbf16>, vector<1024x16xbf16>, vector<1024x16xbf16> -> vector<1024x416xbf16>
    %mul3A_175 = arith.mulf %concatenate3A_174, %convert_element_type3A : vector<1024x416xbf16>
    %dot_general3A_176 = arith.constant dense<0.000000e+00> : vector<1024x416xf32>
    %dot_general3A_177 = tpu.matmul %mul3A_175, %get3A_4, %dot_general3A_176 {dimension_numbers = #tpu.dot_dimension_numbers<[1], [0], [0], [1], [0, 0, 1, 1], [], []>, transpose_lhs_hint = false} : vector<1024x416xbf16>, vector<416x416xbf16>, vector<1024x416xf32> -> vector<1024x416xf32>
    %add3A_178 = vector.broadcast %get3A_13 : vector<1x416xf32> to vector<1024x416xf32>
    %add3A_179 = arith.addf %dot_general3A_177, %add3A_178 : vector<1024x416xf32>
    %max3A_180 = arith.constant 0.000000e+00 : f32
    %max3A_181 = vector.broadcast %max3A_180 : f32 to vector<1024x416xf32>
    %max3A_182 = arith.maximumf %add3A_179, %max3A_181 : vector<1024x416xf32>
    %convert_element_type3A_183 = arith.truncf %max3A_182 : vector<1024x416xf32> to vector<1024x416xbf16>
    %dot_general3A_184 = arith.constant dense<0.000000e+00> : vector<1024x26xf32>
    %dot_general3A_185 = tpu.matmul %convert_element_type3A_183, %get3A_7, %dot_general3A_184 {dimension_numbers = #tpu.dot_dimension_numbers<[1], [0], [0], [1], [0, 0, 1, 1], [], []>, transpose_lhs_hint = false} : vector<1024x416xbf16>, vector<416x26xbf16>, vector<1024x26xf32> -> vector<1024x26xf32>
    %dot_general3A_186 = arith.constant dense<0.000000e+00> : vector<1024x26xf32>
    %dot_general3A_187 = tpu.matmul %mul3A_175, %get3A_10, %dot_general3A_186 {dimension_numbers = #tpu.dot_dimension_numbers<[1], [0], [0], [1], [0, 0, 1, 1], [], []>, transpose_lhs_hint = false} : vector<1024x416xbf16>, vector<416x26xbf16>, vector<1024x26xf32> -> vector<1024x26xf32>
    %slice3A_188 = vector.extract_strided_slice %convert_element_type3A {offsets = [0, 192], sizes = [1024, 16], strides = [1, 1]} : vector<1024x416xbf16> to vector<1024x16xbf16>
    %concatenate3A_189 = tpu.concatenate %slice3A_188, %slice3A_188, %slice3A_188, %slice3A_188, %slice3A_188, %slice3A_188, %slice3A_188, %slice3A_188, %slice3A_188, %slice3A_188, %slice3A_188, %slice3A_188, %slice3A_188, %slice3A_188, %slice3A_188, %slice3A_188, %slice3A_188, %slice3A_188, %slice3A_188, %slice3A_188, %slice3A_188, %slice3A_188, %slice3A_188, %slice3A_188, %slice3A_188, %slice3A_188 in 1 : vector<1024x16xbf16>, vector<1024x16xbf16>, vector<1024x16xbf16>, vector<1024x16xbf16>, vector<1024x16xbf16>, vector<1024x16xbf16>, vector<1024x16xbf16>, vector<1024x16xbf16>, vector<1024x16xbf16>, vector<1024x16xbf16>, vector<1024x16xbf16>, vector<1024x16xbf16>, vector<1024x16xbf16>, vector<1024x16xbf16>, vector<1024x16xbf16>, vector<1024x16xbf16>, vector<1024x16xbf16>, vector<1024x16xbf16>, vector<1024x16xbf16>, vector<1024x16xbf16>, vector<1024x16xbf16>, vector<1024x16xbf16>, vector<1024x16xbf16>, vector<1024x16xbf16>, vector<1024x16xbf16>, vector<1024x16xbf16> -> vector<1024x416xbf16>
    %mul3A_190 = arith.mulf %concatenate3A_189, %convert_element_type3A : vector<1024x416xbf16>
    %dot_general3A_191 = arith.constant dense<0.000000e+00> : vector<1024x416xf32>
    %dot_general3A_192 = tpu.matmul %mul3A_190, %get3A_4, %dot_general3A_191 {dimension_numbers = #tpu.dot_dimension_numbers<[1], [0], [0], [1], [0, 0, 1, 1], [], []>, transpose_lhs_hint = false} : vector<1024x416xbf16>, vector<416x416xbf16>, vector<1024x416xf32> -> vector<1024x416xf32>
    %add3A_193 = vector.broadcast %get3A_13 : vector<1x416xf32> to vector<1024x416xf32>
    %add3A_194 = arith.addf %dot_general3A_192, %add3A_193 : vector<1024x416xf32>
    %max3A_195 = arith.constant 0.000000e+00 : f32
    %max3A_196 = vector.broadcast %max3A_195 : f32 to vector<1024x416xf32>
    %max3A_197 = arith.maximumf %add3A_194, %max3A_196 : vector<1024x416xf32>
    %convert_element_type3A_198 = arith.truncf %max3A_197 : vector<1024x416xf32> to vector<1024x416xbf16>
    %dot_general3A_199 = arith.constant dense<0.000000e+00> : vector<1024x26xf32>
    %dot_general3A_200 = tpu.matmul %convert_element_type3A_198, %get3A_7, %dot_general3A_199 {dimension_numbers = #tpu.dot_dimension_numbers<[1], [0], [0], [1], [0, 0, 1, 1], [], []>, transpose_lhs_hint = false} : vector<1024x416xbf16>, vector<416x26xbf16>, vector<1024x26xf32> -> vector<1024x26xf32>
    %dot_general3A_201 = arith.constant dense<0.000000e+00> : vector<1024x26xf32>
    %dot_general3A_202 = tpu.matmul %mul3A_190, %get3A_10, %dot_general3A_201 {dimension_numbers = #tpu.dot_dimension_numbers<[1], [0], [0], [1], [0, 0, 1, 1], [], []>, transpose_lhs_hint = false} : vector<1024x416xbf16>, vector<416x26xbf16>, vector<1024x26xf32> -> vector<1024x26xf32>
    %slice3A_203 = vector.extract_strided_slice %convert_element_type3A {offsets = [0, 208], sizes = [1024, 16], strides = [1, 1]} : vector<1024x416xbf16> to vector<1024x16xbf16>
    %concatenate3A_204 = tpu.concatenate %slice3A_203, %slice3A_203, %slice3A_203, %slice3A_203, %slice3A_203, %slice3A_203, %slice3A_203, %slice3A_203, %slice3A_203, %slice3A_203, %slice3A_203, %slice3A_203, %slice3A_203, %slice3A_203, %slice3A_203, %slice3A_203, %slice3A_203, %slice3A_203, %slice3A_203, %slice3A_203, %slice3A_203, %slice3A_203, %slice3A_203, %slice3A_203, %slice3A_203, %slice3A_203 in 1 : vector<1024x16xbf16>, vector<1024x16xbf16>, vector<1024x16xbf16>, vector<1024x16xbf16>, vector<1024x16xbf16>, vector<1024x16xbf16>, vector<1024x16xbf16>, vector<1024x16xbf16>, vector<1024x16xbf16>, vector<1024x16xbf16>, vector<1024x16xbf16>, vector<1024x16xbf16>, vector<1024x16xbf16>, vector<1024x16xbf16>, vector<1024x16xbf16>, vector<1024x16xbf16>, vector<1024x16xbf16>, vector<1024x16xbf16>, vector<1024x16xbf16>, vector<1024x16xbf16>, vector<1024x16xbf16>, vector<1024x16xbf16>, vector<1024x16xbf16>, vector<1024x16xbf16>, vector<1024x16xbf16>, vector<1024x16xbf16> -> vector<1024x416xbf16>
    %mul3A_205 = arith.mulf %concatenate3A_204, %convert_element_type3A : vector<1024x416xbf16>
    %dot_general3A_206 = arith.constant dense<0.000000e+00> : vector<1024x416xf32>
    %dot_general3A_207 = tpu.matmul %mul3A_205, %get3A_4, %dot_general3A_206 {dimension_numbers = #tpu.dot_dimension_numbers<[1], [0], [0], [1], [0, 0, 1, 1], [], []>, transpose_lhs_hint = false} : vector<1024x416xbf16>, vector<416x416xbf16>, vector<1024x416xf32> -> vector<1024x416xf32>
    %add3A_208 = vector.broadcast %get3A_13 : vector<1x416xf32> to vector<1024x416xf32>
    %add3A_209 = arith.addf %dot_general3A_207, %add3A_208 : vector<1024x416xf32>
    %max3A_210 = arith.constant 0.000000e+00 : f32
    %max3A_211 = vector.broadcast %max3A_210 : f32 to vector<1024x416xf32>
    %max3A_212 = arith.maximumf %add3A_209, %max3A_211 : vector<1024x416xf32>
    %convert_element_type3A_213 = arith.truncf %max3A_212 : vector<1024x416xf32> to vector<1024x416xbf16>
    %dot_general3A_214 = arith.constant dense<0.000000e+00> : vector<1024x26xf32>
    %dot_general3A_215 = tpu.matmul %convert_element_type3A_213, %get3A_7, %dot_general3A_214 {dimension_numbers = #tpu.dot_dimension_numbers<[1], [0], [0], [1], [0, 0, 1, 1], [], []>, transpose_lhs_hint = false} : vector<1024x416xbf16>, vector<416x26xbf16>, vector<1024x26xf32> -> vector<1024x26xf32>
    %dot_general3A_216 = arith.constant dense<0.000000e+00> : vector<1024x26xf32>
    %dot_general3A_217 = tpu.matmul %mul3A_205, %get3A_10, %dot_general3A_216 {dimension_numbers = #tpu.dot_dimension_numbers<[1], [0], [0], [1], [0, 0, 1, 1], [], []>, transpose_lhs_hint = false} : vector<1024x416xbf16>, vector<416x26xbf16>, vector<1024x26xf32> -> vector<1024x26xf32>
    %slice3A_218 = vector.extract_strided_slice %convert_element_type3A {offsets = [0, 224], sizes = [1024, 16], strides = [1, 1]} : vector<1024x416xbf16> to vector<1024x16xbf16>
    %concatenate3A_219 = tpu.concatenate %slice3A_218, %slice3A_218, %slice3A_218, %slice3A_218, %slice3A_218, %slice3A_218, %slice3A_218, %slice3A_218, %slice3A_218, %slice3A_218, %slice3A_218, %slice3A_218, %slice3A_218, %slice3A_218, %slice3A_218, %slice3A_218, %slice3A_218, %slice3A_218, %slice3A_218, %slice3A_218, %slice3A_218, %slice3A_218, %slice3A_218, %slice3A_218, %slice3A_218, %slice3A_218 in 1 : vector<1024x16xbf16>, vector<1024x16xbf16>, vector<1024x16xbf16>, vector<1024x16xbf16>, vector<1024x16xbf16>, vector<1024x16xbf16>, vector<1024x16xbf16>, vector<1024x16xbf16>, vector<1024x16xbf16>, vector<1024x16xbf16>, vector<1024x16xbf16>, vector<1024x16xbf16>, vector<1024x16xbf16>, vector<1024x16xbf16>, vector<1024x16xbf16>, vector<1024x16xbf16>, vector<1024x16xbf16>, vector<1024x16xbf16>, vector<1024x16xbf16>, vector<1024x16xbf16>, vector<1024x16xbf16>, vector<1024x16xbf16>, vector<1024x16xbf16>, vector<1024x16xbf16>, vector<1024x16xbf16>, vector<1024x16xbf16> -> vector<1024x416xbf16>
    %mul3A_220 = arith.mulf %concatenate3A_219, %convert_element_type3A : vector<1024x416xbf16>
    %dot_general3A_221 = arith.constant dense<0.000000e+00> : vector<1024x416xf32>
    %dot_general3A_222 = tpu.matmul %mul3A_220, %get3A_4, %dot_general3A_221 {dimension_numbers = #tpu.dot_dimension_numbers<[1], [0], [0], [1], [0, 0, 1, 1], [], []>, transpose_lhs_hint = false} : vector<1024x416xbf16>, vector<416x416xbf16>, vector<1024x416xf32> -> vector<1024x416xf32>
    %add3A_223 = vector.broadcast %get3A_13 : vector<1x416xf32> to vector<1024x416xf32>
    %add3A_224 = arith.addf %dot_general3A_222, %add3A_223 : vector<1024x416xf32>
    %max3A_225 = arith.constant 0.000000e+00 : f32
    %max3A_226 = vector.broadcast %max3A_225 : f32 to vector<1024x416xf32>
    %max3A_227 = arith.maximumf %add3A_224, %max3A_226 : vector<1024x416xf32>
    %convert_element_type3A_228 = arith.truncf %max3A_227 : vector<1024x416xf32> to vector<1024x416xbf16>
    %dot_general3A_229 = arith.constant dense<0.000000e+00> : vector<1024x26xf32>
    %dot_general3A_230 = tpu.matmul %convert_element_type3A_228, %get3A_7, %dot_general3A_229 {dimension_numbers = #tpu.dot_dimension_numbers<[1], [0], [0], [1], [0, 0, 1, 1], [], []>, transpose_lhs_hint = false} : vector<1024x416xbf16>, vector<416x26xbf16>, vector<1024x26xf32> -> vector<1024x26xf32>
    %dot_general3A_231 = arith.constant dense<0.000000e+00> : vector<1024x26xf32>
    %dot_general3A_232 = tpu.matmul %mul3A_220, %get3A_10, %dot_general3A_231 {dimension_numbers = #tpu.dot_dimension_numbers<[1], [0], [0], [1], [0, 0, 1, 1], [], []>, transpose_lhs_hint = false} : vector<1024x416xbf16>, vector<416x26xbf16>, vector<1024x26xf32> -> vector<1024x26xf32>
    %slice3A_233 = vector.extract_strided_slice %convert_element_type3A {offsets = [0, 240], sizes = [1024, 16], strides = [1, 1]} : vector<1024x416xbf16> to vector<1024x16xbf16>
    %concatenate3A_234 = tpu.concatenate %slice3A_233, %slice3A_233, %slice3A_233, %slice3A_233, %slice3A_233, %slice3A_233, %slice3A_233, %slice3A_233, %slice3A_233, %slice3A_233, %slice3A_233, %slice3A_233, %slice3A_233, %slice3A_233, %slice3A_233, %slice3A_233, %slice3A_233, %slice3A_233, %slice3A_233, %slice3A_233, %slice3A_233, %slice3A_233, %slice3A_233, %slice3A_233, %slice3A_233, %slice3A_233 in 1 : vector<1024x16xbf16>, vector<1024x16xbf16>, vector<1024x16xbf16>, vector<1024x16xbf16>, vector<1024x16xbf16>, vector<1024x16xbf16>, vector<1024x16xbf16>, vector<1024x16xbf16>, vector<1024x16xbf16>, vector<1024x16xbf16>, vector<1024x16xbf16>, vector<1024x16xbf16>, vector<1024x16xbf16>, vector<1024x16xbf16>, vector<1024x16xbf16>, vector<1024x16xbf16>, vector<1024x16xbf16>, vector<1024x16xbf16>, vector<1024x16xbf16>, vector<1024x16xbf16>, vector<1024x16xbf16>, vector<1024x16xbf16>, vector<1024x16xbf16>, vector<1024x16xbf16>, vector<1024x16xbf16>, vector<1024x16xbf16> -> vector<1024x416xbf16>
    %mul3A_235 = arith.mulf %concatenate3A_234, %convert_element_type3A : vector<1024x416xbf16>
    %dot_general3A_236 = arith.constant dense<0.000000e+00> : vector<1024x416xf32>
    %dot_general3A_237 = tpu.matmul %mul3A_235, %get3A_4, %dot_general3A_236 {dimension_numbers = #tpu.dot_dimension_numbers<[1], [0], [0], [1], [0, 0, 1, 1], [], []>, transpose_lhs_hint = false} : vector<1024x416xbf16>, vector<416x416xbf16>, vector<1024x416xf32> -> vector<1024x416xf32>
    %add3A_238 = vector.broadcast %get3A_13 : vector<1x416xf32> to vector<1024x416xf32>
    %add3A_239 = arith.addf %dot_general3A_237, %add3A_238 : vector<1024x416xf32>
    %max3A_240 = arith.constant 0.000000e+00 : f32
    %max3A_241 = vector.broadcast %max3A_240 : f32 to vector<1024x416xf32>
    %max3A_242 = arith.maximumf %add3A_239, %max3A_241 : vector<1024x416xf32>
    %convert_element_type3A_243 = arith.truncf %max3A_242 : vector<1024x416xf32> to vector<1024x416xbf16>
    %dot_general3A_244 = arith.constant dense<0.000000e+00> : vector<1024x26xf32>
    %dot_general3A_245 = tpu.matmul %convert_element_type3A_243, %get3A_7, %dot_general3A_244 {dimension_numbers = #tpu.dot_dimension_numbers<[1], [0], [0], [1], [0, 0, 1, 1], [], []>, transpose_lhs_hint = false} : vector<1024x416xbf16>, vector<416x26xbf16>, vector<1024x26xf32> -> vector<1024x26xf32>
    %dot_general3A_246 = arith.constant dense<0.000000e+00> : vector<1024x26xf32>
    %dot_general3A_247 = tpu.matmul %mul3A_235, %get3A_10, %dot_general3A_246 {dimension_numbers = #tpu.dot_dimension_numbers<[1], [0], [0], [1], [0, 0, 1, 1], [], []>, transpose_lhs_hint = false} : vector<1024x416xbf16>, vector<416x26xbf16>, vector<1024x26xf32> -> vector<1024x26xf32>
    %slice3A_248 = vector.extract_strided_slice %convert_element_type3A {offsets = [0, 256], sizes = [1024, 16], strides = [1, 1]} : vector<1024x416xbf16> to vector<1024x16xbf16>
    %concatenate3A_249 = tpu.concatenate %slice3A_248, %slice3A_248, %slice3A_248, %slice3A_248, %slice3A_248, %slice3A_248, %slice3A_248, %slice3A_248, %slice3A_248, %slice3A_248, %slice3A_248, %slice3A_248, %slice3A_248, %slice3A_248, %slice3A_248, %slice3A_248, %slice3A_248, %slice3A_248, %slice3A_248, %slice3A_248, %slice3A_248, %slice3A_248, %slice3A_248, %slice3A_248, %slice3A_248, %slice3A_248 in 1 : vector<1024x16xbf16>, vector<1024x16xbf16>, vector<1024x16xbf16>, vector<1024x16xbf16>, vector<1024x16xbf16>, vector<1024x16xbf16>, vector<1024x16xbf16>, vector<1024x16xbf16>, vector<1024x16xbf16>, vector<1024x16xbf16>, vector<1024x16xbf16>, vector<1024x16xbf16>, vector<1024x16xbf16>, vector<1024x16xbf16>, vector<1024x16xbf16>, vector<1024x16xbf16>, vector<1024x16xbf16>, vector<1024x16xbf16>, vector<1024x16xbf16>, vector<1024x16xbf16>, vector<1024x16xbf16>, vector<1024x16xbf16>, vector<1024x16xbf16>, vector<1024x16xbf16>, vector<1024x16xbf16>, vector<1024x16xbf16> -> vector<1024x416xbf16>
    %mul3A_250 = arith.mulf %concatenate3A_249, %convert_element_type3A : vector<1024x416xbf16>
    %dot_general3A_251 = arith.constant dense<0.000000e+00> : vector<1024x416xf32>
    %dot_general3A_252 = tpu.matmul %mul3A_250, %get3A_4, %dot_general3A_251 {dimension_numbers = #tpu.dot_dimension_numbers<[1], [0], [0], [1], [0, 0, 1, 1], [], []>, transpose_lhs_hint = false} : vector<1024x416xbf16>, vector<416x416xbf16>, vector<1024x416xf32> -> vector<1024x416xf32>
    %add3A_253 = vector.broadcast %get3A_13 : vector<1x416xf32> to vector<1024x416xf32>
    %add3A_254 = arith.addf %dot_general3A_252, %add3A_253 : vector<1024x416xf32>
    %max3A_255 = arith.constant 0.000000e+00 : f32
    %max3A_256 = vector.broadcast %max3A_255 : f32 to vector<1024x416xf32>
    %max3A_257 = arith.maximumf %add3A_254, %max3A_256 : vector<1024x416xf32>
    %convert_element_type3A_258 = arith.truncf %max3A_257 : vector<1024x416xf32> to vector<1024x416xbf16>
    %dot_general3A_259 = arith.constant dense<0.000000e+00> : vector<1024x26xf32>
    %dot_general3A_260 = tpu.matmul %convert_element_type3A_258, %get3A_7, %dot_general3A_259 {dimension_numbers = #tpu.dot_dimension_numbers<[1], [0], [0], [1], [0, 0, 1, 1], [], []>, transpose_lhs_hint = false} : vector<1024x416xbf16>, vector<416x26xbf16>, vector<1024x26xf32> -> vector<1024x26xf32>
    %dot_general3A_261 = arith.constant dense<0.000000e+00> : vector<1024x26xf32>
    %dot_general3A_262 = tpu.matmul %mul3A_250, %get3A_10, %dot_general3A_261 {dimension_numbers = #tpu.dot_dimension_numbers<[1], [0], [0], [1], [0, 0, 1, 1], [], []>, transpose_lhs_hint = false} : vector<1024x416xbf16>, vector<416x26xbf16>, vector<1024x26xf32> -> vector<1024x26xf32>
    %slice3A_263 = vector.extract_strided_slice %convert_element_type3A {offsets = [0, 272], sizes = [1024, 16], strides = [1, 1]} : vector<1024x416xbf16> to vector<1024x16xbf16>
    %concatenate3A_264 = tpu.concatenate %slice3A_263, %slice3A_263, %slice3A_263, %slice3A_263, %slice3A_263, %slice3A_263, %slice3A_263, %slice3A_263, %slice3A_263, %slice3A_263, %slice3A_263, %slice3A_263, %slice3A_263, %slice3A_263, %slice3A_263, %slice3A_263, %slice3A_263, %slice3A_263, %slice3A_263, %slice3A_263, %slice3A_263, %slice3A_263, %slice3A_263, %slice3A_263, %slice3A_263, %slice3A_263 in 1 : vector<1024x16xbf16>, vector<1024x16xbf16>, vector<1024x16xbf16>, vector<1024x16xbf16>, vector<1024x16xbf16>, vector<1024x16xbf16>, vector<1024x16xbf16>, vector<1024x16xbf16>, vector<1024x16xbf16>, vector<1024x16xbf16>, vector<1024x16xbf16>, vector<1024x16xbf16>, vector<1024x16xbf16>, vector<1024x16xbf16>, vector<1024x16xbf16>, vector<1024x16xbf16>, vector<1024x16xbf16>, vector<1024x16xbf16>, vector<1024x16xbf16>, vector<1024x16xbf16>, vector<1024x16xbf16>, vector<1024x16xbf16>, vector<1024x16xbf16>, vector<1024x16xbf16>, vector<1024x16xbf16>, vector<1024x16xbf16> -> vector<1024x416xbf16>
    %mul3A_265 = arith.mulf %concatenate3A_264, %convert_element_type3A : vector<1024x416xbf16>
    %dot_general3A_266 = arith.constant dense<0.000000e+00> : vector<1024x416xf32>
    %dot_general3A_267 = tpu.matmul %mul3A_265, %get3A_4, %dot_general3A_266 {dimension_numbers = #tpu.dot_dimension_numbers<[1], [0], [0], [1], [0, 0, 1, 1], [], []>, transpose_lhs_hint = false} : vector<1024x416xbf16>, vector<416x416xbf16>, vector<1024x416xf32> -> vector<1024x416xf32>
    %add3A_268 = vector.broadcast %get3A_13 : vector<1x416xf32> to vector<1024x416xf32>
    %add3A_269 = arith.addf %dot_general3A_267, %add3A_268 : vector<1024x416xf32>
    %max3A_270 = arith.constant 0.000000e+00 : f32
    %max3A_271 = vector.broadcast %max3A_270 : f32 to vector<1024x416xf32>
    %max3A_272 = arith.maximumf %add3A_269, %max3A_271 : vector<1024x416xf32>
    %convert_element_type3A_273 = arith.truncf %max3A_272 : vector<1024x416xf32> to vector<1024x416xbf16>
    %dot_general3A_274 = arith.constant dense<0.000000e+00> : vector<1024x26xf32>
    %dot_general3A_275 = tpu.matmul %convert_element_type3A_273, %get3A_7, %dot_general3A_274 {dimension_numbers = #tpu.dot_dimension_numbers<[1], [0], [0], [1], [0, 0, 1, 1], [], []>, transpose_lhs_hint = false} : vector<1024x416xbf16>, vector<416x26xbf16>, vector<1024x26xf32> -> vector<1024x26xf32>
    %dot_general3A_276 = arith.constant dense<0.000000e+00> : vector<1024x26xf32>
    %dot_general3A_277 = tpu.matmul %mul3A_265, %get3A_10, %dot_general3A_276 {dimension_numbers = #tpu.dot_dimension_numbers<[1], [0], [0], [1], [0, 0, 1, 1], [], []>, transpose_lhs_hint = false} : vector<1024x416xbf16>, vector<416x26xbf16>, vector<1024x26xf32> -> vector<1024x26xf32>
    %slice3A_278 = vector.extract_strided_slice %convert_element_type3A {offsets = [0, 288], sizes = [1024, 16], strides = [1, 1]} : vector<1024x416xbf16> to vector<1024x16xbf16>
    %concatenate3A_279 = tpu.concatenate %slice3A_278, %slice3A_278, %slice3A_278, %slice3A_278, %slice3A_278, %slice3A_278, %slice3A_278, %slice3A_278, %slice3A_278, %slice3A_278, %slice3A_278, %slice3A_278, %slice3A_278, %slice3A_278, %slice3A_278, %slice3A_278, %slice3A_278, %slice3A_278, %slice3A_278, %slice3A_278, %slice3A_278, %slice3A_278, %slice3A_278, %slice3A_278, %slice3A_278, %slice3A_278 in 1 : vector<1024x16xbf16>, vector<1024x16xbf16>, vector<1024x16xbf16>, vector<1024x16xbf16>, vector<1024x16xbf16>, vector<1024x16xbf16>, vector<1024x16xbf16>, vector<1024x16xbf16>, vector<1024x16xbf16>, vector<1024x16xbf16>, vector<1024x16xbf16>, vector<1024x16xbf16>, vector<1024x16xbf16>, vector<1024x16xbf16>, vector<1024x16xbf16>, vector<1024x16xbf16>, vector<1024x16xbf16>, vector<1024x16xbf16>, vector<1024x16xbf16>, vector<1024x16xbf16>, vector<1024x16xbf16>, vector<1024x16xbf16>, vector<1024x16xbf16>, vector<1024x16xbf16>, vector<1024x16xbf16>, vector<1024x16xbf16> -> vector<1024x416xbf16>
    %mul3A_280 = arith.mulf %concatenate3A_279, %convert_element_type3A : vector<1024x416xbf16>
    %dot_general3A_281 = arith.constant dense<0.000000e+00> : vector<1024x416xf32>
    %dot_general3A_282 = tpu.matmul %mul3A_280, %get3A_4, %dot_general3A_281 {dimension_numbers = #tpu.dot_dimension_numbers<[1], [0], [0], [1], [0, 0, 1, 1], [], []>, transpose_lhs_hint = false} : vector<1024x416xbf16>, vector<416x416xbf16>, vector<1024x416xf32> -> vector<1024x416xf32>
    %add3A_283 = vector.broadcast %get3A_13 : vector<1x416xf32> to vector<1024x416xf32>
    %add3A_284 = arith.addf %dot_general3A_282, %add3A_283 : vector<1024x416xf32>
    %max3A_285 = arith.constant 0.000000e+00 : f32
    %max3A_286 = vector.broadcast %max3A_285 : f32 to vector<1024x416xf32>
    %max3A_287 = arith.maximumf %add3A_284, %max3A_286 : vector<1024x416xf32>
    %convert_element_type3A_288 = arith.truncf %max3A_287 : vector<1024x416xf32> to vector<1024x416xbf16>
    %dot_general3A_289 = arith.constant dense<0.000000e+00> : vector<1024x26xf32>
    %dot_general3A_290 = tpu.matmul %convert_element_type3A_288, %get3A_7, %dot_general3A_289 {dimension_numbers = #tpu.dot_dimension_numbers<[1], [0], [0], [1], [0, 0, 1, 1], [], []>, transpose_lhs_hint = false} : vector<1024x416xbf16>, vector<416x26xbf16>, vector<1024x26xf32> -> vector<1024x26xf32>
    %dot_general3A_291 = arith.constant dense<0.000000e+00> : vector<1024x26xf32>
    %dot_general3A_292 = tpu.matmul %mul3A_280, %get3A_10, %dot_general3A_291 {dimension_numbers = #tpu.dot_dimension_numbers<[1], [0], [0], [1], [0, 0, 1, 1], [], []>, transpose_lhs_hint = false} : vector<1024x416xbf16>, vector<416x26xbf16>, vector<1024x26xf32> -> vector<1024x26xf32>
    %slice3A_293 = vector.extract_strided_slice %convert_element_type3A {offsets = [0, 304], sizes = [1024, 16], strides = [1, 1]} : vector<1024x416xbf16> to vector<1024x16xbf16>
    %concatenate3A_294 = tpu.concatenate %slice3A_293, %slice3A_293, %slice3A_293, %slice3A_293, %slice3A_293, %slice3A_293, %slice3A_293, %slice3A_293, %slice3A_293, %slice3A_293, %slice3A_293, %slice3A_293, %slice3A_293, %slice3A_293, %slice3A_293, %slice3A_293, %slice3A_293, %slice3A_293, %slice3A_293, %slice3A_293, %slice3A_293, %slice3A_293, %slice3A_293, %slice3A_293, %slice3A_293, %slice3A_293 in 1 : vector<1024x16xbf16>, vector<1024x16xbf16>, vector<1024x16xbf16>, vector<1024x16xbf16>, vector<1024x16xbf16>, vector<1024x16xbf16>, vector<1024x16xbf16>, vector<1024x16xbf16>, vector<1024x16xbf16>, vector<1024x16xbf16>, vector<1024x16xbf16>, vector<1024x16xbf16>, vector<1024x16xbf16>, vector<1024x16xbf16>, vector<1024x16xbf16>, vector<1024x16xbf16>, vector<1024x16xbf16>, vector<1024x16xbf16>, vector<1024x16xbf16>, vector<1024x16xbf16>, vector<1024x16xbf16>, vector<1024x16xbf16>, vector<1024x16xbf16>, vector<1024x16xbf16>, vector<1024x16xbf16>, vector<1024x16xbf16> -> vector<1024x416xbf16>
    %mul3A_295 = arith.mulf %concatenate3A_294, %convert_element_type3A : vector<1024x416xbf16>
    %dot_general3A_296 = arith.constant dense<0.000000e+00> : vector<1024x416xf32>
    %dot_general3A_297 = tpu.matmul %mul3A_295, %get3A_4, %dot_general3A_296 {dimension_numbers = #tpu.dot_dimension_numbers<[1], [0], [0], [1], [0, 0, 1, 1], [], []>, transpose_lhs_hint = false} : vector<1024x416xbf16>, vector<416x416xbf16>, vector<1024x416xf32> -> vector<1024x416xf32>
    %add3A_298 = vector.broadcast %get3A_13 : vector<1x416xf32> to vector<1024x416xf32>
    %add3A_299 = arith.addf %dot_general3A_297, %add3A_298 : vector<1024x416xf32>
    %max3A_300 = arith.constant 0.000000e+00 : f32
    %max3A_301 = vector.broadcast %max3A_300 : f32 to vector<1024x416xf32>
    %max3A_302 = arith.maximumf %add3A_299, %max3A_301 : vector<1024x416xf32>
    %convert_element_type3A_303 = arith.truncf %max3A_302 : vector<1024x416xf32> to vector<1024x416xbf16>
    %dot_general3A_304 = arith.constant dense<0.000000e+00> : vector<1024x26xf32>
    %dot_general3A_305 = tpu.matmul %convert_element_type3A_303, %get3A_7, %dot_general3A_304 {dimension_numbers = #tpu.dot_dimension_numbers<[1], [0], [0], [1], [0, 0, 1, 1], [], []>, transpose_lhs_hint = false} : vector<1024x416xbf16>, vector<416x26xbf16>, vector<1024x26xf32> -> vector<1024x26xf32>
    %dot_general3A_306 = arith.constant dense<0.000000e+00> : vector<1024x26xf32>
    %dot_general3A_307 = tpu.matmul %mul3A_295, %get3A_10, %dot_general3A_306 {dimension_numbers = #tpu.dot_dimension_numbers<[1], [0], [0], [1], [0, 0, 1, 1], [], []>, transpose_lhs_hint = false} : vector<1024x416xbf16>, vector<416x26xbf16>, vector<1024x26xf32> -> vector<1024x26xf32>
    %slice3A_308 = vector.extract_strided_slice %convert_element_type3A {offsets = [0, 320], sizes = [1024, 16], strides = [1, 1]} : vector<1024x416xbf16> to vector<1024x16xbf16>
    %concatenate3A_309 = tpu.concatenate %slice3A_308, %slice3A_308, %slice3A_308, %slice3A_308, %slice3A_308, %slice3A_308, %slice3A_308, %slice3A_308, %slice3A_308, %slice3A_308, %slice3A_308, %slice3A_308, %slice3A_308, %slice3A_308, %slice3A_308, %slice3A_308, %slice3A_308, %slice3A_308, %slice3A_308, %slice3A_308, %slice3A_308, %slice3A_308, %slice3A_308, %slice3A_308, %slice3A_308, %slice3A_308 in 1 : vector<1024x16xbf16>, vector<1024x16xbf16>, vector<1024x16xbf16>, vector<1024x16xbf16>, vector<1024x16xbf16>, vector<1024x16xbf16>, vector<1024x16xbf16>, vector<1024x16xbf16>, vector<1024x16xbf16>, vector<1024x16xbf16>, vector<1024x16xbf16>, vector<1024x16xbf16>, vector<1024x16xbf16>, vector<1024x16xbf16>, vector<1024x16xbf16>, vector<1024x16xbf16>, vector<1024x16xbf16>, vector<1024x16xbf16>, vector<1024x16xbf16>, vector<1024x16xbf16>, vector<1024x16xbf16>, vector<1024x16xbf16>, vector<1024x16xbf16>, vector<1024x16xbf16>, vector<1024x16xbf16>, vector<1024x16xbf16> -> vector<1024x416xbf16>
    %mul3A_310 = arith.mulf %concatenate3A_309, %convert_element_type3A : vector<1024x416xbf16>
    %dot_general3A_311 = arith.constant dense<0.000000e+00> : vector<1024x416xf32>
    %dot_general3A_312 = tpu.matmul %mul3A_310, %get3A_4, %dot_general3A_311 {dimension_numbers = #tpu.dot_dimension_numbers<[1], [0], [0], [1], [0, 0, 1, 1], [], []>, transpose_lhs_hint = false} : vector<1024x416xbf16>, vector<416x416xbf16>, vector<1024x416xf32> -> vector<1024x416xf32>
    %add3A_313 = vector.broadcast %get3A_13 : vector<1x416xf32> to vector<1024x416xf32>
    %add3A_314 = arith.addf %dot_general3A_312, %add3A_313 : vector<1024x416xf32>
    %max3A_315 = arith.constant 0.000000e+00 : f32
    %max3A_316 = vector.broadcast %max3A_315 : f32 to vector<1024x416xf32>
    %max3A_317 = arith.maximumf %add3A_314, %max3A_316 : vector<1024x416xf32>
    %convert_element_type3A_318 = arith.truncf %max3A_317 : vector<1024x416xf32> to vector<1024x416xbf16>
    %dot_general3A_319 = arith.constant dense<0.000000e+00> : vector<1024x26xf32>
    %dot_general3A_320 = tpu.matmul %convert_element_type3A_318, %get3A_7, %dot_general3A_319 {dimension_numbers = #tpu.dot_dimension_numbers<[1], [0], [0], [1], [0, 0, 1, 1], [], []>, transpose_lhs_hint = false} : vector<1024x416xbf16>, vector<416x26xbf16>, vector<1024x26xf32> -> vector<1024x26xf32>
    %dot_general3A_321 = arith.constant dense<0.000000e+00> : vector<1024x26xf32>
    %dot_general3A_322 = tpu.matmul %mul3A_310, %get3A_10, %dot_general3A_321 {dimension_numbers = #tpu.dot_dimension_numbers<[1], [0], [0], [1], [0, 0, 1, 1], [], []>, transpose_lhs_hint = false} : vector<1024x416xbf16>, vector<416x26xbf16>, vector<1024x26xf32> -> vector<1024x26xf32>
    %slice3A_323 = vector.extract_strided_slice %convert_element_type3A {offsets = [0, 336], sizes = [1024, 16], strides = [1, 1]} : vector<1024x416xbf16> to vector<1024x16xbf16>
    %concatenate3A_324 = tpu.concatenate %slice3A_323, %slice3A_323, %slice3A_323, %slice3A_323, %slice3A_323, %slice3A_323, %slice3A_323, %slice3A_323, %slice3A_323, %slice3A_323, %slice3A_323, %slice3A_323, %slice3A_323, %slice3A_323, %slice3A_323, %slice3A_323, %slice3A_323, %slice3A_323, %slice3A_323, %slice3A_323, %slice3A_323, %slice3A_323, %slice3A_323, %slice3A_323, %slice3A_323, %slice3A_323 in 1 : vector<1024x16xbf16>, vector<1024x16xbf16>, vector<1024x16xbf16>, vector<1024x16xbf16>, vector<1024x16xbf16>, vector<1024x16xbf16>, vector<1024x16xbf16>, vector<1024x16xbf16>, vector<1024x16xbf16>, vector<1024x16xbf16>, vector<1024x16xbf16>, vector<1024x16xbf16>, vector<1024x16xbf16>, vector<1024x16xbf16>, vector<1024x16xbf16>, vector<1024x16xbf16>, vector<1024x16xbf16>, vector<1024x16xbf16>, vector<1024x16xbf16>, vector<1024x16xbf16>, vector<1024x16xbf16>, vector<1024x16xbf16>, vector<1024x16xbf16>, vector<1024x16xbf16>, vector<1024x16xbf16>, vector<1024x16xbf16> -> vector<1024x416xbf16>
    %mul3A_325 = arith.mulf %concatenate3A_324, %convert_element_type3A : vector<1024x416xbf16>
    %dot_general3A_326 = arith.constant dense<0.000000e+00> : vector<1024x416xf32>
    %dot_general3A_327 = tpu.matmul %mul3A_325, %get3A_4, %dot_general3A_326 {dimension_numbers = #tpu.dot_dimension_numbers<[1], [0], [0], [1], [0, 0, 1, 1], [], []>, transpose_lhs_hint = false} : vector<1024x416xbf16>, vector<416x416xbf16>, vector<1024x416xf32> -> vector<1024x416xf32>
    %add3A_328 = vector.broadcast %get3A_13 : vector<1x416xf32> to vector<1024x416xf32>
    %add3A_329 = arith.addf %dot_general3A_327, %add3A_328 : vector<1024x416xf32>
    %max3A_330 = arith.constant 0.000000e+00 : f32
    %max3A_331 = vector.broadcast %max3A_330 : f32 to vector<1024x416xf32>
    %max3A_332 = arith.maximumf %add3A_329, %max3A_331 : vector<1024x416xf32>
    %convert_element_type3A_333 = arith.truncf %max3A_332 : vector<1024x416xf32> to vector<1024x416xbf16>
    %dot_general3A_334 = arith.constant dense<0.000000e+00> : vector<1024x26xf32>
    %dot_general3A_335 = tpu.matmul %convert_element_type3A_333, %get3A_7, %dot_general3A_334 {dimension_numbers = #tpu.dot_dimension_numbers<[1], [0], [0], [1], [0, 0, 1, 1], [], []>, transpose_lhs_hint = false} : vector<1024x416xbf16>, vector<416x26xbf16>, vector<1024x26xf32> -> vector<1024x26xf32>
    %dot_general3A_336 = arith.constant dense<0.000000e+00> : vector<1024x26xf32>
    %dot_general3A_337 = tpu.matmul %mul3A_325, %get3A_10, %dot_general3A_336 {dimension_numbers = #tpu.dot_dimension_numbers<[1], [0], [0], [1], [0, 0, 1, 1], [], []>, transpose_lhs_hint = false} : vector<1024x416xbf16>, vector<416x26xbf16>, vector<1024x26xf32> -> vector<1024x26xf32>
    %slice3A_338 = vector.extract_strided_slice %convert_element_type3A {offsets = [0, 352], sizes = [1024, 16], strides = [1, 1]} : vector<1024x416xbf16> to vector<1024x16xbf16>
    %concatenate3A_339 = tpu.concatenate %slice3A_338, %slice3A_338, %slice3A_338, %slice3A_338, %slice3A_338, %slice3A_338, %slice3A_338, %slice3A_338, %slice3A_338, %slice3A_338, %slice3A_338, %slice3A_338, %slice3A_338, %slice3A_338, %slice3A_338, %slice3A_338, %slice3A_338, %slice3A_338, %slice3A_338, %slice3A_338, %slice3A_338, %slice3A_338, %slice3A_338, %slice3A_338, %slice3A_338, %slice3A_338 in 1 : vector<1024x16xbf16>, vector<1024x16xbf16>, vector<1024x16xbf16>, vector<1024x16xbf16>, vector<1024x16xbf16>, vector<1024x16xbf16>, vector<1024x16xbf16>, vector<1024x16xbf16>, vector<1024x16xbf16>, vector<1024x16xbf16>, vector<1024x16xbf16>, vector<1024x16xbf16>, vector<1024x16xbf16>, vector<1024x16xbf16>, vector<1024x16xbf16>, vector<1024x16xbf16>, vector<1024x16xbf16>, vector<1024x16xbf16>, vector<1024x16xbf16>, vector<1024x16xbf16>, vector<1024x16xbf16>, vector<1024x16xbf16>, vector<1024x16xbf16>, vector<1024x16xbf16>, vector<1024x16xbf16>, vector<1024x16xbf16> -> vector<1024x416xbf16>
    %mul3A_340 = arith.mulf %concatenate3A_339, %convert_element_type3A : vector<1024x416xbf16>
    %dot_general3A_341 = arith.constant dense<0.000000e+00> : vector<1024x416xf32>
    %dot_general3A_342 = tpu.matmul %mul3A_340, %get3A_4, %dot_general3A_341 {dimension_numbers = #tpu.dot_dimension_numbers<[1], [0], [0], [1], [0, 0, 1, 1], [], []>, transpose_lhs_hint = false} : vector<1024x416xbf16>, vector<416x416xbf16>, vector<1024x416xf32> -> vector<1024x416xf32>
    %add3A_343 = vector.broadcast %get3A_13 : vector<1x416xf32> to vector<1024x416xf32>
    %add3A_344 = arith.addf %dot_general3A_342, %add3A_343 : vector<1024x416xf32>
    %max3A_345 = arith.constant 0.000000e+00 : f32
    %max3A_346 = vector.broadcast %max3A_345 : f32 to vector<1024x416xf32>
    %max3A_347 = arith.maximumf %add3A_344, %max3A_346 : vector<1024x416xf32>
    %convert_element_type3A_348 = arith.truncf %max3A_347 : vector<1024x416xf32> to vector<1024x416xbf16>
    %dot_general3A_349 = arith.constant dense<0.000000e+00> : vector<1024x26xf32>
    %dot_general3A_350 = tpu.matmul %convert_element_type3A_348, %get3A_7, %dot_general3A_349 {dimension_numbers = #tpu.dot_dimension_numbers<[1], [0], [0], [1], [0, 0, 1, 1], [], []>, transpose_lhs_hint = false} : vector<1024x416xbf16>, vector<416x26xbf16>, vector<1024x26xf32> -> vector<1024x26xf32>
    %dot_general3A_351 = arith.constant dense<0.000000e+00> : vector<1024x26xf32>
    %dot_general3A_352 = tpu.matmul %mul3A_340, %get3A_10, %dot_general3A_351 {dimension_numbers = #tpu.dot_dimension_numbers<[1], [0], [0], [1], [0, 0, 1, 1], [], []>, transpose_lhs_hint = false} : vector<1024x416xbf16>, vector<416x26xbf16>, vector<1024x26xf32> -> vector<1024x26xf32>
    %slice3A_353 = vector.extract_strided_slice %convert_element_type3A {offsets = [0, 368], sizes = [1024, 16], strides = [1, 1]} : vector<1024x416xbf16> to vector<1024x16xbf16>
    %concatenate3A_354 = tpu.concatenate %slice3A_353, %slice3A_353, %slice3A_353, %slice3A_353, %slice3A_353, %slice3A_353, %slice3A_353, %slice3A_353, %slice3A_353, %slice3A_353, %slice3A_353, %slice3A_353, %slice3A_353, %slice3A_353, %slice3A_353, %slice3A_353, %slice3A_353, %slice3A_353, %slice3A_353, %slice3A_353, %slice3A_353, %slice3A_353, %slice3A_353, %slice3A_353, %slice3A_353, %slice3A_353 in 1 : vector<1024x16xbf16>, vector<1024x16xbf16>, vector<1024x16xbf16>, vector<1024x16xbf16>, vector<1024x16xbf16>, vector<1024x16xbf16>, vector<1024x16xbf16>, vector<1024x16xbf16>, vector<1024x16xbf16>, vector<1024x16xbf16>, vector<1024x16xbf16>, vector<1024x16xbf16>, vector<1024x16xbf16>, vector<1024x16xbf16>, vector<1024x16xbf16>, vector<1024x16xbf16>, vector<1024x16xbf16>, vector<1024x16xbf16>, vector<1024x16xbf16>, vector<1024x16xbf16>, vector<1024x16xbf16>, vector<1024x16xbf16>, vector<1024x16xbf16>, vector<1024x16xbf16>, vector<1024x16xbf16>, vector<1024x16xbf16> -> vector<1024x416xbf16>
    %mul3A_355 = arith.mulf %concatenate3A_354, %convert_element_type3A : vector<1024x416xbf16>
    %dot_general3A_356 = arith.constant dense<0.000000e+00> : vector<1024x416xf32>
    %dot_general3A_357 = tpu.matmul %mul3A_355, %get3A_4, %dot_general3A_356 {dimension_numbers = #tpu.dot_dimension_numbers<[1], [0], [0], [1], [0, 0, 1, 1], [], []>, transpose_lhs_hint = false} : vector<1024x416xbf16>, vector<416x416xbf16>, vector<1024x416xf32> -> vector<1024x416xf32>
    %add3A_358 = vector.broadcast %get3A_13 : vector<1x416xf32> to vector<1024x416xf32>
    %add3A_359 = arith.addf %dot_general3A_357, %add3A_358 : vector<1024x416xf32>
    %max3A_360 = arith.constant 0.000000e+00 : f32
    %max3A_361 = vector.broadcast %max3A_360 : f32 to vector<1024x416xf32>
    %max3A_362 = arith.maximumf %add3A_359, %max3A_361 : vector<1024x416xf32>
    %convert_element_type3A_363 = arith.truncf %max3A_362 : vector<1024x416xf32> to vector<1024x416xbf16>
    %dot_general3A_364 = arith.constant dense<0.000000e+00> : vector<1024x26xf32>
    %dot_general3A_365 = tpu.matmul %convert_element_type3A_363, %get3A_7, %dot_general3A_364 {dimension_numbers = #tpu.dot_dimension_numbers<[1], [0], [0], [1], [0, 0, 1, 1], [], []>, transpose_lhs_hint = false} : vector<1024x416xbf16>, vector<416x26xbf16>, vector<1024x26xf32> -> vector<1024x26xf32>
    %dot_general3A_366 = arith.constant dense<0.000000e+00> : vector<1024x26xf32>
    %dot_general3A_367 = tpu.matmul %mul3A_355, %get3A_10, %dot_general3A_366 {dimension_numbers = #tpu.dot_dimension_numbers<[1], [0], [0], [1], [0, 0, 1, 1], [], []>, transpose_lhs_hint = false} : vector<1024x416xbf16>, vector<416x26xbf16>, vector<1024x26xf32> -> vector<1024x26xf32>
    %slice3A_368 = vector.extract_strided_slice %convert_element_type3A {offsets = [0, 384], sizes = [1024, 16], strides = [1, 1]} : vector<1024x416xbf16> to vector<1024x16xbf16>
    %concatenate3A_369 = tpu.concatenate %slice3A_368, %slice3A_368, %slice3A_368, %slice3A_368, %slice3A_368, %slice3A_368, %slice3A_368, %slice3A_368, %slice3A_368, %slice3A_368, %slice3A_368, %slice3A_368, %slice3A_368, %slice3A_368, %slice3A_368, %slice3A_368, %slice3A_368, %slice3A_368, %slice3A_368, %slice3A_368, %slice3A_368, %slice3A_368, %slice3A_368, %slice3A_368, %slice3A_368, %slice3A_368 in 1 : vector<1024x16xbf16>, vector<1024x16xbf16>, vector<1024x16xbf16>, vector<1024x16xbf16>, vector<1024x16xbf16>, vector<1024x16xbf16>, vector<1024x16xbf16>, vector<1024x16xbf16>, vector<1024x16xbf16>, vector<1024x16xbf16>, vector<1024x16xbf16>, vector<1024x16xbf16>, vector<1024x16xbf16>, vector<1024x16xbf16>, vector<1024x16xbf16>, vector<1024x16xbf16>, vector<1024x16xbf16>, vector<1024x16xbf16>, vector<1024x16xbf16>, vector<1024x16xbf16>, vector<1024x16xbf16>, vector<1024x16xbf16>, vector<1024x16xbf16>, vector<1024x16xbf16>, vector<1024x16xbf16>, vector<1024x16xbf16> -> vector<1024x416xbf16>
    %mul3A_370 = arith.mulf %concatenate3A_369, %convert_element_type3A : vector<1024x416xbf16>
    %dot_general3A_371 = arith.constant dense<0.000000e+00> : vector<1024x416xf32>
    %dot_general3A_372 = tpu.matmul %mul3A_370, %get3A_4, %dot_general3A_371 {dimension_numbers = #tpu.dot_dimension_numbers<[1], [0], [0], [1], [0, 0, 1, 1], [], []>, transpose_lhs_hint = false} : vector<1024x416xbf16>, vector<416x416xbf16>, vector<1024x416xf32> -> vector<1024x416xf32>
    %add3A_373 = vector.broadcast %get3A_13 : vector<1x416xf32> to vector<1024x416xf32>
    %add3A_374 = arith.addf %dot_general3A_372, %add3A_373 : vector<1024x416xf32>
    %max3A_375 = arith.constant 0.000000e+00 : f32
    %max3A_376 = vector.broadcast %max3A_375 : f32 to vector<1024x416xf32>
    %max3A_377 = arith.maximumf %add3A_374, %max3A_376 : vector<1024x416xf32>
    %convert_element_type3A_378 = arith.truncf %max3A_377 : vector<1024x416xf32> to vector<1024x416xbf16>
    %dot_general3A_379 = arith.constant dense<0.000000e+00> : vector<1024x26xf32>
    %dot_general3A_380 = tpu.matmul %convert_element_type3A_378, %get3A_7, %dot_general3A_379 {dimension_numbers = #tpu.dot_dimension_numbers<[1], [0], [0], [1], [0, 0, 1, 1], [], []>, transpose_lhs_hint = false} : vector<1024x416xbf16>, vector<416x26xbf16>, vector<1024x26xf32> -> vector<1024x26xf32>
    %dot_general3A_381 = arith.constant dense<0.000000e+00> : vector<1024x26xf32>
    %dot_general3A_382 = tpu.matmul %mul3A_370, %get3A_10, %dot_general3A_381 {dimension_numbers = #tpu.dot_dimension_numbers<[1], [0], [0], [1], [0, 0, 1, 1], [], []>, transpose_lhs_hint = false} : vector<1024x416xbf16>, vector<416x26xbf16>, vector<1024x26xf32> -> vector<1024x26xf32>
    %slice3A_383 = vector.extract_strided_slice %convert_element_type3A {offsets = [0, 400], sizes = [1024, 16], strides = [1, 1]} : vector<1024x416xbf16> to vector<1024x16xbf16>
    %concatenate3A_384 = tpu.concatenate %slice3A_383, %slice3A_383, %slice3A_383, %slice3A_383, %slice3A_383, %slice3A_383, %slice3A_383, %slice3A_383, %slice3A_383, %slice3A_383, %slice3A_383, %slice3A_383, %slice3A_383, %slice3A_383, %slice3A_383, %slice3A_383, %slice3A_383, %slice3A_383, %slice3A_383, %slice3A_383, %slice3A_383, %slice3A_383, %slice3A_383, %slice3A_383, %slice3A_383, %slice3A_383 in 1 : vector<1024x16xbf16>, vector<1024x16xbf16>, vector<1024x16xbf16>, vector<1024x16xbf16>, vector<1024x16xbf16>, vector<1024x16xbf16>, vector<1024x16xbf16>, vector<1024x16xbf16>, vector<1024x16xbf16>, vector<1024x16xbf16>, vector<1024x16xbf16>, vector<1024x16xbf16>, vector<1024x16xbf16>, vector<1024x16xbf16>, vector<1024x16xbf16>, vector<1024x16xbf16>, vector<1024x16xbf16>, vector<1024x16xbf16>, vector<1024x16xbf16>, vector<1024x16xbf16>, vector<1024x16xbf16>, vector<1024x16xbf16>, vector<1024x16xbf16>, vector<1024x16xbf16>, vector<1024x16xbf16>, vector<1024x16xbf16> -> vector<1024x416xbf16>
    %mul3A_385 = arith.mulf %concatenate3A_384, %convert_element_type3A : vector<1024x416xbf16>
    %dot_general3A_386 = arith.constant dense<0.000000e+00> : vector<1024x416xf32>
    %dot_general3A_387 = tpu.matmul %mul3A_385, %get3A_4, %dot_general3A_386 {dimension_numbers = #tpu.dot_dimension_numbers<[1], [0], [0], [1], [0, 0, 1, 1], [], []>, transpose_lhs_hint = false} : vector<1024x416xbf16>, vector<416x416xbf16>, vector<1024x416xf32> -> vector<1024x416xf32>
    %add3A_388 = vector.broadcast %get3A_13 : vector<1x416xf32> to vector<1024x416xf32>
    %add3A_389 = arith.addf %dot_general3A_387, %add3A_388 : vector<1024x416xf32>
    %max3A_390 = arith.constant 0.000000e+00 : f32
    %max3A_391 = vector.broadcast %max3A_390 : f32 to vector<1024x416xf32>
    %max3A_392 = arith.maximumf %add3A_389, %max3A_391 : vector<1024x416xf32>
    %convert_element_type3A_393 = arith.truncf %max3A_392 : vector<1024x416xf32> to vector<1024x416xbf16>
    %dot_general3A_394 = arith.constant dense<0.000000e+00> : vector<1024x26xf32>
    %dot_general3A_395 = tpu.matmul %convert_element_type3A_393, %get3A_7, %dot_general3A_394 {dimension_numbers = #tpu.dot_dimension_numbers<[1], [0], [0], [1], [0, 0, 1, 1], [], []>, transpose_lhs_hint = false} : vector<1024x416xbf16>, vector<416x26xbf16>, vector<1024x26xf32> -> vector<1024x26xf32>
    %dot_general3A_396 = arith.constant dense<0.000000e+00> : vector<1024x26xf32>
    %dot_general3A_397 = tpu.matmul %mul3A_385, %get3A_10, %dot_general3A_396 {dimension_numbers = #tpu.dot_dimension_numbers<[1], [0], [0], [1], [0, 0, 1, 1], [], []>, transpose_lhs_hint = false} : vector<1024x416xbf16>, vector<416x26xbf16>, vector<1024x26xf32> -> vector<1024x26xf32>
    %concatenate3A_398 = tpu.concatenate %dot_general3A_20, %dot_general3A_35, %dot_general3A_50, %dot_general3A_65, %dot_general3A_80, %dot_general3A_95, %dot_general3A_110, %dot_general3A_125, %dot_general3A_140, %dot_general3A_155, %dot_general3A_170, %dot_general3A_185, %dot_general3A_200, %dot_general3A_215, %dot_general3A_230, %dot_general3A_245, %dot_general3A_260, %dot_general3A_275, %dot_general3A_290, %dot_general3A_305, %dot_general3A_320, %dot_general3A_335, %dot_general3A_350, %dot_general3A_365, %dot_general3A_380, %dot_general3A_395 in 1 : vector<1024x26xf32>, vector<1024x26xf32>, vector<1024x26xf32>, vector<1024x26xf32>, vector<1024x26xf32>, vector<1024x26xf32>, vector<1024x26xf32>, vector<1024x26xf32>, vector<1024x26xf32>, vector<1024x26xf32>, vector<1024x26xf32>, vector<1024x26xf32>, vector<1024x26xf32>, vector<1024x26xf32>, vector<1024x26xf32>, vector<1024x26xf32>, vector<1024x26xf32>, vector<1024x26xf32>, vector<1024x26xf32>, vector<1024x26xf32>, vector<1024x26xf32>, vector<1024x26xf32>, vector<1024x26xf32>, vector<1024x26xf32>, vector<1024x26xf32>, vector<1024x26xf32> -> vector<1024x676xf32>
    %concatenate3A_399 = tpu.concatenate %dot_general3A_22, %dot_general3A_37, %dot_general3A_52, %dot_general3A_67, %dot_general3A_82, %dot_general3A_97, %dot_general3A_112, %dot_general3A_127, %dot_general3A_142, %dot_general3A_157, %dot_general3A_172, %dot_general3A_187, %dot_general3A_202, %dot_general3A_217, %dot_general3A_232, %dot_general3A_247, %dot_general3A_262, %dot_general3A_277, %dot_general3A_292, %dot_general3A_307, %dot_general3A_322, %dot_general3A_337, %dot_general3A_352, %dot_general3A_367, %dot_general3A_382, %dot_general3A_397 in 1 : vector<1024x26xf32>, vector<1024x26xf32>, vector<1024x26xf32>, vector<1024x26xf32>, vector<1024x26xf32>, vector<1024x26xf32>, vector<1024x26xf32>, vector<1024x26xf32>, vector<1024x26xf32>, vector<1024x26xf32>, vector<1024x26xf32>, vector<1024x26xf32>, vector<1024x26xf32>, vector<1024x26xf32>, vector<1024x26xf32>, vector<1024x26xf32>, vector<1024x26xf32>, vector<1024x26xf32>, vector<1024x26xf32>, vector<1024x26xf32>, vector<1024x26xf32>, vector<1024x26xf32>, vector<1024x26xf32>, vector<1024x26xf32>, vector<1024x26xf32>, vector<1024x26xf32> -> vector<1024x676xf32>
    %iota3A = tpu.iota {dimensions = array<i32: 1>} : vector<1024x676xi32>
    %jit3A = arith.constant 27 : i32
    %eq3A = arith.constant 0 : i32
    %eq3A_400 = arith.cmpi eq, %jit3A, %eq3A : i32
    %jit3A_401 = arith.constant 1 : i32
    %select_n3A = arith.select %eq3A_400, %jit3A_401, %jit3A : i32
    %rem3A = vector.broadcast %select_n3A : i32 to vector<1024x676xi32>
    %rem3A_402 = arith.remsi %iota3A, %rem3A : vector<1024x676xi32>
    %ne3A = arith.constant 0 : i32
    %ne3A_403 = vector.broadcast %ne3A : i32 to vector<1024x676xi32>
    %ne3A_404 = arith.cmpi ne, %rem3A_402, %ne3A_403 : vector<1024x676xi32>
    %lt3A = arith.constant 0 : i32
    %lt3A_405 = vector.broadcast %lt3A : i32 to vector<1024x676xi32>
    %lt3A_406 = arith.cmpi slt, %rem3A_402, %lt3A_405 : vector<1024x676xi32>
    %lt3A_407 = arith.constant 0 : i32
    %lt3A_408 = arith.cmpi slt, %select_n3A, %lt3A_407 : i32
    %ne3A_409 = vector.broadcast %lt3A_408 : i1 to vector<1024x676xi1>
    %ne3A_410 = vector.broadcast %ne3A_409 : vector<1024x676xi1> to vector<1024x676xi1>
    %ne3A_411 = arith.xori %lt3A_406, %ne3A_410 : vector<1024x676xi1>
    %and3A = arith.andi %ne3A_411, %ne3A_404 : vector<1024x676xi1>
    %add3A_412 = vector.broadcast %select_n3A : i32 to vector<1024x676xi32>
    %add3A_413 = arith.addi %rem3A_402, %add3A_412 : vector<1024x676xi32>
    %select_n3A_414 = arith.select %and3A, %add3A_413, %rem3A_402 : vector<1024x676xi1>, vector<1024x676xi32>
    %eq3A_415 = arith.constant 0 : i32
    %eq3A_416 = vector.broadcast %eq3A_415 : i32 to vector<1024x676xi32>
    %eq3A_417 = arith.cmpi eq, %select_n3A_414, %eq3A_416 : vector<1024x676xi32>
    %jit3A_418 = arith.constant 0xFF800000 : f32
    %broadcast_in_dim3A = vector.broadcast %jit3A_418 : f32 to vector<1024x676xf32>
    %select_n3A_419 = arith.select %eq3A_417, %broadcast_in_dim3A, %concatenate3A_398 : vector<1024x676xi1>, vector<1024x676xf32>
    %reduce_max3A = arith.constant dense<0xFF800000> : vector<1024xf32>
    %reduce_max3A_420 = vector.multi_reduction <maximumf>, %select_n3A_419, %reduce_max3A [1] : vector<1024x676xf32> to vector<1024xf32>
    %broadcast_in_dim3A_421 = vector.shape_cast %reduce_max3A_420 : vector<1024xf32> to vector<1024x1xf32>
    %sub3A = vector.broadcast %broadcast_in_dim3A_421 : vector<1024x1xf32> to vector<1024x676xf32>
    %sub3A_422 = arith.subf %select_n3A_419, %sub3A : vector<1024x676xf32>
    %exp3A = math.exp %sub3A_422 : vector<1024x676xf32>
    %mul3A_423 = arith.mulf %exp3A, %concatenate3A_399 : vector<1024x676xf32>
    %reduce_sum3A = arith.constant dense<0.000000e+00> : vector<1024xf32>
    %reduce_sum3A_424 = vector.multi_reduction <add>, %mul3A_423, %reduce_sum3A [1] : vector<1024x676xf32> to vector<1024xf32>
    %broadcast_in_dim3A_425 = vector.shape_cast %reduce_sum3A_424 : vector<1024xf32> to vector<1024x1xf32>
    %reduce_sum3A_426 = arith.constant dense<0.000000e+00> : vector<1024xf32>
    %reduce_sum3A_427 = vector.multi_reduction <add>, %exp3A, %reduce_sum3A_426 [1] : vector<1024x676xf32> to vector<1024xf32>
    %broadcast_in_dim3A_428 = vector.shape_cast %reduce_sum3A_427 : vector<1024xf32> to vector<1024x1xf32>
    %div3A = arith.divf %broadcast_in_dim3A_425, %broadcast_in_dim3A_428 : vector<1024x1xf32>
    %get3A_429 = arith.constant 0 : index
    %get3A_430 = arith.constant 0 : index
    %get3A_431 = vector.load %arg2[%get3A_429, %get3A_430] : memref<1024x26xf32, #tpu.memory_space<vmem>>, vector<1024x26xf32>
    %reduce_sum3A_432 = arith.constant dense<0.000000e+00> : vector<1024xf32>
    %reduce_sum3A_433 = vector.multi_reduction <add>, %get3A_431, %reduce_sum3A_432 [1] : vector<1024x26xf32> to vector<1024xf32>
    %broadcast_in_dim3A_434 = vector.shape_cast %reduce_sum3A_433 : vector<1024xf32> to vector<1024x1xf32>
    %get3A_435 = arith.constant 0 : index
    %get3A_436 = arith.constant 0 : index
    %get3A_437 = vector.load %arg7[%get3A_435, %get3A_436] : memref<1x1xf32, #tpu.memory_space<vmem>>, vector<1x1xf32>
    %add3A_438 = vector.broadcast %get3A_437 : vector<1x1xf32> to vector<1024x1xf32>
    %add3A_439 = arith.addf %add3A_438, %broadcast_in_dim3A_434 : vector<1024x1xf32>
    %add3A_440 = arith.addf %add3A_439, %div3A : vector<1024x1xf32>
    %logistic3A = arith.negf %add3A_440 : vector<1024x1xf32>
    %logistic3A_441 = math.exp %logistic3A : vector<1024x1xf32>
    %logistic3A_442 = arith.constant 1.000000e+00 : f32
    %logistic3A_443 = vector.broadcast %logistic3A_442 : f32 to vector<1024x1xf32>
    %logistic3A_444 = arith.addf %logistic3A_443, %logistic3A_441 : vector<1024x1xf32>
    %logistic3A_445 = arith.divf %logistic3A_443, %logistic3A_444 : vector<1024x1xf32>
    %swap3A = arith.constant 0 : index
    %swap3A_446 = arith.constant 0 : index
    %swap3A_447 = vector.load %arg8[%swap3A, %swap3A_446] : memref<1024x1xf32, #tpu.memory_space<vmem>>, vector<1024x1xf32>
    tpu.vector_store %arg8[%swap3A, %swap3A_446], %logistic3A_445 {strides = array<i32>} : memref<1024x1xf32, #tpu.memory_space<vmem>>, vector<1024x1xf32>,
    return
  }
  func.func @transform_0(%arg0: i32) -> (i32, i32) {
    %c0_i32 = arith.constant 0 : i32
    %c0_i32_0 = arith.constant 0 : i32
    return %arg0, %c0_i32 : i32, i32
  }
  func.func @transform_1(%arg0: i32) -> (i32, i32) {
    %c0_i32 = arith.constant 0 : i32
    %c0_i32_0 = arith.constant 0 : i32
    return %arg0, %c0_i32 : i32, i32
  }
  func.func @transform_2(%arg0: i32) -> (i32, i32) {
    %c0_i32 = arith.constant 0 : i32
    %c0_i32_0 = arith.constant 0 : i32
    %c0_i32_1 = arith.constant 0 : i32
    return %c0_i32, %c0_i32_0 : i32, i32
  }
  func.func @transform_3(%arg0: i32) -> (i32, i32) {
    %c0_i32 = arith.constant 0 : i32
    %c0_i32_0 = arith.constant 0 : i32
    %c0_i32_1 = arith.constant 0 : i32
    return %c0_i32, %c0_i32_0 : i32, i32
  }
  func.func @transform_4(%arg0: i32) -> (i32, i32) {
    %c0_i32 = arith.constant 0 : i32
    %c0_i32_0 = arith.constant 0 : i32
    %c0_i32_1 = arith.constant 0 : i32
    return %c0_i32, %c0_i32_0 : i32, i32
  }
  func.func @transform_5(%arg0: i32) -> (i32, i32) {
    %c0_i32 = arith.constant 0 : i32
    %c0_i32_0 = arith.constant 0 : i32
    %c0_i32_1 = arith.constant 0 : i32
    return %c0_i32, %c0_i32_0 : i32, i32
  }
  func.func @transform_6(%arg0: i32) -> (i32, i32) {
    %c0_i32 = arith.constant 0 : i32
    %c0_i32_0 = arith.constant 0 : i32
    %c0_i32_1 = arith.constant 0 : i32
    return %c0_i32, %c0_i32_0 : i32, i32
  }
  func.func @transform_7(%arg0: i32) -> (i32, i32) {
    %c0_i32 = arith.constant 0 : i32
    %c0_i32_0 = arith.constant 0 : i32
    return %arg0, %c0_i32 : i32, i32
  }
}

</mosaic_0001>

<sc_bundles>
// kernel: kernel.5.cloned.1.call-start
scs
__scs_entry_jumppad:
0x0: {  	(pc) =	sbr.rel $0x88, $3  }
0x1: {  	(tag) =	ssettag $0x0;
	lr =	simm.s32 $0x1  }
0x2: {  	[smem:$0x3F99] =	sst lr;
	_ =	strace $0xD0000000  }
0x3: {  	_ = 	snop  }
0x4: {  	_ = 	snop  }
0x5: {  	_ = 	snop  }
0x6: {  	_ = 	snop  }
0x7: {  	_ = 	snop  }
__scs_overlays_trampoline_lowered:
0x8: {  	[smem:$0x3FA8] =	sst s0  }
0x9: {  	[smem:$0x3FA9] =	sst s1  }
0xa: {  	[smem:$0x3FAA] =	sst s2  }
0xb: {  	[smem:$0x3FAB] =	sst s3  }
0xc: {  	[smem:$0x3FAC] =	sst s4  }
0xd: {  	[smem:$0x3FAD] =	sst s5  }
0xe: {  	[smem:$0x3FAE] =	sst s6  }
0xf: {  	[smem:$0x3FAF] =	sst s7  }
0x10: {  	[smem:$0x3FB0] =	sst s8  }
0x11: {  	[smem:$0x3FB1] =	sst s9;
	s0 =	simm.s32 @!p0 $0x0  }
0x12: {  	s1 =	sld [smem:$0x3F97];
	s0 =	simm.s32 @p0 $0x1  }
0x13: {  	[smem:$0x3FB2] =	sst s0;
	s0 =	simm.s32 @!p1 $0x0  }
0x14: {  	s2 =	sld [smem:$0x3F96];
	s0 =	simm.s32 @p1 $0x1  }
0x15: {  	[smem:$0x3FB3] =	sst s0;
	s0 =	simm.s32 @!p2 $0x0  }
0x16: {  	s3 =	sld [smem:$0x3FDB];
	s0 =	simm.s32 @p2 $0x1  }
0x17: {  	s4 =	simm.s32 $0x1BF5;
	[smem:$0x3FB5] =	sst s0  }
0x18: {  	s0 =	sld [smem:$0x3F98];
	_ =	swait.ge [sflag:s4], $0x0  }
0x19: {  	s7 =	sld [smem:$0x3F99]  }
0x1a: {  	s8 =	sadd.s32 $0xFFFFE003, lr  }
0x1b: {  	s9 =	sadd.s32 $0xFFFFFEF7, lr;
	s5 =	simm.s32 $0xFFFFFFFF;
	p2 =	slt.u32 s8, $0xFFFFF086  }
0x1c: {  	p1 =	slt.u32 s9, $0xF7A;
	s5 =	simm.s32 @!p2 $0x0  }
0x1d: {  	s5 =	simm.s32 @p1 $0x1;
	p0 =	seq.s32 s7, s2  }
0x1e: {  	s7 =	smul.u32 @!p0 $0xF7A, s2;
	p2 =	seq.s32 @!p0 s5, $0x0  }
0x1f: {  	s9 =	smul.u32 $0xF7A, s1;
	s8 =	simm.s32 @!p0 $0x1BF5;
	p2 =	por !p2, p0  }
0x20: {  	[sflag:s8] =	ssyncset.s32 @!p0 $0xFFFFF086;
	s6 =	sadd.s32 @!p0 s3, s7;
	s7 =	simm.s32 @!p0 $0x108  }
0x21: {  	s3 =	sadd.s32 s3, s9;
	s6 =	sadd.s32 @!p0 $0x88, s6;
	s7 =	simm.s32 @p2 $0x1082  }
0x22: {  	[simem:s7], [sflag:s8] =	dma.local @!p0 [hbm:s6], $0xF7A  }
0x23: {  	s9 =	sor.u32 $0xD0000000, s2;
	s6 =	simm.s32 $0x108;
	_ =	swait.ge @!p0 [sflag:s8], $0x0  }
0x24: {  	s3 =	sadd.s32 $0x88, s3;
	s6 =	simm.s32 @!p1 $0x1082;
	[sflag:s4] =	ssyncset.s32 $0xFFFFF086  }
0x25: {  	[simem:s6], [sflag:s4] =	dma.local [hbm:s3], $0xF7A  }
0x26: {  	[smem:$0x3F99] =	sst s1;
	(tag) =	ssettag s2;
	_ =	strace s9  }
0x27: {  	s1 =	sld [smem:$0x3FA9]  }
0x28: {  	s2 =	sld [smem:$0x3FAA]  }
0x29: {  	s4 =	sld [smem:$0x3FAC]  }
0x2a: {  	p0 =	seq.s32 s5, $0x0;
	s5 =	sld [smem:$0x3FAD]  }
0x2b: {  	s6 =	sld [smem:$0x3FAE]  }
0x2c: {  	s7 =	sld [smem:$0x3FAF]  }
0x2d: {  	s3 =	simm.s32 $0x108;
	s8 =	sld [smem:$0x3FB0]  }
0x2e: {  	s3 =	simm.s32 @!p0 $0x1082;
	s9 =	sld [smem:$0x3FB1]  }
0x2f: {  	lr =	sadd.s32 s0, s3;
	s0 =	sld [smem:$0x3FA8]  }
0x30: {  	s3 =	sld [smem:$0x3FAB]  }
0x31: {  	[smem:$0x3FB4] =	sst s10  }
0x32: {  	s10 =	sld [smem:$0x3FB2];
	_ =	sdelay $0x3  }
0x33: {  	p0 =	seq.s32 s10, $0x1;
	s10 =	sld [smem:$0x3FB4];
	_ =	sdelay $0x3  }
0x34: {  	[smem:$0x3FB4] =	sst s10  }
0x35: {  	s10 =	sld [smem:$0x3FB3];
	_ =	sdelay $0x3  }
0x36: {  	p1 =	seq.s32 s10, $0x1;
	s10 =	sld [smem:$0x3FB4];
	_ =	sdelay $0x3  }
0x37: {  	[smem:$0x3FB4] =	sst s10  }
0x38: {  	s10 =	sld [smem:$0x3FB5]  }
0x39: {  	_ = 	snop;
	(pc) =	sbr.ind lr, $3  }
0x3a: {  	_ = 	snop  }
0x3b: {  	_ = 	snop  }
0x3c: {  	p2 =	seq.s32 s10, $0x1;
	s10 =	sld [smem:$0x3FB4]  }
0x3d: {  	_ =	shalt  }
0x3e: {  	_ =	shalt  }
0x3f: {  	_ =	shalt  }
0x40: {  	_ =	shalt  }
0x41: {  	_ =	shalt  }
0x42: {  	_ =	shalt  }
0x43: {  	_ =	shalt  }
0x44: {  	_ =	shalt  }
0x45: {  	_ =	shalt  }
0x46: {  	_ =	shalt  }
0x47: {  	_ =	shalt  }
0x48: {  	_ =	shalt  }
0x49: {  	_ =	shalt  }
0x4a: {  	_ =	shalt  }
0x4b: {  	_ =	shalt  }
0x4c: {  	_ =	shalt  }
0x4d: {  	_ =	shalt  }
0x4e: {  	_ =	shalt  }
0x4f: {  	_ =	shalt  }
0x50: {  	_ =	shalt  }
0x51: {  	_ =	shalt  }
0x52: {  	_ =	shalt  }
0x53: {  	_ =	shalt  }
0x54: {  	_ =	shalt  }
0x55: {  	_ =	shalt  }
0x56: {  	_ =	shalt  }
0x57: {  	_ =	shalt  }
0x58: {  	_ =	shalt  }
0x59: {  	_ =	shalt  }
0x5a: {  	_ =	shalt  }
0x5b: {  	_ =	shalt  }
0x5c: {  	_ =	shalt  }
0x5d: {  	_ =	shalt  }
0x5e: {  	_ =	shalt  }
0x5f: {  	_ =	shalt  }
0x60: {  	_ =	shalt  }
0x61: {  	_ =	shalt  }
0x62: {  	_ =	shalt  }
0x63: {  	_ =	shalt  }
0x64: {  	_ =	shalt  }
0x65: {  	_ =	shalt  }
0x66: {  	_ =	shalt  }
0x67: {  	_ =	shalt  }
0x68: {  	_ =	shalt  }
0x69: {  	_ =	shalt  }
0x6a: {  	_ =	shalt  }
0x6b: {  	_ =	shalt  }
0x6c: {  	_ =	shalt  }
0x6d: {  	_ =	shalt  }
0x6e: {  	_ =	shalt  }
0x6f: {  	_ =	shalt  }
0x70: {  	_ =	shalt  }
0x71: {  	_ =	shalt  }
0x72: {  	_ =	shalt  }
0x73: {  	_ =	shalt  }
0x74: {  	_ =	shalt  }
0x75: {  	_ =	shalt  }
0x76: {  	_ =	shalt  }
0x77: {  	_ =	shalt  }
0x78: {  	_ =	shalt  }
0x79: {  	_ =	shalt  }
0x7a: {  	_ =	shalt  }
0x7b: {  	_ =	shalt  }
0x7c: {  	_ =	shalt  }
0x7d: {  	_ =	shalt  }
0x7e: {  	_ =	shalt  }
0x7f: {  	_ =	shalt  }
0x80: {  	_ =	shalt  }
0x81: {  	_ =	shalt  }
0x82: {  	_ =	shalt  }
0x83: {  	_ =	shalt  }
0x84: {  	_ =	shalt  }
0x85: {  	_ =	shalt  }
0x86: {  	_ =	shalt  }
0x87: {  	_ =	shalt  }
.Lfunc_end0:
.L_simem_size_0:
called_computation_lowered:
.L_overlay_start_0:
0x88: {  	s2 =	sld [smem:$0x3FD9]  }
0x89: {  	s3 =	sld [smem:$0x3FFE];
	_ =	sdelay $0x1  }
0x8a: {  	s1 =	srdreg.scid  }
0x8b: {  	s0 =	sand.u32 $0x1, s1  }
0x8c: {  	s16 =	sshll.u32 s0, $0xA;
	s2 =	sadd.s32 s3, s2  }
0x8d: {  	s2 =	sadd.s32 s2, s16  }
0x8e: {  	[smem:$0x3FC0] =	sst s2  }
0x8f: {  	_ = 	snop  }
0x90: {  	(tm) =	ssettm $0x1  }
0x91: {  	s17 =	sld [smem:$0x3FFB];
	_ =	sdelay $0x3  }
0x92: {  	_ =	strace s17  }
0x93: {  	s2 =	sld [smem:$0x3FFC];
	_ =	sdelay $0x3  }
0x94: {  	_ =	strace s2  }
0x95: {  	s2 =	sld [smem:$0x3FFD];
	_ =	sdelay $0x3  }
0x96: {  	_ =	strace s2  }
0x97: {  	_ =	strace $0x8FFFFFFF  }
0x98: {  	s18 =	sld [smem:$0x3FDB];
	_ =	sdelay $0x1  }
0x99: {  	s19 =	simm.s32 $_scs_section_size  }
0x9a: {  	s4 =	simm.s32 $_size__tile_overlayer_lowered;
	s5 =	simm.s32 $_tile_overlayer_lowered  }
0x9b: {  	s22 =	simm.s32 $0x1BFF;
	s21 =	sshll.u32 s5, $0x1;
	s2 =	sadd.s32 s19, s18  }
0x9c: {  	s6 =	simm.s32 $0x0;
	s20 =	sshll.u32 s4, $0x1;
	s4 =	sadd.s32 s21, s2  }
0x9d: {  	[timem:s6], [sflag:s22] =	dma.local [hbm:s4], s20  }
0x9e: {  	_ =	swait.ge [sflag:s22], s20  }
0x9f: {  	s3 =	ssub.s32 $0x0, s20;
	[sflag:s22] =	ssyncset.done $0x0  }
0xa0: {  	[sflag:s22] =	ssyncadd.s32 s3;
	_ =	sdelay $0x1  }
0xa1: {  	s23 =	simm.s32 $0x1B8B  }
0xa2: {  	_ =	swait.ge [sflag:s23], $0x1  }
0xa3: {  	[sflag:s23] =	ssyncset.done $0x0  }
0xa4: {  	s25 =	simm.s32 $0x1B8E;
	s24 =	sld [smem:$0x3FFE];
	[sflag:s23] =	ssyncadd.s32 $0xFFFFFFFF  }
0xa5: {  	s26 =	simm.s32 $execute0_lowered;
	[smem:$0x3FD2] =	sst s25  }
0xa6: {  	s4 =	sshll.u32 s26, $0x1;
	_ =	strace $0x80000046;
	[dreg:$0x1] =	wrdreg $0xFFFFFFFF  }
0xa7: {  	s28 =	simm.s32 $_size_execute0_lowered;
	s2 =	sadd.s32 s2, s4;
	[dreg:$0x0] =	wrdreg $0x0  }
0xa8: {  	s4 =	sshll.u32 s28, $0x1;
	[dreg:$0x2] =	wrdreg s2  }
0xa9: {  	[dreg:$0x3] =	wrdreg s4  }
0xaa: {  	[dreg:$0x4] =	wrdreg $0xC0  }
0xab: {  	_ =	task [dreg:s6], $0x5FFFF  }
0xac: {  	[dreg:$0x1] =	wrdreg $0xFFFFFFFF  }
0xad: {  	[dreg:$0x0] =	wrdreg $0x60  }
0xae: {  	[dreg:$0x2] =	wrdreg s24  }
0xaf: {  	[dreg:$0x3] =	wrdreg $0x9  }
0xb0: {  	_ =	task.clear_ibuf [dreg:s6], $0x4FFFF;
	_ =	strace $0x90000046  }
0xb1: {  	s29 =	simm.s32 $0x9;
	_ =	strace $0x80000048  }
0xb2: {  	_ =	swait.ge [sflag:s29], $0x1  }
0xb3: {  	[sflag:s29] =	ssyncadd.s32 $0xFFFFFFFF  }
0xb4: {  	_ =	strace $0x90000048  }
0xb5: {  	_ =	sfence  }
0xb6: {  	s30 =	sld [smem:$0x0];
	_ =	sdelay $0x2  }
0xb7: {  	s31 =	sshll.u32 s1, $0xD;
	s1 =	sshrl.u32 s1, $0x2  }
0xb8: {  	s3 =	sand.u32 $0x4000, s31;
	s1 =	sadd.s32 s1, s30  }
0xb9: {  	s0 =	sor.u32 s3, s0;
	s1 =	sshll.u32 s1, $0x11  }
0xba: {  	s0 =	sor.u32 s1, s0  }
0xbb: {  	s0 =	sadd.s32 $0x8F2B, s0  }
0xbc: {  	[sflag:s0] =	ssyncadd.remote.s32 $0x1  }
0xbd: {  	_ =	sfence.sel $0xFFFF  }
0xbe: {  	[dreg:$0x0] =	wrdreg $0xFFFFFFFF;
	(pc) =	sbr.abs _section_cstart, $3  }
0xbf: {  	[dreg:$0x1] =	wrdreg $0xFFFFFFFF  }
0xc0: {  	_ =	task.clear_ibuf [dreg:s6], $0x2FFFF;
	_ =	strace $0x9FFFFFFF  }
0xc1: {  	(tm) =	ssettm $0x7FFFFFFF  }
tec
execute0_lowered:
.L_overlay_start_1:
0x0: {  	(tag) =	ssettag $0x1  }
0x1: {  	v0 =	vlaneseq.u32  }
0x2: {  	v0 =	vmul.u32 $0x80, v0;
	_ =	sdelay $0x1  }
0x3: {  	v4 =	vor.u32 $0x1, v0;
	v5 =	vor.u32 $0x2, v0;
	v6 =	vor.u32 $0x3, v0  }
0x4: {  	v7 =	vor.u32 $0x4, v0;
	v8 =	vor.u32 $0x5, v0;
	v9 =	vor.u32 $0x6, v0  }
0x5: {  	v10 =	vor.u32 $0x7, v0;
	v12 =	vor.u32 $0x9, v0;
	v13 =	vor.u32 $0xA, v0  }
0x6: {  	v14 =	vor.u32 $0xB, v0;
	v15 =	vor.u32 $0xC, v0;
	v17 =	vor.u32 $0xD, v0  }
0x7: {  	v18 =	vor.u32 $0xE, v0;
	v19 =	vor.u32 $0xF, v0;
	v52 =	vor.u32 $0x800, v0  }
0x8: {  	v20 =	vor.u32 $0x801, v0;
	v21 =	vor.u32 $0x802, v0;
	v22 =	vor.u32 $0x803, v0  }
0x9: {  	v23 =	vor.u32 $0x804, v0;
	v24 =	vor.u32 $0x805, v0;
	v25 =	vor.u32 $0x806, v0  }
0xa: {  	s5 =	rddreg [dreg:$0x0];
	v26 =	vor.u32 $0x807, v0;
	v27 =	vor.u32 $0x808, v0;
	v28 =	vor.u32 $0x809, v0  }
0xb: {  	s0 =	rddreg [dreg:$0x1];
	s1 =	simm.s32 $0x0;
	s3 =	srdreg.scid;
	v29 =	vor.u32 $0x80A, v0;
	v30 =	vor.u32 $0x80B, v0;
	v31 =	vor.u32 $0x80C, v0  }
0xc: {  	s2 =	stileid.u32;
	s12 =	simm.s32 $0x3;
	s13 =	simm.s32 $0x80;
	v33 =	vor.u32 $0x80D, v0;
	v34 =	vor.u32 $0x80E, v0;
	v35 =	vor.u32 $0x80F, v0  }
0xd: {  	s14 =	simm.s32 $0x100;
	s15 =	simm.s32 $0x180;
	s16 =	simm.s32 $0x200;
	v32 =	vor.u32 $0x1000, v0;
	v36 =	vor.u32 $0x1001, v0;
	v37 =	vor.u32 $0x1002, v0  }
0xe: {  	s17 =	simm.s32 $0x4200;
	s18 =	simm.s32 $0x1;
	s20 =	simm.s32 $0x8200;
	v38 =	vor.u32 $0x1003, v0;
	v39 =	vor.u32 $0x1004, v0;
	v40 =	vor.u32 $0x1005, v0  }
0xf: {  	s21 =	simm.s32 $0xC200;
	[smem:$0x7FF] =	sst s1;
	s7 =	smul.u32 $0x1A00, s2;
	v41 =	vor.u32 $0x1006, v0;
	v42 =	vor.u32 $0x1007, v0;
	v44 =	vor.u32 $0x1008, v0  }
0x10: {  	s6 =	sand.u32 $0x1, s3;
	s3 =	sadd.s32 $0x27ADC00, s5;
	s9 =	smul.u32 $0x1A000, s2;
	v43 =	vor.u32 $0x1009, v0;
	v45 =	vor.u32 $0x100A, v0;
	v46 =	vor.u32 $0x100B, v0  }
0x11: {  	s19 =	simm.s32 $0x2;
	_ =	strace $0x80000047;
	s8 =	smul.u32 $0xD00, s6;
	v47 =	vor.u32 $0x100C, v0;
	v49 =	vor.u32 $0x100D, v0;
	v1 =	vor.u32 $0x180D, v0  }
0x12: {  	s22 =	simm.s32 $0x0;
	s30 =	ssub.s32 $0x2, s6;
	s6 =	smul.u32 $0xD000, s6;
	v51 =	vor.u32 $0x100E, v0;
	v50 =	vor.u32 $0x100F, v0;
	v53 =	vor.u32 $0x1801, v0;
	[tilespmem:$0x1FFA0] =	vst v1  }
0x13: {  	s4 =	sadd.s32 $0x67200, s5;
	s9 =	sadd.s32 s9, s5;
	v48 =	vor.u32 $0x1800, v0;
	v55 =	vor.u32 $0x1802, v0;
	v56 =	vor.u32 $0x1803, v0;
	s7 =	sadd.s32 s8, s7;
	[tilespmem:$0x1FFD0] =	vst v53  }
0x14: {  	s10 =	sshrl.u32 s30, $0x1;
	v59 =	vor.u32 $0x1804, v0;
	v60 =	vor.u32 $0x1805, v0;
	v58 =	vor.u32 $0x1806, v0;
	s6 =	sadd.s32 s6, s9;
	[tilespmem:$0x1FFE0] =	vst v55;
	s7 =	sshrl.u32 s7, $0x3  }
0x15: {  	v61 =	vor.u32 $0x1807, v0;
	v62 =	vor.u32 $0x1808, v0;
	s31 =	ssub.s32 s30, s10;
	v1 =	vor.u32 $0x180E, v0;
	[tilespmem:$0x1FFF0] =	vst v56;
	s6 =	sadd.s32 $0xB9C00, s6;
	s11 =	sadd.s32 s7, s5  }
0x16: {  	v63 =	vor.u32 $0x1809, v0;
	v16 =	vor.u32 $0x180A, v0;
	[tilespmem:$0x1FFB0] =	vst v1;
	v1 =	vor.u32 $0x180F, v0;
	s5 =	smax.u32 s31, $0x1;
	s7 =	sadd.s32 $0xE800, s11;
	s8 =	sadd.s32 $0x1800, s11  }
0x17: {  	v11 =	vor.u32 $0x8, v0;
	v54 =	vor.u32 $0x180B, v0;
	v57 =	vor.u32 $0x180C, v0;
	[tilespmem:$0x1FFC0] =	vst v1;
	s9 =	sadd.s32 $0x4C00, s11;
	s10 =	sadd.s32 $0xB400, s11;
	s11 =	sadd.s32 $0x8000, s11  }
.LBB2_1:
0x18: {  	s23 =	smov.u32 s6;
	s24 =	simm.s32 $0x0  }
.LBB2_2:
0x19: {  	s25 =	sadd.s32 s24, s11  }
0x1a: {  	[tilespmem:s1], [sflag:$0x3] =	stream.linear.gather [hbm4b:s25+s1], $0x80, $0x38;
	[tilespmem:$0xC280] =	vst v63  }
0x1b: {  	_ =	swait.ge [sflag:s12], $0x80  }
0x1c: {  	[sflag:s12] =	ssyncset.done $0x0  }
0x1d: {  	s28 =	sadd.s32 s24, s10;
	[sflag:s12] =	ssyncadd.s32 $0xFFFFFF80  }
0x1e: {  	[tilespmem:s13], [sflag:$0x3] =	stream.linear.gather [hbm4b:s28+s1], $0x80, $0x38;
	[tilespmem:$0xC280] =	vst v63  }
0x1f: {  	_ =	swait.ge [sflag:s12], $0x80  }
0x20: {  	[sflag:s12] =	ssyncset.done $0x0  }
0x21: {  	s29 =	sadd.s32 s24, s9;
	[sflag:s12] =	ssyncadd.s32 $0xFFFFFF80  }
0x22: {  	[tilespmem:s14], [sflag:$0x3] =	stream.linear.gather [hbm4b:s29+s1], $0x80, $0x38;
	[tilespmem:$0xC280] =	vst v63  }
0x23: {  	_ =	swait.ge [sflag:s12], $0x80  }
0x24: {  	[sflag:s12] =	ssyncset.done $0x0  }
0x25: {  	s30 =	sadd.s32 s24, s8;
	[sflag:s12] =	ssyncadd.s32 $0xFFFFFF80  }
0x26: {  	[tilespmem:s15], [sflag:$0x3] =	stream.linear.gather [hbm4b:s30+s1], $0x80, $0x38;
	[tilespmem:$0xC280] =	vst v63  }
0x27: {  	_ =	swait.ge [sflag:s12], $0x80  }
0x28: {  	[sflag:s12] =	ssyncset.done $0x0  }
0x29: {  	[sflag:s12] =	ssyncadd.s32 $0xFFFFFF80  }
0x2a: {  	[tilespmem:s16], [sflag:$0x1] =	stream.indirect.gather [hbm4b:s3+s13], $0x80, s1, s13, $0xb8;
	[tilespmem:$0xC280] =	vst v63  }
0x2b: {  	_ = 	snop  }
0x2c: {  	[tilespmem:s17], [sflag:$0x2] =	stream.indirect.gather [hbm4b:s4+s13], $0x80, s14, s13, $0xb8;
	[tilespmem:$0xC280] =	vst v63  }
0x2d: {  	_ =	swait.ge [sflag:s18], $0x4000  }
0x2e: {  	[sflag:s18] =	ssyncset.done $0x0  }
0x2f: {  	[sflag:s18] =	ssyncadd.s32 $0xFFFFC000  }
0x30: {  	_ =	swait.ge [sflag:s19], $0x4000  }
0x31: {  	[sflag:s19] =	ssyncset.done $0x0  }
0x32: {  	[sflag:s19] =	ssyncadd.s32 $0xFFFFC000  }
0x33: {  	v1 =	vld [tilespmem:$0x80];
	_ =	sdelay $0x4  }
0x34: {  	v2 =	vadd.s32 v0, v1;
	_ =	sdelay $0x4  }
0x35: {  	v2 =	vld.idx.msk [tilespmem:v2+s16+$0x0], $0xffff  }
0x36: {  	v3 =	vadd.s32 v4, v1;
	_ =	sdelay $0x3  }
0x37: {  	[tilespmem:v0+s20+$0x0] =	vst.idx.msk $0xffff, v2  }
0x38: {  	v2 =	vld.idx.msk [tilespmem:v3+s16+$0x0], $0xffff  }
0x39: {  	v3 =	vadd.s32 v5, v1;
	_ =	sdelay $0x3  }
0x3a: {  	[tilespmem:v4+s20+$0x0] =	vst.idx.msk $0xffff, v2  }
0x3b: {  	v2 =	vld.idx.msk [tilespmem:v3+s16+$0x0], $0xffff  }
0x3c: {  	v3 =	vadd.s32 v6, v1;
	_ =	sdelay $0x3  }
0x3d: {  	[tilespmem:v5+s20+$0x0] =	vst.idx.msk $0xffff, v2  }
0x3e: {  	v2 =	vld.idx.msk [tilespmem:v3+s16+$0x0], $0xffff  }
0x3f: {  	v3 =	vadd.s32 v7, v1;
	_ =	sdelay $0x3  }
0x40: {  	[tilespmem:v6+s20+$0x0] =	vst.idx.msk $0xffff, v2  }
0x41: {  	v2 =	vld.idx.msk [tilespmem:v3+s16+$0x0], $0xffff  }
0x42: {  	v3 =	vadd.s32 v8, v1;
	_ =	sdelay $0x3  }
0x43: {  	[tilespmem:v7+s20+$0x0] =	vst.idx.msk $0xffff, v2  }
0x44: {  	v2 =	vld.idx.msk [tilespmem:v3+s16+$0x0], $0xffff  }
0x45: {  	v3 =	vadd.s32 v9, v1;
	_ =	sdelay $0x3  }
0x46: {  	[tilespmem:v8+s20+$0x0] =	vst.idx.msk $0xffff, v2  }
0x47: {  	v2 =	vld.idx.msk [tilespmem:v3+s16+$0x0], $0xffff  }
0x48: {  	v3 =	vadd.s32 v10, v1;
	_ =	sdelay $0x3  }
0x49: {  	[tilespmem:v9+s20+$0x0] =	vst.idx.msk $0xffff, v2  }
0x4a: {  	v2 =	vld.idx.msk [tilespmem:v3+s16+$0x0], $0xffff  }
0x4b: {  	v3 =	vadd.s32 v11, v1;
	_ =	sdelay $0x3  }
0x4c: {  	[tilespmem:v10+s20+$0x0] =	vst.idx.msk $0xffff, v2  }
0x4d: {  	v2 =	vld.idx.msk [tilespmem:v3+s16+$0x0], $0xffff  }
0x4e: {  	v3 =	vadd.s32 v12, v1;
	_ =	sdelay $0x3  }
0x4f: {  	[tilespmem:v11+s20+$0x0] =	vst.idx.msk $0xffff, v2  }
0x50: {  	v2 =	vld.idx.msk [tilespmem:v3+s16+$0x0], $0xffff  }
0x51: {  	v3 =	vadd.s32 v13, v1;
	_ =	sdelay $0x3  }
0x52: {  	[tilespmem:v12+s20+$0x0] =	vst.idx.msk $0xffff, v2  }
0x53: {  	v2 =	vld.idx.msk [tilespmem:v3+s16+$0x0], $0xffff  }
0x54: {  	v3 =	vadd.s32 v14, v1;
	_ =	sdelay $0x3  }
0x55: {  	[tilespmem:v13+s20+$0x0] =	vst.idx.msk $0xffff, v2  }
0x56: {  	v2 =	vld.idx.msk [tilespmem:v3+s16+$0x0], $0xffff  }
0x57: {  	v3 =	vadd.s32 v15, v1;
	_ =	sdelay $0x3  }
0x58: {  	[tilespmem:v14+s20+$0x0] =	vst.idx.msk $0xffff, v2  }
0x59: {  	v2 =	vld.idx.msk [tilespmem:v3+s16+$0x0], $0xffff  }
0x5a: {  	v3 =	vadd.s32 v17, v1;
	_ =	sdelay $0x3  }
0x5b: {  	[tilespmem:v15+s20+$0x0] =	vst.idx.msk $0xffff, v2  }
0x5c: {  	v2 =	vld.idx.msk [tilespmem:v3+s16+$0x0], $0xffff  }
0x5d: {  	v3 =	vadd.s32 v18, v1;
	_ =	sdelay $0x3  }
0x5e: {  	[tilespmem:v17+s20+$0x0] =	vst.idx.msk $0xffff, v2  }
0x5f: {  	v2 =	vld.idx.msk [tilespmem:v3+s16+$0x0], $0xffff  }
0x60: {  	v1 =	vadd.s32 v19, v1;
	_ =	sdelay $0x3  }
0x61: {  	[tilespmem:v18+s20+$0x0] =	vst.idx.msk $0xffff, v2  }
0x62: {  	v1 =	vld.idx.msk [tilespmem:v1+s16+$0x0], $0xffff;
	_ =	sdelay $0x4  }
0x63: {  	[tilespmem:v19+s20+$0x0] =	vst.idx.msk $0xffff, v1  }
0x64: {  	v1 =	vld [tilespmem:$0x180];
	_ =	sdelay $0x4  }
0x65: {  	v1 =	vadd.s32 v0, v1  }
0x66: {  	v2 =	vld [tilespmem:$0x90];
	_ =	sdelay $0x3  }
0x67: {  	v1 =	vld.idx.msk [tilespmem:v1+s17+$0x0], $0xffff  }
0x68: {  	v3 =	vadd.s32 v52, v2;
	_ =	sdelay $0x3  }
0x69: {  	[tilespmem:$0xC200] =	vst v1  }
0x6a: {  	v1 =	vld.idx.msk [tilespmem:v3+s16+$0x0], $0xffff  }
0x6b: {  	v3 =	vadd.s32 v20, v2;
	_ =	sdelay $0x3  }
0x6c: {  	[tilespmem:v52+s20+$0x0] =	vst.idx.msk $0xffff, v1  }
0x6d: {  	v1 =	vld.idx.msk [tilespmem:v3+s16+$0x0], $0xffff  }
0x6e: {  	v3 =	vadd.s32 v21, v2;
	_ =	sdelay $0x3  }
0x6f: {  	[tilespmem:v20+s20+$0x0] =	vst.idx.msk $0xffff, v1  }
0x70: {  	v1 =	vld.idx.msk [tilespmem:v3+s16+$0x0], $0xffff  }
0x71: {  	v3 =	vadd.s32 v22, v2;
	_ =	sdelay $0x3  }
0x72: {  	[tilespmem:v21+s20+$0x0] =	vst.idx.msk $0xffff, v1  }
0x73: {  	v1 =	vld.idx.msk [tilespmem:v3+s16+$0x0], $0xffff  }
0x74: {  	v3 =	vadd.s32 v23, v2;
	_ =	sdelay $0x3  }
0x75: {  	[tilespmem:v22+s20+$0x0] =	vst.idx.msk $0xffff, v1  }
0x76: {  	v1 =	vld.idx.msk [tilespmem:v3+s16+$0x0], $0xffff  }
0x77: {  	v3 =	vadd.s32 v24, v2;
	_ =	sdelay $0x3  }
0x78: {  	[tilespmem:v23+s20+$0x0] =	vst.idx.msk $0xffff, v1  }
0x79: {  	v1 =	vld.idx.msk [tilespmem:v3+s16+$0x0], $0xffff  }
0x7a: {  	v3 =	vadd.s32 v25, v2;
	_ =	sdelay $0x3  }
0x7b: {  	[tilespmem:v24+s20+$0x0] =	vst.idx.msk $0xffff, v1  }
0x7c: {  	v1 =	vld.idx.msk [tilespmem:v3+s16+$0x0], $0xffff  }
0x7d: {  	v3 =	vadd.s32 v26, v2;
	_ =	sdelay $0x3  }
0x7e: {  	[tilespmem:v25+s20+$0x0] =	vst.idx.msk $0xffff, v1  }
0x7f: {  	v1 =	vld.idx.msk [tilespmem:v3+s16+$0x0], $0xffff  }
0x80: {  	v3 =	vadd.s32 v27, v2;
	_ =	sdelay $0x3  }
0x81: {  	[tilespmem:v26+s20+$0x0] =	vst.idx.msk $0xffff, v1  }
0x82: {  	v1 =	vld.idx.msk [tilespmem:v3+s16+$0x0], $0xffff  }
0x83: {  	v3 =	vadd.s32 v28, v2;
	_ =	sdelay $0x3  }
0x84: {  	[tilespmem:v27+s20+$0x0] =	vst.idx.msk $0xffff, v1  }
0x85: {  	v1 =	vld.idx.msk [tilespmem:v3+s16+$0x0], $0xffff  }
0x86: {  	v3 =	vadd.s32 v29, v2;
	_ =	sdelay $0x3  }
0x87: {  	[tilespmem:v28+s20+$0x0] =	vst.idx.msk $0xffff, v1  }
0x88: {  	v1 =	vld.idx.msk [tilespmem:v3+s16+$0x0], $0xffff  }
0x89: {  	v3 =	vadd.s32 v30, v2;
	_ =	sdelay $0x3  }
0x8a: {  	[tilespmem:v29+s20+$0x0] =	vst.idx.msk $0xffff, v1  }
0x8b: {  	v1 =	vld.idx.msk [tilespmem:v3+s16+$0x0], $0xffff  }
0x8c: {  	v3 =	vadd.s32 v31, v2;
	_ =	sdelay $0x3  }
0x8d: {  	[tilespmem:v30+s20+$0x0] =	vst.idx.msk $0xffff, v1  }
0x8e: {  	v1 =	vld.idx.msk [tilespmem:v3+s16+$0x0], $0xffff  }
0x8f: {  	v3 =	vadd.s32 v33, v2;
	_ =	sdelay $0x3  }
0x90: {  	[tilespmem:v31+s20+$0x0] =	vst.idx.msk $0xffff, v1  }
0x91: {  	v1 =	vld.idx.msk [tilespmem:v3+s16+$0x0], $0xffff  }
0x92: {  	v3 =	vadd.s32 v34, v2;
	_ =	sdelay $0x3  }
0x93: {  	[tilespmem:v33+s20+$0x0] =	vst.idx.msk $0xffff, v1  }
0x94: {  	v1 =	vld.idx.msk [tilespmem:v3+s16+$0x0], $0xffff  }
0x95: {  	v2 =	vadd.s32 v35, v2;
	_ =	sdelay $0x3  }
0x96: {  	[tilespmem:v34+s20+$0x0] =	vst.idx.msk $0xffff, v1  }
0x97: {  	v1 =	vld.idx.msk [tilespmem:v2+s16+$0x0], $0xffff;
	_ =	sdelay $0x4  }
0x98: {  	[tilespmem:v35+s20+$0x0] =	vst.idx.msk $0xffff, v1  }
0x99: {  	v1 =	vld [tilespmem:$0x190];
	_ =	sdelay $0x4  }
0x9a: {  	v1 =	vadd.s32 v52, v1  }
0x9b: {  	v2 =	vld [tilespmem:$0xA0];
	_ =	sdelay $0x3  }
0x9c: {  	v1 =	vld.idx.msk [tilespmem:v1+s17+$0x0], $0xffff  }
0x9d: {  	v3 =	vadd.s32 v32, v2;
	_ =	sdelay $0x3  }
0x9e: {  	[tilespmem:$0xC210] =	vst v1  }
0x9f: {  	v1 =	vld.idx.msk [tilespmem:v3+s16+$0x0], $0xffff  }
0xa0: {  	v3 =	vadd.s32 v36, v2;
	_ =	sdelay $0x3  }
0xa1: {  	[tilespmem:v32+s20+$0x0] =	vst.idx.msk $0xffff, v1  }
0xa2: {  	v1 =	vld.idx.msk [tilespmem:v3+s16+$0x0], $0xffff  }
0xa3: {  	v3 =	vadd.s32 v37, v2;
	_ =	sdelay $0x3  }
0xa4: {  	[tilespmem:v36+s20+$0x0] =	vst.idx.msk $0xffff, v1  }
0xa5: {  	v1 =	vld.idx.msk [tilespmem:v3+s16+$0x0], $0xffff  }
0xa6: {  	v3 =	vadd.s32 v38, v2;
	_ =	sdelay $0x3  }
0xa7: {  	[tilespmem:v37+s20+$0x0] =	vst.idx.msk $0xffff, v1  }
0xa8: {  	v1 =	vld.idx.msk [tilespmem:v3+s16+$0x0], $0xffff  }
0xa9: {  	v3 =	vadd.s32 v39, v2;
	_ =	sdelay $0x3  }
0xaa: {  	[tilespmem:v38+s20+$0x0] =	vst.idx.msk $0xffff, v1  }
0xab: {  	v1 =	vld.idx.msk [tilespmem:v3+s16+$0x0], $0xffff  }
0xac: {  	v3 =	vadd.s32 v40, v2;
	_ =	sdelay $0x3  }
0xad: {  	[tilespmem:v39+s20+$0x0] =	vst.idx.msk $0xffff, v1  }
0xae: {  	v1 =	vld.idx.msk [tilespmem:v3+s16+$0x0], $0xffff  }
0xaf: {  	v3 =	vadd.s32 v41, v2;
	_ =	sdelay $0x3  }
0xb0: {  	[tilespmem:v40+s20+$0x0] =	vst.idx.msk $0xffff, v1  }
0xb1: {  	v1 =	vld.idx.msk [tilespmem:v3+s16+$0x0], $0xffff  }
0xb2: {  	v3 =	vadd.s32 v42, v2;
	_ =	sdelay $0x3  }
0xb3: {  	[tilespmem:v41+s20+$0x0] =	vst.idx.msk $0xffff, v1  }
0xb4: {  	v1 =	vld.idx.msk [tilespmem:v3+s16+$0x0], $0xffff  }
0xb5: {  	v3 =	vadd.s32 v44, v2;
	_ =	sdelay $0x3  }
0xb6: {  	[tilespmem:v42+s20+$0x0] =	vst.idx.msk $0xffff, v1  }
0xb7: {  	v1 =	vld.idx.msk [tilespmem:v3+s16+$0x0], $0xffff  }
0xb8: {  	v3 =	vadd.s32 v43, v2;
	_ =	sdelay $0x3  }
0xb9: {  	[tilespmem:v44+s20+$0x0] =	vst.idx.msk $0xffff, v1  }
0xba: {  	v1 =	vld.idx.msk [tilespmem:v3+s16+$0x0], $0xffff  }
0xbb: {  	v3 =	vadd.s32 v45, v2;
	_ =	sdelay $0x3  }
0xbc: {  	[tilespmem:v43+s20+$0x0] =	vst.idx.msk $0xffff, v1  }
0xbd: {  	v1 =	vld.idx.msk [tilespmem:v3+s16+$0x0], $0xffff  }
0xbe: {  	v3 =	vadd.s32 v46, v2;
	_ =	sdelay $0x3  }
0xbf: {  	[tilespmem:v45+s20+$0x0] =	vst.idx.msk $0xffff, v1  }
0xc0: {  	v1 =	vld.idx.msk [tilespmem:v3+s16+$0x0], $0xffff  }
0xc1: {  	v3 =	vadd.s32 v47, v2;
	_ =	sdelay $0x3  }
0xc2: {  	[tilespmem:v46+s20+$0x0] =	vst.idx.msk $0xffff, v1  }
0xc3: {  	v1 =	vld.idx.msk [tilespmem:v3+s16+$0x0], $0xffff  }
0xc4: {  	v3 =	vadd.s32 v49, v2;
	_ =	sdelay $0x3  }
0xc5: {  	[tilespmem:v47+s20+$0x0] =	vst.idx.msk $0xffff, v1  }
0xc6: {  	v1 =	vld.idx.msk [tilespmem:v3+s16+$0x0], $0xffff  }
0xc7: {  	v3 =	vadd.s32 v51, v2;
	_ =	sdelay $0x3  }
0xc8: {  	[tilespmem:v49+s20+$0x0] =	vst.idx.msk $0xffff, v1  }
0xc9: {  	v1 =	vld.idx.msk [tilespmem:v3+s16+$0x0], $0xffff  }
0xca: {  	v2 =	vadd.s32 v50, v2;
	_ =	sdelay $0x3  }
0xcb: {  	[tilespmem:v51+s20+$0x0] =	vst.idx.msk $0xffff, v1  }
0xcc: {  	v1 =	vld.idx.msk [tilespmem:v2+s16+$0x0], $0xffff;
	_ =	sdelay $0x4  }
0xcd: {  	[tilespmem:v50+s20+$0x0] =	vst.idx.msk $0xffff, v1  }
0xce: {  	v1 =	vld [tilespmem:$0x1A0];
	_ =	sdelay $0x4  }
0xcf: {  	v1 =	vadd.s32 v32, v1  }
0xd0: {  	v2 =	vld [tilespmem:$0xB0];
	_ =	sdelay $0x3  }
0xd1: {  	v1 =	vld.idx.msk [tilespmem:v1+s17+$0x0], $0xffff  }
0xd2: {  	v3 =	vadd.s32 v48, v2;
	_ =	sdelay $0x3  }
0xd3: {  	[tilespmem:$0xC220] =	vst v1  }
0xd4: {  	v1 =	vld.idx.msk [tilespmem:v3+s16+$0x0], $0xffff  }
0xd5: {  	v3 =	vadd.s32 v53, v2;
	_ =	sdelay $0x3  }
0xd6: {  	[tilespmem:v48+s20+$0x0] =	vst.idx.msk $0xffff, v1  }
0xd7: {  	v1 =	vld.idx.msk [tilespmem:v3+s16+$0x0], $0xffff  }
0xd8: {  	v3 =	vadd.s32 v55, v2;
	_ =	sdelay $0x3  }
0xd9: {  	[tilespmem:v53+s20+$0x0] =	vst.idx.msk $0xffff, v1  }
0xda: {  	v1 =	vld.idx.msk [tilespmem:v3+s16+$0x0], $0xffff  }
0xdb: {  	v3 =	vadd.s32 v56, v2;
	_ =	sdelay $0x3  }
0xdc: {  	[tilespmem:v55+s20+$0x0] =	vst.idx.msk $0xffff, v1  }
0xdd: {  	v1 =	vld.idx.msk [tilespmem:v3+s16+$0x0], $0xffff  }
0xde: {  	v3 =	vadd.s32 v59, v2;
	_ =	sdelay $0x3  }
0xdf: {  	[tilespmem:v56+s20+$0x0] =	vst.idx.msk $0xffff, v1  }
0xe0: {  	v1 =	vld.idx.msk [tilespmem:v3+s16+$0x0], $0xffff  }
0xe1: {  	v3 =	vadd.s32 v60, v2;
	_ =	sdelay $0x3  }
0xe2: {  	[tilespmem:v59+s20+$0x0] =	vst.idx.msk $0xffff, v1  }
0xe3: {  	v1 =	vld.idx.msk [tilespmem:v3+s16+$0x0], $0xffff  }
0xe4: {  	v3 =	vadd.s32 v58, v2;
	_ =	sdelay $0x3  }
0xe5: {  	[tilespmem:v60+s20+$0x0] =	vst.idx.msk $0xffff, v1  }
0xe6: {  	v1 =	vld.idx.msk [tilespmem:v3+s16+$0x0], $0xffff  }
0xe7: {  	v3 =	vadd.s32 v61, v2;
	_ =	sdelay $0x3  }
0xe8: {  	[tilespmem:v58+s20+$0x0] =	vst.idx.msk $0xffff, v1  }
0xe9: {  	v1 =	vld.idx.msk [tilespmem:v3+s16+$0x0], $0xffff  }
0xea: {  	v3 =	vadd.s32 v62, v2;
	_ =	sdelay $0x3  }
0xeb: {  	[tilespmem:v61+s20+$0x0] =	vst.idx.msk $0xffff, v1  }
0xec: {  	v1 =	vld.idx.msk [tilespmem:v3+s16+$0x0], $0xffff  }
0xed: {  	v3 =	vadd.s32 v63, v2;
	_ =	sdelay $0x3  }
0xee: {  	[tilespmem:v62+s20+$0x0] =	vst.idx.msk $0xffff, v1  }
0xef: {  	v1 =	vld.idx.msk [tilespmem:v3+s16+$0x0], $0xffff  }
0xf0: {  	v3 =	vadd.s32 v16, v2;
	_ =	sdelay $0x3  }
0xf1: {  	[tilespmem:v63+s20+$0x0] =	vst.idx.msk $0xffff, v1  }
0xf2: {  	v1 =	vld.idx.msk [tilespmem:v3+s16+$0x0], $0xffff  }
0xf3: {  	v3 =	vadd.s32 v54, v2;
	_ =	sdelay $0x3  }
0xf4: {  	[tilespmem:v16+s20+$0x0] =	vst.idx.msk $0xffff, v1  }
0xf5: {  	v1 =	vld.idx.msk [tilespmem:v3+s16+$0x0], $0xffff  }
0xf6: {  	v3 =	vadd.s32 v57, v2  }
0xf7: {  	v53 =	vld [tilespmem:$0x1FFA0];
	_ =	sdelay $0x2  }
0xf8: {  	[tilespmem:v54+s20+$0x0] =	vst.idx.msk $0xffff, v1  }
0xf9: {  	v1 =	vld.idx.msk [tilespmem:v3+s16+$0x0], $0xffff  }
0xfa: {  	v3 =	vadd.s32 v53, v2  }
0xfb: {  	v55 =	vld [tilespmem:$0x1FFB0];
	_ =	sdelay $0x2  }
0xfc: {  	[tilespmem:v57+s20+$0x0] =	vst.idx.msk $0xffff, v1  }
0xfd: {  	v1 =	vld.idx.msk [tilespmem:v3+s16+$0x0], $0xffff  }
0xfe: {  	v3 =	vadd.s32 v55, v2;
	_ =	sdelay $0x3  }
0xff: {  	[tilespmem:v53+s20+$0x0] =	vst.idx.msk $0xffff, v1  }
0x100: {  	v1 =	vld.idx.msk [tilespmem:v3+s16+$0x0], $0xffff  }
0x101: {  	v3 =	vld [tilespmem:$0x1FFC0];
	_ =	sdelay $0x4  }
0x102: {  	v2 =	vadd.s32 v3, v2;
	_ =	sdelay $0x3  }
0x103: {  	[tilespmem:v55+s20+$0x0] =	vst.idx.msk $0xffff, v1  }
0x104: {  	v1 =	vld.idx.msk [tilespmem:v2+s16+$0x0], $0xffff;
	_ =	sdelay $0x4  }
0x105: {  	[tilespmem:v3+s20+$0x0] =	vst.idx.msk $0xffff, v1  }
0x106: {  	v1 =	vld [tilespmem:$0x1B0];
	_ =	sdelay $0x4  }
0x107: {  	v1 =	vadd.s32 v48, v1  }
0x108: {  	v2 =	vld [tilespmem:$0xC0];
	_ =	sdelay $0x3  }
0x109: {  	v3 =	vor.u32 $0x2000, v0;
	v1 =	vld.idx.msk [tilespmem:v1+s17+$0x0], $0xffff  }
0x10a: {  	v56 =	vmovc v16;
	v16 =	vmov v10;
	v10 =	vmov v4;
	v4 =	vadd.s32 v3, v2;
	_ =	sdelay $0x3  }
0x10b: {  	v53 =	vmov v46;
	v46 =	vmov v40;
	[tilespmem:$0xC230] =	vst v1  }
0x10c: {  	v40 =	vmovc v34;
	v34 =	vmovc v27;
	v27 =	vmov v21;
	v21 =	vmov v18;
	v1 =	vld.idx.msk [tilespmem:v4+s16+$0x0], $0xffff;
	v4 =	vor.u32 $0x2001, v0  }
0x10d: {  	v18 =	vmovc v14;
	v14 =	vmovc v11;
	v11 =	vmov v8;
	v8 =	vmov v5;
	v5 =	vadd.s32 v4, v2;
	_ =	sdelay $0x1  }
0x10e: {  	v55 =	vmov v52;
	v52 =	vmov v32;
	v32 =	vmov v57  }
0x10f: {  	v57 =	vmovc v49;
	v49 =	vmovc v45;
	v45 =	vmov v42;
	v42 =	vmov v39;
	v39 =	vmov v36  }
0x110: {  	v36 =	vmovc v33;
	v33 =	vmovc v29;
	v29 =	vmov v26;
	v26 =	vmov v23;
	v23 =	vmov v20;
	[tilespmem:v3+s20+$0x0] =	vst.idx.msk $0xffff, v1  }
0x111: {  	v20 =	vmovc v17;
	v17 =	vmovc v13;
	v13 =	vmov v7;
	v7 =	vmov v19;
	v1 =	vld.idx.msk [tilespmem:v5+s16+$0x0], $0xffff;
	v5 =	vor.u32 $0x2002, v0  }
0x112: {  	v19 =	vmovc v15;
	v15 =	vmovc v12;
	v12 =	vmov v9;
	v9 =	vmov v6;
	v6 =	vadd.s32 v5, v2;
	_ =	sdelay $0x3  }
0x113: {  	[tilespmem:v4+s20+$0x0] =	vst.idx.msk $0xffff, v1  }
0x114: {  	v4 =	vor.u32 $0x2003, v0;
	v1 =	vld.idx.msk [tilespmem:v6+s16+$0x0], $0xffff  }
0x115: {  	v6 =	vadd.s32 v4, v2;
	_ =	sdelay $0x3  }
0x116: {  	[tilespmem:v5+s20+$0x0] =	vst.idx.msk $0xffff, v1  }
0x117: {  	v5 =	vor.u32 $0x2004, v0;
	v1 =	vld.idx.msk [tilespmem:v6+s16+$0x0], $0xffff  }
0x118: {  	v6 =	vadd.s32 v5, v2;
	_ =	sdelay $0x3  }
0x119: {  	[tilespmem:v4+s20+$0x0] =	vst.idx.msk $0xffff, v1  }
0x11a: {  	v4 =	vor.u32 $0x2005, v0;
	v1 =	vld.idx.msk [tilespmem:v6+s16+$0x0], $0xffff  }
0x11b: {  	v6 =	vadd.s32 v4, v2;
	_ =	sdelay $0x3  }
0x11c: {  	[tilespmem:v5+s20+$0x0] =	vst.idx.msk $0xffff, v1  }
0x11d: {  	v5 =	vor.u32 $0x2006, v0;
	v1 =	vld.idx.msk [tilespmem:v6+s16+$0x0], $0xffff  }
0x11e: {  	v6 =	vadd.s32 v5, v2;
	_ =	sdelay $0x3  }
0x11f: {  	[tilespmem:v4+s20+$0x0] =	vst.idx.msk $0xffff, v1  }
0x120: {  	v4 =	vor.u32 $0x2007, v0;
	v1 =	vld.idx.msk [tilespmem:v6+s16+$0x0], $0xffff  }
0x121: {  	v6 =	vadd.s32 v4, v2;
	_ =	sdelay $0x3  }
0x122: {  	[tilespmem:v5+s20+$0x0] =	vst.idx.msk $0xffff, v1  }
0x123: {  	v5 =	vor.u32 $0x2008, v0;
	v1 =	vld.idx.msk [tilespmem:v6+s16+$0x0], $0xffff  }
0x124: {  	v6 =	vadd.s32 v5, v2;
	_ =	sdelay $0x3  }
0x125: {  	[tilespmem:v4+s20+$0x0] =	vst.idx.msk $0xffff, v1  }
0x126: {  	v4 =	vor.u32 $0x2009, v0;
	v1 =	vld.idx.msk [tilespmem:v6+s16+$0x0], $0xffff  }
0x127: {  	v6 =	vadd.s32 v4, v2;
	_ =	sdelay $0x3  }
0x128: {  	[tilespmem:v5+s20+$0x0] =	vst.idx.msk $0xffff, v1  }
0x129: {  	v5 =	vor.u32 $0x200A, v0;
	v1 =	vld.idx.msk [tilespmem:v6+s16+$0x0], $0xffff  }
0x12a: {  	v6 =	vadd.s32 v5, v2;
	_ =	sdelay $0x3  }
0x12b: {  	[tilespmem:v4+s20+$0x0] =	vst.idx.msk $0xffff, v1  }
0x12c: {  	v4 =	vor.u32 $0x200B, v0;
	v1 =	vld.idx.msk [tilespmem:v6+s16+$0x0], $0xffff  }
0x12d: {  	v6 =	vadd.s32 v4, v2;
	_ =	sdelay $0x3  }
0x12e: {  	[tilespmem:v5+s20+$0x0] =	vst.idx.msk $0xffff, v1  }
0x12f: {  	v5 =	vor.u32 $0x200C, v0;
	v1 =	vld.idx.msk [tilespmem:v6+s16+$0x0], $0xffff  }
0x130: {  	v6 =	vadd.s32 v5, v2;
	_ =	sdelay $0x3  }
0x131: {  	[tilespmem:v4+s20+$0x0] =	vst.idx.msk $0xffff, v1  }
0x132: {  	v4 =	vor.u32 $0x200D, v0;
	v1 =	vld.idx.msk [tilespmem:v6+s16+$0x0], $0xffff  }
0x133: {  	v6 =	vadd.s32 v4, v2;
	_ =	sdelay $0x3  }
0x134: {  	[tilespmem:v5+s20+$0x0] =	vst.idx.msk $0xffff, v1  }
0x135: {  	v5 =	vor.u32 $0x200E, v0;
	v1 =	vld.idx.msk [tilespmem:v6+s16+$0x0], $0xffff  }
0x136: {  	v6 =	vadd.s32 v5, v2;
	_ =	sdelay $0x3  }
0x137: {  	[tilespmem:v4+s20+$0x0] =	vst.idx.msk $0xffff, v1  }
0x138: {  	v4 =	vor.u32 $0x200F, v0;
	v1 =	vld.idx.msk [tilespmem:v6+s16+$0x0], $0xffff  }
0x139: {  	v2 =	vadd.s32 v4, v2;
	_ =	sdelay $0x3  }
0x13a: {  	[tilespmem:v5+s20+$0x0] =	vst.idx.msk $0xffff, v1  }
0x13b: {  	v1 =	vld.idx.msk [tilespmem:v2+s16+$0x0], $0xffff;
	_ =	sdelay $0x4  }
0x13c: {  	[tilespmem:v4+s20+$0x0] =	vst.idx.msk $0xffff, v1  }
0x13d: {  	v1 =	vld [tilespmem:$0x1C0];
	_ =	sdelay $0x4  }
0x13e: {  	v1 =	vadd.s32 v3, v1  }
0x13f: {  	v2 =	vld [tilespmem:$0xD0];
	_ =	sdelay $0x3  }
0x140: {  	v3 =	vor.u32 $0x2800, v0;
	v1 =	vld.idx.msk [tilespmem:v1+s17+$0x0], $0xffff  }
0x141: {  	v4 =	vadd.s32 v3, v2;
	_ =	sdelay $0x3  }
0x142: {  	[tilespmem:$0xC240] =	vst v1  }
0x143: {  	v1 =	vld.idx.msk [tilespmem:v4+s16+$0x0], $0xffff;
	v4 =	vor.u32 $0x2801, v0  }
0x144: {  	v5 =	vadd.s32 v4, v2;
	_ =	sdelay $0x3  }
0x145: {  	[tilespmem:v3+s20+$0x0] =	vst.idx.msk $0xffff, v1  }
0x146: {  	v1 =	vld.idx.msk [tilespmem:v5+s16+$0x0], $0xffff;
	v5 =	vor.u32 $0x2802, v0  }
0x147: {  	v6 =	vadd.s32 v5, v2;
	_ =	sdelay $0x3  }
0x148: {  	[tilespmem:v4+s20+$0x0] =	vst.idx.msk $0xffff, v1  }
0x149: {  	v4 =	vor.u32 $0x2803, v0;
	v1 =	vld.idx.msk [tilespmem:v6+s16+$0x0], $0xffff  }
0x14a: {  	v6 =	vadd.s32 v4, v2;
	_ =	sdelay $0x3  }
0x14b: {  	[tilespmem:v5+s20+$0x0] =	vst.idx.msk $0xffff, v1  }
0x14c: {  	v5 =	vor.u32 $0x2804, v0;
	v1 =	vld.idx.msk [tilespmem:v6+s16+$0x0], $0xffff  }
0x14d: {  	v6 =	vadd.s32 v5, v2;
	_ =	sdelay $0x3  }
0x14e: {  	[tilespmem:v4+s20+$0x0] =	vst.idx.msk $0xffff, v1  }
0x14f: {  	v4 =	vor.u32 $0x2805, v0;
	v1 =	vld.idx.msk [tilespmem:v6+s16+$0x0], $0xffff  }
0x150: {  	v6 =	vadd.s32 v4, v2;
	_ =	sdelay $0x3  }
0x151: {  	[tilespmem:v5+s20+$0x0] =	vst.idx.msk $0xffff, v1  }
0x152: {  	v5 =	vor.u32 $0x2806, v0;
	v1 =	vld.idx.msk [tilespmem:v6+s16+$0x0], $0xffff  }
0x153: {  	v6 =	vadd.s32 v5, v2;
	_ =	sdelay $0x3  }
0x154: {  	[tilespmem:v4+s20+$0x0] =	vst.idx.msk $0xffff, v1  }
0x155: {  	v4 =	vor.u32 $0x2807, v0;
	v1 =	vld.idx.msk [tilespmem:v6+s16+$0x0], $0xffff  }
0x156: {  	v6 =	vadd.s32 v4, v2;
	_ =	sdelay $0x3  }
0x157: {  	[tilespmem:v5+s20+$0x0] =	vst.idx.msk $0xffff, v1  }
0x158: {  	v5 =	vor.u32 $0x2808, v0;
	v1 =	vld.idx.msk [tilespmem:v6+s16+$0x0], $0xffff  }
0x159: {  	v6 =	vadd.s32 v5, v2;
	_ =	sdelay $0x3  }
0x15a: {  	[tilespmem:v4+s20+$0x0] =	vst.idx.msk $0xffff, v1  }
0x15b: {  	v4 =	vor.u32 $0x2809, v0;
	v1 =	vld.idx.msk [tilespmem:v6+s16+$0x0], $0xffff  }
0x15c: {  	v6 =	vadd.s32 v4, v2;
	_ =	sdelay $0x3  }
0x15d: {  	[tilespmem:v5+s20+$0x0] =	vst.idx.msk $0xffff, v1  }
0x15e: {  	v5 =	vor.u32 $0x280A, v0;
	v1 =	vld.idx.msk [tilespmem:v6+s16+$0x0], $0xffff  }
0x15f: {  	v6 =	vadd.s32 v5, v2;
	_ =	sdelay $0x3  }
0x160: {  	[tilespmem:v4+s20+$0x0] =	vst.idx.msk $0xffff, v1  }
0x161: {  	v4 =	vor.u32 $0x280B, v0;
	v1 =	vld.idx.msk [tilespmem:v6+s16+$0x0], $0xffff  }
0x162: {  	v6 =	vadd.s32 v4, v2;
	_ =	sdelay $0x3  }
0x163: {  	[tilespmem:v5+s20+$0x0] =	vst.idx.msk $0xffff, v1  }
0x164: {  	v5 =	vor.u32 $0x280C, v0;
	v1 =	vld.idx.msk [tilespmem:v6+s16+$0x0], $0xffff  }
0x165: {  	v6 =	vadd.s32 v5, v2;
	_ =	sdelay $0x3  }
0x166: {  	[tilespmem:v4+s20+$0x0] =	vst.idx.msk $0xffff, v1  }
0x167: {  	v4 =	vor.u32 $0x280D, v0;
	v1 =	vld.idx.msk [tilespmem:v6+s16+$0x0], $0xffff  }
0x168: {  	v6 =	vadd.s32 v4, v2;
	_ =	sdelay $0x3  }
0x169: {  	[tilespmem:v5+s20+$0x0] =	vst.idx.msk $0xffff, v1  }
0x16a: {  	v5 =	vor.u32 $0x280E, v0;
	v1 =	vld.idx.msk [tilespmem:v6+s16+$0x0], $0xffff  }
0x16b: {  	v6 =	vadd.s32 v5, v2;
	_ =	sdelay $0x3  }
0x16c: {  	[tilespmem:v4+s20+$0x0] =	vst.idx.msk $0xffff, v1  }
0x16d: {  	v4 =	vor.u32 $0x280F, v0;
	v1 =	vld.idx.msk [tilespmem:v6+s16+$0x0], $0xffff  }
0x16e: {  	v2 =	vadd.s32 v4, v2;
	_ =	sdelay $0x3  }
0x16f: {  	[tilespmem:v5+s20+$0x0] =	vst.idx.msk $0xffff, v1  }
0x170: {  	v1 =	vld.idx.msk [tilespmem:v2+s16+$0x0], $0xffff;
	_ =	sdelay $0x4  }
0x171: {  	[tilespmem:v4+s20+$0x0] =	vst.idx.msk $0xffff, v1  }
0x172: {  	v1 =	vld [tilespmem:$0x1D0];
	_ =	sdelay $0x4  }
0x173: {  	v1 =	vadd.s32 v3, v1  }
0x174: {  	v2 =	vld [tilespmem:$0xE0];
	_ =	sdelay $0x3  }
0x175: {  	v3 =	vor.u32 $0x3000, v0;
	v1 =	vld.idx.msk [tilespmem:v1+s17+$0x0], $0xffff  }
0x176: {  	v4 =	vadd.s32 v3, v2;
	_ =	sdelay $0x3  }
0x177: {  	[tilespmem:$0xC250] =	vst v1  }
0x178: {  	v1 =	vld.idx.msk [tilespmem:v4+s16+$0x0], $0xffff;
	v4 =	vor.u32 $0x3001, v0  }
0x179: {  	v5 =	vadd.s32 v4, v2;
	_ =	sdelay $0x3  }
0x17a: {  	[tilespmem:v3+s20+$0x0] =	vst.idx.msk $0xffff, v1  }
0x17b: {  	v1 =	vld.idx.msk [tilespmem:v5+s16+$0x0], $0xffff;
	v5 =	vor.u32 $0x3002, v0  }
0x17c: {  	v6 =	vadd.s32 v5, v2;
	_ =	sdelay $0x3  }
0x17d: {  	[tilespmem:v4+s20+$0x0] =	vst.idx.msk $0xffff, v1  }
0x17e: {  	v4 =	vor.u32 $0x3003, v0;
	v1 =	vld.idx.msk [tilespmem:v6+s16+$0x0], $0xffff  }
0x17f: {  	v6 =	vadd.s32 v4, v2;
	_ =	sdelay $0x3  }
0x180: {  	[tilespmem:v5+s20+$0x0] =	vst.idx.msk $0xffff, v1  }
0x181: {  	v5 =	vor.u32 $0x3004, v0;
	v1 =	vld.idx.msk [tilespmem:v6+s16+$0x0], $0xffff  }
0x182: {  	v6 =	vadd.s32 v5, v2;
	_ =	sdelay $0x3  }
0x183: {  	[tilespmem:v4+s20+$0x0] =	vst.idx.msk $0xffff, v1  }
0x184: {  	v4 =	vor.u32 $0x3005, v0;
	v1 =	vld.idx.msk [tilespmem:v6+s16+$0x0], $0xffff  }
0x185: {  	v6 =	vadd.s32 v4, v2;
	_ =	sdelay $0x3  }
0x186: {  	[tilespmem:v5+s20+$0x0] =	vst.idx.msk $0xffff, v1  }
0x187: {  	v5 =	vor.u32 $0x3006, v0;
	v1 =	vld.idx.msk [tilespmem:v6+s16+$0x0], $0xffff  }
0x188: {  	v6 =	vadd.s32 v5, v2;
	_ =	sdelay $0x3  }
0x189: {  	[tilespmem:v4+s20+$0x0] =	vst.idx.msk $0xffff, v1  }
0x18a: {  	v4 =	vor.u32 $0x3007, v0;
	v1 =	vld.idx.msk [tilespmem:v6+s16+$0x0], $0xffff  }
0x18b: {  	v6 =	vadd.s32 v4, v2;
	_ =	sdelay $0x3  }
0x18c: {  	[tilespmem:v5+s20+$0x0] =	vst.idx.msk $0xffff, v1  }
0x18d: {  	v5 =	vor.u32 $0x3008, v0;
	v1 =	vld.idx.msk [tilespmem:v6+s16+$0x0], $0xffff  }
0x18e: {  	v6 =	vadd.s32 v5, v2;
	_ =	sdelay $0x3  }
0x18f: {  	[tilespmem:v4+s20+$0x0] =	vst.idx.msk $0xffff, v1  }
0x190: {  	v4 =	vor.u32 $0x3009, v0;
	v1 =	vld.idx.msk [tilespmem:v6+s16+$0x0], $0xffff  }
0x191: {  	v6 =	vadd.s32 v4, v2;
	_ =	sdelay $0x3  }
0x192: {  	[tilespmem:v5+s20+$0x0] =	vst.idx.msk $0xffff, v1  }
0x193: {  	v5 =	vor.u32 $0x300A, v0;
	v1 =	vld.idx.msk [tilespmem:v6+s16+$0x0], $0xffff  }
0x194: {  	v6 =	vadd.s32 v5, v2;
	_ =	sdelay $0x3  }
0x195: {  	[tilespmem:v4+s20+$0x0] =	vst.idx.msk $0xffff, v1  }
0x196: {  	v4 =	vor.u32 $0x300B, v0;
	v1 =	vld.idx.msk [tilespmem:v6+s16+$0x0], $0xffff  }
0x197: {  	v6 =	vadd.s32 v4, v2;
	_ =	sdelay $0x3  }
0x198: {  	[tilespmem:v5+s20+$0x0] =	vst.idx.msk $0xffff, v1  }
0x199: {  	v5 =	vor.u32 $0x300C, v0;
	v1 =	vld.idx.msk [tilespmem:v6+s16+$0x0], $0xffff  }
0x19a: {  	v6 =	vadd.s32 v5, v2;
	_ =	sdelay $0x3  }
0x19b: {  	[tilespmem:v4+s20+$0x0] =	vst.idx.msk $0xffff, v1  }
0x19c: {  	v4 =	vor.u32 $0x300D, v0;
	v1 =	vld.idx.msk [tilespmem:v6+s16+$0x0], $0xffff  }
0x19d: {  	v6 =	vadd.s32 v4, v2;
	_ =	sdelay $0x3  }
0x19e: {  	[tilespmem:v5+s20+$0x0] =	vst.idx.msk $0xffff, v1  }
0x19f: {  	v5 =	vor.u32 $0x300E, v0;
	v1 =	vld.idx.msk [tilespmem:v6+s16+$0x0], $0xffff  }
0x1a0: {  	v6 =	vadd.s32 v5, v2;
	_ =	sdelay $0x3  }
0x1a1: {  	[tilespmem:v4+s20+$0x0] =	vst.idx.msk $0xffff, v1  }
0x1a2: {  	v4 =	vor.u32 $0x300F, v0;
	v1 =	vld.idx.msk [tilespmem:v6+s16+$0x0], $0xffff  }
0x1a3: {  	v2 =	vadd.s32 v4, v2;
	_ =	sdelay $0x3  }
0x1a4: {  	[tilespmem:v5+s20+$0x0] =	vst.idx.msk $0xffff, v1  }
0x1a5: {  	v1 =	vld.idx.msk [tilespmem:v2+s16+$0x0], $0xffff;
	_ =	sdelay $0x4  }
0x1a6: {  	[tilespmem:v4+s20+$0x0] =	vst.idx.msk $0xffff, v1  }
0x1a7: {  	v1 =	vld [tilespmem:$0x1E0];
	_ =	sdelay $0x4  }
0x1a8: {  	v1 =	vadd.s32 v3, v1  }
0x1a9: {  	v2 =	vld [tilespmem:$0xF0];
	_ =	sdelay $0x3  }
0x1aa: {  	v3 =	vor.u32 $0x3800, v0;
	v1 =	vld.idx.msk [tilespmem:v1+s17+$0x0], $0xffff  }
0x1ab: {  	v4 =	vadd.s32 v3, v2;
	_ =	sdelay $0x3  }
0x1ac: {  	[tilespmem:$0xC260] =	vst v1  }
0x1ad: {  	v1 =	vld.idx.msk [tilespmem:v4+s16+$0x0], $0xffff;
	v4 =	vor.u32 $0x3801, v0  }
0x1ae: {  	v5 =	vadd.s32 v4, v2;
	_ =	sdelay $0x3  }
0x1af: {  	[tilespmem:v3+s20+$0x0] =	vst.idx.msk $0xffff, v1  }
0x1b0: {  	v1 =	vld.idx.msk [tilespmem:v5+s16+$0x0], $0xffff;
	v5 =	vor.u32 $0x3802, v0  }
0x1b1: {  	v6 =	vadd.s32 v5, v2;
	_ =	sdelay $0x3  }
0x1b2: {  	[tilespmem:v4+s20+$0x0] =	vst.idx.msk $0xffff, v1  }
0x1b3: {  	v4 =	vor.u32 $0x3803, v0;
	v1 =	vld.idx.msk [tilespmem:v6+s16+$0x0], $0xffff  }
0x1b4: {  	v6 =	vadd.s32 v4, v2;
	_ =	sdelay $0x3  }
0x1b5: {  	[tilespmem:v5+s20+$0x0] =	vst.idx.msk $0xffff, v1  }
0x1b6: {  	v5 =	vor.u32 $0x3804, v0;
	v1 =	vld.idx.msk [tilespmem:v6+s16+$0x0], $0xffff  }
0x1b7: {  	v6 =	vadd.s32 v5, v2;
	_ =	sdelay $0x3  }
0x1b8: {  	[tilespmem:v4+s20+$0x0] =	vst.idx.msk $0xffff, v1  }
0x1b9: {  	v4 =	vor.u32 $0x3805, v0;
	v1 =	vld.idx.msk [tilespmem:v6+s16+$0x0], $0xffff  }
0x1ba: {  	v6 =	vadd.s32 v4, v2;
	_ =	sdelay $0x3  }
0x1bb: {  	[tilespmem:v5+s20+$0x0] =	vst.idx.msk $0xffff, v1  }
0x1bc: {  	v5 =	vor.u32 $0x3806, v0;
	v1 =	vld.idx.msk [tilespmem:v6+s16+$0x0], $0xffff  }
0x1bd: {  	v6 =	vadd.s32 v5, v2;
	_ =	sdelay $0x3  }
0x1be: {  	[tilespmem:v4+s20+$0x0] =	vst.idx.msk $0xffff, v1  }
0x1bf: {  	v4 =	vor.u32 $0x3807, v0;
	v1 =	vld.idx.msk [tilespmem:v6+s16+$0x0], $0xffff  }
0x1c0: {  	v6 =	vadd.s32 v4, v2;
	_ =	sdelay $0x3  }
0x1c1: {  	[tilespmem:v5+s20+$0x0] =	vst.idx.msk $0xffff, v1  }
0x1c2: {  	v5 =	vor.u32 $0x3808, v0;
	v1 =	vld.idx.msk [tilespmem:v6+s16+$0x0], $0xffff  }
0x1c3: {  	v6 =	vadd.s32 v5, v2;
	_ =	sdelay $0x3  }
0x1c4: {  	[tilespmem:v4+s20+$0x0] =	vst.idx.msk $0xffff, v1  }
0x1c5: {  	v4 =	vor.u32 $0x3809, v0;
	v1 =	vld.idx.msk [tilespmem:v6+s16+$0x0], $0xffff  }
0x1c6: {  	v6 =	vadd.s32 v4, v2;
	_ =	sdelay $0x3  }
0x1c7: {  	[tilespmem:v5+s20+$0x0] =	vst.idx.msk $0xffff, v1  }
0x1c8: {  	v5 =	vor.u32 $0x380A, v0;
	v1 =	vld.idx.msk [tilespmem:v6+s16+$0x0], $0xffff  }
0x1c9: {  	v6 =	vadd.s32 v5, v2;
	_ =	sdelay $0x3  }
0x1ca: {  	[tilespmem:v4+s20+$0x0] =	vst.idx.msk $0xffff, v1  }
0x1cb: {  	v4 =	vor.u32 $0x380B, v0;
	v1 =	vld.idx.msk [tilespmem:v6+s16+$0x0], $0xffff  }
0x1cc: {  	v6 =	vadd.s32 v4, v2;
	_ =	sdelay $0x3  }
0x1cd: {  	[tilespmem:v5+s20+$0x0] =	vst.idx.msk $0xffff, v1  }
0x1ce: {  	v5 =	vor.u32 $0x380C, v0;
	v1 =	vld.idx.msk [tilespmem:v6+s16+$0x0], $0xffff  }
0x1cf: {  	v6 =	vadd.s32 v5, v2;
	_ =	sdelay $0x3  }
0x1d0: {  	[tilespmem:v4+s20+$0x0] =	vst.idx.msk $0xffff, v1  }
0x1d1: {  	v4 =	vor.u32 $0x380D, v0;
	v1 =	vld.idx.msk [tilespmem:v6+s16+$0x0], $0xffff  }
0x1d2: {  	v6 =	vadd.s32 v4, v2;
	_ =	sdelay $0x3  }
0x1d3: {  	[tilespmem:v5+s20+$0x0] =	vst.idx.msk $0xffff, v1  }
0x1d4: {  	v5 =	vor.u32 $0x380E, v0;
	v1 =	vld.idx.msk [tilespmem:v6+s16+$0x0], $0xffff  }
0x1d5: {  	v6 =	vadd.s32 v5, v2;
	_ =	sdelay $0x3  }
0x1d6: {  	[tilespmem:v4+s20+$0x0] =	vst.idx.msk $0xffff, v1  }
0x1d7: {  	v4 =	vor.u32 $0x380F, v0;
	v1 =	vld.idx.msk [tilespmem:v6+s16+$0x0], $0xffff  }
0x1d8: {  	v2 =	vadd.s32 v4, v2;
	_ =	sdelay $0x3  }
0x1d9: {  	[tilespmem:v5+s20+$0x0] =	vst.idx.msk $0xffff, v1  }
0x1da: {  	v1 =	vld.idx.msk [tilespmem:v2+s16+$0x0], $0xffff;
	_ =	sdelay $0x4  }
0x1db: {  	[tilespmem:v4+s20+$0x0] =	vst.idx.msk $0xffff, v1  }
0x1dc: {  	v1 =	vld [tilespmem:$0x1F0];
	_ =	sdelay $0x4  }
0x1dd: {  	v1 =	vadd.s32 v3, v1;
	_ =	sdelay $0x4  }
0x1de: {  	v6 =	vmov v9;
	v1 =	vld.idx.msk [tilespmem:v1+s17+$0x0], $0xffff  }
0x1df: {  	v9 =	vmovc v12;
	v12 =	vmovc v15;
	v15 =	vmov v19;
	v19 =	vmov v7;
	v7 =	vmov v13  }
0x1e0: {  	v13 =	vmovc v17;
	v17 =	vmovc v20;
	v20 =	vmov v23;
	v23 =	vmov v26;
	v26 =	vmov v29  }
0x1e1: {  	v29 =	vmovc v33;
	v33 =	vmovc v36;
	v36 =	vmov v39;
	v39 =	vmov v42;
	v42 =	vmov v45  }
0x1e2: {  	v45 =	vmovc v49;
	v49 =	vmovc v57;
	v57 =	vmov v32;
	v32 =	vmov v52;
	v52 =	vmov v55  }
0x1e3: {  	v55 =	vld [tilespmem:$0x1FFE0];
	v5 =	vmovc v8;
	v8 =	vmovc v11;
	v11 =	vmov v14;
	v14 =	vmov v18;
	v18 =	vmov v21;
	[tilespmem:$0xC270] =	vst v1  }
0x1e4: {  	v21 =	vmovc v27;
	v27 =	vmovc v34;
	v34 =	vmov v40;
	v40 =	vmov v46;
	v46 =	vmov v53;
	v53 =	vld [tilespmem:$0x1FFD0];
	[hbm4b:s23+s1] =	stream.linear.scatter [tilespmem:s20], [sflag:$0x3], $0x4000, $0x38  }
0x1e5: {  	v4 =	vmov v10;
	v10 =	vmov v16;
	v16 =	vmov v56;
	v56 =	vld [tilespmem:$0x1FFF0];
	_ =	swait.ge [sflag:s12], $0x4000  }
0x1e6: {  	p0 =	sne.s32 s24, $0x190;
	[sflag:s12] =	ssyncset.done $0x0  }
.Ltmp0:
0x1e7: {  	s31 =	sadd.s32 s24, s7;
	[sflag:s12] =	ssyncadd.s32 $0xFFFFC000;
	(pc) =	sbr.rel @p0 .LBB2_2-.Ltmp0, $4  }
0x1e8: {  	[hbm4b:s31+s1] =	stream.linear.scatter [tilespmem:s21], [sflag:$0x3], $0x80, $0x38;
	[tilespmem:$0xC280] =	vst v63  }
0x1e9: {  	_ =	swait.ge [sflag:s12], $0x80  }
0x1ea: {  	[sflag:s12] =	ssyncset.done $0x0  }
0x1eb: {  	s24 =	sadd.s32 $0x10, s24;
	s23 =	sadd.s32 $0x800, s23;
	[sflag:s12] =	ssyncadd.s32 $0xFFFFFF80  }
0x1ec: {  	s22 =	sadd.s32 $0x1, s22  }
0x1ed: {  	p0 =	sne.s32 s22, s5  }
.Ltmp1:
0x1ee: {  	_ = 	snop;
	(pc) =	sbr.rel @p0 .LBB2_1-.Ltmp1, $1  }
0x1ef: {  	_ =	sdelay $0x3  }
0x1f0: {  	_ =	sfence.sel $0x180000  }
0x1f1: {  	[bflag:$0x0] =	sbarrier.arrive $0xFFFF  }
0x1f2: {  	p0 =	sne.s32 s2, $0x0;
	_ =	strace $0x90000047  }
0x1f3: {  	s0 =	sadd.s32 @!p0 $0x100000, s0;
	[bflag:$0x2] =	sbarrier.arrive $0xFFFF  }
0x1f4: {  	[sflag:s0] =	ssyncadd.tile.s32 @!p0 $0x1;
	_ =	shalt  }
.Lfunc_end2:
_tile_overlayer_lowered:
.L_overlay_start_2:
0x1f5: {  	(tag) =	ssettag $0x2  }
0x1f6: {  	s0 =	rddreg [dreg:$0x0];
	s2 =	stileid.u32  }
0x1f7: {  	s1 =	rddreg [dreg:$0x1];
	p0 =	sne.s32 s2, $0x0  }
0x1f8: {  	s3 =	rddreg [dreg:$0x2];
	[bflag:$0x3] =	sbarrier.arrive $0xFFFF;
	s2 =	simm.s32 @!p0 $0x1C03  }
0x1f9: {  	[timem:s3], [sflag:s2] =	dma.local @!p0 [hbm:s0], s1  }
0x1fa: {  	s0 =	simm.s32 @!p0 $0x3  }
0x1fb: {  	_ =	swait.ge @!p0 [sflag:s0], s1  }
0x1fc: {  	s1 =	ssub.s32 @!p0 $0x0, s1;
	[sflag:s0] =	ssyncset.done @!p0 $0x0  }
0x1fd: {  	[sflag:s0] =	ssyncadd.s32 @!p0 s1  }
0x1fe: {  	[bflag:$0x3] =	sbarrier.arrive $0xFFFF  }
0x1ff: {  	_ =	shalt  }

</sc_bundles>
